<compile_context>
chip_gen: v7x
topology: tpu7x:2x2x1
jax: 0.10.2.dev20260603
libtpu: 0.0.44.dev20260713+nightly
codegen_flags: <defaults>
</compile_context>

<pallas_src>
import functools

import jax
import jax.numpy as jnp
from jax import lax
from jax.experimental import pallas as pl
from jax.experimental.pallas import tpu as pltpu
from jax.experimental.pallas import tpu_sc as plsc

N_NODES = 10000
N_EDGES = 160000
D = 256
DH = 128

NPAD = 10240
ZROWS = NPAD // 16
CHUNK = 112
NCHUNK = 90
EPC = NCHUNK * CHUNK
EPAD = EPC * 16
RB = 3
IR = 6
UNROLL = 6
NOUTER = NCHUNK // UNROLL

BR = 2000


def _sc_agg_body(epk, ff, z2, z1, onesh,
                 aggl_o, aggr_o, deg0_o, deg1_o,
                 ev0, ev1, ev2, ev3, ev4, ev5,
                 rows0, rows1, rows2, ones_v,
                 agg_sh, deg_sh,
                 is0, is1, is2, is3, is4, is5,
                 gs0, gs1, gs2, ss0, ss1, ss2, dsem):
  cid = lax.axis_index("c")
  sid = lax.axis_index("s")
  r0 = sid * ZROWS
  ev = (ev0, ev1, ev2, ev3, ev4, ev5)
  rows = (rows0, rows1, rows2)
  isems = (is0, is1, is2, is3, is4, is5)
  gsems = (gs0, gs1, gs2)
  ssems = (ss0, ss1, ss2)


  def idx_start(i, b):
    pltpu.async_copy(epk.at[sid, i], ev[b], isems[b])

  def idx_wait(b):
    pltpu.make_async_copy(epk.at[0, 0], ev[b], isems[b]).wait()
    for j in range(CHUNK // 16):
      sl = pl.ds(j * 16, 16)
      ev[b][0, sl] = ev[b][0, sl] * 2 + cid

  def gather_start(i, b, ib):
    pltpu.async_copy(ff.at[ev[ib].at[0]], rows[b], gsems[b])

  def gather_wait(b, ib):
    pltpu.make_async_copy(ff.at[ev[ib].at[0]], rows[b], gsems[b]).wait()

  def scatter_start(b, ib):
    pltpu.async_copy(rows[b], agg_sh.at[ev[ib].at[1]], ssems[b], add=True)

  def scatter_wait(b, ib):
    pltpu.make_async_copy(rows[b], agg_sh.at[ev[ib].at[1]], ssems[b]).wait()

  def deg_start(core, ib):
    @pl.when(cid == core)
    def _():
      pltpu.async_copy(ones_v, deg_sh.at[ev[ib].at[1]], dsem, add=True)

  def deg_wait(core, ib):
    @pl.when(cid == core)
    def _():
      pltpu.make_async_copy(ones_v, deg_sh.at[ev[ib].at[1]], dsem).wait()

  idx_start(0, 0)
  idx_start(1, 1)
  pltpu.sync_copy(z2, agg_sh.at[pl.ds(r0, ZROWS)])
  pltpu.sync_copy(z1, deg_sh.at[pl.ds(r0, ZROWS)])
  pltpu.sync_copy(onesh, ones_v)
  idx_wait(0)
  gather_start(0, 0, 0)
  idx_wait(1)
  gather_start(1, 1, 1)
  plsc.subcore_barrier()

  def outer(g, carry):
    for u in range(UNROLL):
      i = g * UNROLL + u
      b3 = u % RB
      pb3 = (u + RB - 1) % RB
      pb6 = (u + IR - 1) % IR

      def guard(cond_first, fn):
        if cond_first:
          fn()
        else:
          pl.when(g > 0)(fn)

      guard(u >= 2, lambda: idx_wait(u))
      guard(u >= 3, lambda: scatter_wait(b3, (u + IR - 3) % IR))
      guard(u >= 2, lambda: gather_start(i, b3, u))
      guard(u >= 1, lambda: gather_wait(pb3, pb6))
      guard(u >= 1, lambda: scatter_start(pb3, pb6))
      dcore = (u + 1) % 2
      guard(u >= 3, lambda: deg_wait(dcore, (u + IR - 3) % IR))
      guard(u >= 1, lambda: deg_start(dcore, pb6))
      if u < 4:
        idx_start(i + 2, (u + 2) % IR)
      else:
        @pl.when(g < NOUTER - 1)
        def _():
          idx_start(i + 2, (u + 2) % IR)
    return carry

  lax.fori_loop(0, NOUTER, outer, 0)

  L = NCHUNK - 1
  gather_wait(L % RB, L % IR)
  scatter_wait((L - 2) % RB, (L - 2) % IR)
  scatter_start(L % RB, L % IR)
  deg_wait(0, (L - 1) % IR)
  deg_wait(1, (L - 2) % IR)
  deg_start(1, L % IR)
  deg_wait(1, L % IR)
  scatter_wait((L - 1) % RB, (L - 1) % IR)
  scatter_wait(L % RB, L % IR)

  plsc.subcore_barrier()

  @pl.when(cid == 0)
  def _():
    pltpu.sync_copy(agg_sh.at[pl.ds(r0, ZROWS)], aggl_o.at[pl.ds(r0, ZROWS)])
    pltpu.sync_copy(deg_sh.at[pl.ds(r0, ZROWS)], deg0_o.at[pl.ds(r0, ZROWS)])

  @pl.when(cid == 1)
  def _():
    pltpu.sync_copy(agg_sh.at[pl.ds(r0, ZROWS)], aggr_o.at[pl.ds(r0, ZROWS)])
    pltpu.sync_copy(deg_sh.at[pl.ds(r0, ZROWS)], deg1_o.at[pl.ds(r0, ZROWS)])


@functools.lru_cache(maxsize=None)
def _build_sc_agg():
  return pl.kernel(
      _sc_agg_body,
      out_type=(
          jax.ShapeDtypeStruct((NPAD, DH), jnp.float32),
          jax.ShapeDtypeStruct((NPAD, DH), jnp.float32),
          jax.ShapeDtypeStruct((NPAD,), jnp.float32),
          jax.ShapeDtypeStruct((NPAD,), jnp.float32),
      ),
      mesh=plsc.VectorSubcoreMesh(core_axis_name="c", subcore_axis_name="s"),
      scratch_types=(
          pltpu.VMEM((2, CHUNK), jnp.int32),
          pltpu.VMEM((2, CHUNK), jnp.int32),
          pltpu.VMEM((2, CHUNK), jnp.int32),
          pltpu.VMEM((2, CHUNK), jnp.int32),
          pltpu.VMEM((2, CHUNK), jnp.int32),
          pltpu.VMEM((2, CHUNK), jnp.int32),
          pltpu.VMEM((CHUNK, DH), jnp.float32),
          pltpu.VMEM((CHUNK, DH), jnp.float32),
          pltpu.VMEM((CHUNK, DH), jnp.float32),
          pltpu.VMEM((CHUNK,), jnp.float32),
          pltpu.VMEM_SHARED((NPAD, DH), jnp.float32),
          pltpu.VMEM_SHARED((NPAD,), jnp.float32),
          pltpu.SemaphoreType.DMA,
          pltpu.SemaphoreType.DMA,
          pltpu.SemaphoreType.DMA,
          pltpu.SemaphoreType.DMA,
          pltpu.SemaphoreType.DMA,
          pltpu.SemaphoreType.DMA,
          pltpu.SemaphoreType.DMA,
          pltpu.SemaphoreType.DMA,
          pltpu.SemaphoreType.DMA,
          pltpu.SemaphoreType.DMA,
          pltpu.SemaphoreType.DMA,
          pltpu.SemaphoreType.DMA,
          pltpu.SemaphoreType.DMA,
      ),
  )


def _tc_base_body(feat_ref, wr_ref, br_ref, ug_ref, bg_ref, un_ref, bn_ref,
                  base_ref, p1_ref):
  f = feat_ref[...]
  dot = functools.partial(jnp.dot, preferred_element_type=jnp.float32,
                          precision=lax.Precision.DEFAULT)
  lg = dot(f, wr_ref[...]) + br_ref[...]
  dlt = lg[:, 1:2] - lg[:, 0:1]
  p1 = 1.0 / (1.0 + jnp.exp(-dlt))
  p0 = 1.0 - p1
  base_ref[...] = (p0 * (dot(f, ug_ref[...]) + bg_ref[...])
                   + p1 * (dot(f, un_ref[...]) + bn_ref[...])).astype(jnp.bfloat16)
  p1_ref[...] = p1


_tc_base = pl.pallas_call(
    _tc_base_body,
    grid=(N_NODES // BR,),
    in_specs=[
        pl.BlockSpec((BR, D), lambda i: (i, 0)),
        pl.BlockSpec((D, 2), lambda i: (0, 0)),
        pl.BlockSpec((1, 2), lambda i: (0, 0)),
        pl.BlockSpec((D, D), lambda i: (0, 0)),
        pl.BlockSpec((1, D), lambda i: (0, 0)),
        pl.BlockSpec((D, D), lambda i: (0, 0)),
        pl.BlockSpec((1, D), lambda i: (0, 0)),
    ],
    out_specs=[
        pl.BlockSpec((BR, D), lambda i: (i, 0)),
        pl.BlockSpec((BR, 1), lambda i: (i, 0)),
    ],
    out_shape=[
        jax.ShapeDtypeStruct((N_NODES, D), jnp.bfloat16),
        jax.ShapeDtypeStruct((N_NODES, 1), jnp.float32),
    ],
)


def _tc_comb_body(aggl_ref, aggr_ref, deg0_ref, deg1_ref, base_ref, p1_ref,
                  wg_ref, wn_ref, out_ref):
  rdeg = 1.0 / jnp.maximum(deg0_ref[...] + deg1_ref[...], 1.0)
  al = aggl_ref[...] * rdeg
  ar = aggr_ref[...] * rdeg
  p1 = p1_ref[...]
  dot = functools.partial(jnp.dot, preferred_element_type=jnp.float32,
                          precision=lax.Precision.DEFAULT)
  gcn = dot(al, wg_ref[0:DH, :]) + dot(ar, wg_ref[DH:D, :])
  ncn = jnp.maximum(dot(al, wn_ref[0:DH, :]) + dot(ar, wn_ref[DH:D, :]), 0.0)
  out_ref[...] = (base_ref[...].astype(jnp.float32)
                  + (1.0 - p1) * gcn + p1 * ncn)


_tc_comb = pl.pallas_call(
    _tc_comb_body,
    grid=(N_NODES // BR,),
    in_specs=[
        pl.BlockSpec((BR, DH), lambda i: (i, 0)),
        pl.BlockSpec((BR, DH), lambda i: (i, 0)),
        pl.BlockSpec((BR, 1), lambda i: (i, 0)),
        pl.BlockSpec((BR, 1), lambda i: (i, 0)),
        pl.BlockSpec((BR, D), lambda i: (i, 0)),
        pl.BlockSpec((BR, 1), lambda i: (i, 0)),
        pl.BlockSpec((D, D), lambda i: (0, 0)),
        pl.BlockSpec((D, D), lambda i: (0, 0)),
    ],
    out_specs=pl.BlockSpec((BR, D), lambda i: (i, 0)),
    out_shape=jax.ShapeDtypeStruct((N_NODES, D), jnp.float32),
)


def kernel(feat, edge_index, W_r, b_r, W_gcn, U_gcn, b_gcn, W_ncn, U_ncn, b_ncn):
  src = edge_index[0]
  dst = edge_index[1]

  pad = EPAD - N_EDGES
  srcp = jnp.concatenate(
      [src, jnp.zeros((pad,), jnp.int32)]).reshape(16, NCHUNK, 1, CHUNK)
  dstp = jnp.concatenate(
      [dst, jnp.full((pad,), N_NODES, jnp.int32)]).reshape(16, NCHUNK, 1, CHUNK)
  epk = jnp.concatenate([srcp, dstp], axis=2)

  ff = feat.reshape(2 * N_NODES, DH)

  z2 = jnp.zeros((ZROWS, DH), jnp.float32)
  z1 = jnp.zeros((ZROWS,), jnp.float32)
  onesh = jnp.ones((CHUNK,), jnp.float32)

  aggl, aggr, deg0, deg1 = _build_sc_agg()(epk, ff, z2, z1, onesh)

  base, p1 = _tc_base(feat, W_r, b_r.reshape(1, 2), U_gcn, b_gcn.reshape(1, D),
                      U_ncn, b_ncn.reshape(1, D))

  out = _tc_comb(aggl, aggr, deg0.reshape(NPAD, 1), deg1.reshape(NPAD, 1),
                 base, p1, W_gcn, W_ncn)
  return out

# --- scband reference (transcript-rebuilt; emitter-appended) ---
"""Pipeline reference for scband-mo-ecombined-ncnlayer-18253611008507 (READ-ONLY COPY).

The authoritative reference and input builder live on the scoring server;
editing this copy changes nothing except your own understanding.
"""

import jax, jax.numpy as jnp
import numpy as np

N_NODES = 10000
N_EDGES = 160000
D = 256

def setup_inputs(seed: int = 0) -> dict:
    key = jax.random.key(seed)
    ks = jax.random.split(key, 11)
    feat = jax.random.normal(ks[0], (N_NODES, D), dtype=jnp.float32)
    edge_index = jax.random.randint(ks[1], (2, N_EDGES), 0, N_NODES, dtype=jnp.int32)
    s = 1.0 / np.sqrt(D)
    W_r = jax.random.normal(ks[2], (D, 2), dtype=jnp.float32) * s
    b_r = jnp.zeros((2,), dtype=jnp.float32)
    W_gcn = jax.random.normal(ks[3], (D, D), dtype=jnp.float32) * s
    U_gcn = jax.random.normal(ks[4], (D, D), dtype=jnp.float32) * s
    b_gcn = jnp.zeros((D,), dtype=jnp.float32)
    W_ncn = jax.random.normal(ks[5], (D, D), dtype=jnp.float32) * s
    U_ncn = jax.random.normal(ks[6], (D, D), dtype=jnp.float32) * s
    b_ncn = jnp.zeros((D,), dtype=jnp.float32)
    return {"feat": feat, "edge_index": edge_index, "W_r": W_r, "b_r": b_r,
            "W_gcn": W_gcn, "U_gcn": U_gcn, "b_gcn": b_gcn,
            "W_ncn": W_ncn, "U_ncn": U_ncn, "b_ncn": b_ncn}

def reference(feat, edge_index, W_r, b_r, W_gcn, U_gcn, b_gcn, W_ncn, U_ncn, b_ncn):
    N = feat.shape[0]
    src = edge_index[0]
    dst = edge_index[1]
    # shared mean-neighborhood aggregation (gather + scatter-add)
    msgs = jnp.take(feat, src, axis=0)
    agg = jax.ops.segment_sum(msgs, dst, num_segments=N)
    deg = jax.ops.segment_sum(jnp.ones((src.shape[0],), jnp.float32), dst, num_segments=N)
    agg = agg / jnp.clip(deg, 1.0)[:, None]
    # expert 0: GCN-style layer
    gcn_out = agg @ W_gcn + feat @ U_gcn + b_gcn
    # expert 1: NCN-style layer (nonlinear neighborhood transform)
    ncn_out = jax.nn.relu(agg @ W_ncn) + feat @ U_ncn + b_ncn
    # router (eval mode: no noise; top_k == num_experts -> full softmax)
    router_logits = feat @ W_r + b_r
    router_probs_full = jax.nn.softmax(router_logits, axis=-1)
    expert_outputs = jnp.stack([gcn_out, ncn_out], axis=1)  # [N, 2, D]
    weights = router_probs_full[:, :, None]
    output = (expert_outputs * weights).sum(axis=1)
    return output

if __name__ == "__main__":
    import jax
    _d = setup_inputs()
    print(jax.jit(kernel)(*tuple(_d.values())))

</pallas_src>

<mosaic_0001>
#map = affine_map<(d0, d1) -> (0, 0, 0, 0)>
#map1 = affine_map<(d0, d1) -> (0, 0)>
#map2 = affine_map<(d0, d1) -> (0)>
module attributes {stable_mosaic.version = 14 : i64} {
  func.func @_sc_agg_body(%arg0: i32, %arg1: i32, %arg2: memref<16x90x2x112xi32, #tpu.memory_space<hbm>>, %arg3: memref<20000x128xf32, #tpu.memory_space<hbm>>, %arg4: memref<640x128xf32, #tpu.memory_space<hbm>>, %arg5: memref<640xf32, #tpu.memory_space<hbm>>, %arg6: memref<112xf32, #tpu.memory_space<hbm>>, %arg7: memref<10240x128xf32, #tpu.memory_space<hbm>>, %arg8: memref<10240x128xf32, #tpu.memory_space<hbm>>, %arg9: memref<10240xf32, #tpu.memory_space<hbm>>, %arg10: memref<10240xf32, #tpu.memory_space<hbm>>, %arg11: memref<2x112xi32, #tpu.memory_space<vmem>>, %arg12: memref<2x112xi32, #tpu.memory_space<vmem>>, %arg13: memref<2x112xi32, #tpu.memory_space<vmem>>, %arg14: memref<2x112xi32, #tpu.memory_space<vmem>>, %arg15: memref<2x112xi32, #tpu.memory_space<vmem>>, %arg16: memref<2x112xi32, #tpu.memory_space<vmem>>, %arg17: memref<112x128xf32, #tpu.memory_space<vmem>>, %arg18: memref<112x128xf32, #tpu.memory_space<vmem>>, %arg19: memref<112x128xf32, #tpu.memory_space<vmem>>, %arg20: memref<112xf32, #tpu.memory_space<vmem>>, %arg21: memref<10240x128xf32, #tpu.memory_space<vmem_shared>>, %arg22: memref<10240xf32, #tpu.memory_space<vmem_shared>>, %arg23: memref<!tpu.dma_semaphore, #tpu.memory_space<semaphore_mem>>, %arg24: memref<!tpu.dma_semaphore, #tpu.memory_space<semaphore_mem>>, %arg25: memref<!tpu.dma_semaphore, #tpu.memory_space<semaphore_mem>>, %arg26: memref<!tpu.dma_semaphore, #tpu.memory_space<semaphore_mem>>, %arg27: memref<!tpu.dma_semaphore, #tpu.memory_space<semaphore_mem>>, %arg28: memref<!tpu.dma_semaphore, #tpu.memory_space<semaphore_mem>>, %arg29: memref<!tpu.dma_semaphore, #tpu.memory_space<semaphore_mem>>, %arg30: memref<!tpu.dma_semaphore, #tpu.memory_space<semaphore_mem>>, %arg31: memref<!tpu.dma_semaphore, #tpu.memory_space<semaphore_mem>>, %arg32: memref<!tpu.dma_semaphore, #tpu.memory_space<semaphore_mem>>, %arg33: memref<!tpu.dma_semaphore, #tpu.memory_space<semaphore_mem>>, %arg34: memref<!tpu.dma_semaphore, #tpu.memory_space<semaphore_mem>>, %arg35: memref<!tpu.dma_semaphore, #tpu.memory_space<semaphore_mem>>) attributes {dimension_semantics = [#tpu.dimension_semantics<core_parallel>, #tpu.dimension_semantics<subcore_parallel>], iteration_bounds = array<i64: 2, 16>, scalar_prefetch = 0 : i64, scratch_operands = 25 : i64, tpu.core_type = #tpu.core_type<sc_vector_subcore>, window_params = [{transform_indices = #map}, {transform_indices = #map1}, {transform_indices = #map1}, {transform_indices = #map2}, {transform_indices = #map2}, {transform_indices = #map1}, {transform_indices = #map1}, {transform_indices = #map2}, {transform_indices = #map2}]} {
    %mul3A = arith.constant 640 : i32
    %mul3A_0 = arith.muli %arg1, %mul3A : i32
    %dma_start3A = arith.constant 0 : i32
    %dma_start3A_1 = arith.constant 0 : i32
    %dma_start3A_2 = arith.constant 0 : i32
    %dma_start3A_3 = tpu.memref_slice %arg2[%arg1, %dma_start3A, %dma_start3A_1, %dma_start3A_2] : memref<16x90x2x112xi32, #tpu.memory_space<hbm>> -> memref<1x1x2x112xi32, #tpu.memory_space<hbm>>
    %dma_start3A_4 = tpu.memref_squeeze %dma_start3A_3 : memref<1x1x2x112xi32, #tpu.memory_space<hbm>> -> memref<2x112xi32, #tpu.memory_space<hbm>>
    %dma_start3A_5 = arith.constant 0 : i32
    %dma_start3A_6 = arith.constant 0 : i32
    %dma_start3A_7 = tpu.memref_slice %arg2[%arg1, %dma_start3A, %dma_start3A_5, %dma_start3A_6] : memref<16x90x2x112xi32, #tpu.memory_space<hbm>> -> memref<1x1x2x112xi32, #tpu.memory_space<hbm>>
    %dma_start3A_8 = tpu.memref_squeeze %dma_start3A_7 : memref<1x1x2x112xi32, #tpu.memory_space<hbm>> -> memref<2x112xi32, #tpu.memory_space<hbm>>
    tpu.enqueue_dma source(%dma_start3A_8 : memref<2x112xi32, #tpu.memory_space<hbm>>) target(%arg11 : memref<2x112xi32, #tpu.memory_space<vmem>>) target_semaphore(%arg23 : memref<!tpu.dma_semaphore, #tpu.memory_space<semaphore_mem>>)
    %dma_start3A_9 = arith.constant 1 : i32
    %dma_start3A_10 = arith.constant 0 : i32
    %dma_start3A_11 = arith.constant 0 : i32
    %dma_start3A_12 = tpu.memref_slice %arg2[%arg1, %dma_start3A_9, %dma_start3A_10, %dma_start3A_11] : memref<16x90x2x112xi32, #tpu.memory_space<hbm>> -> memref<1x1x2x112xi32, #tpu.memory_space<hbm>>
    %dma_start3A_13 = tpu.memref_squeeze %dma_start3A_12 : memref<1x1x2x112xi32, #tpu.memory_space<hbm>> -> memref<2x112xi32, #tpu.memory_space<hbm>>
    %dma_start3A_14 = arith.constant 0 : i32
    %dma_start3A_15 = arith.constant 0 : i32
    %dma_start3A_16 = tpu.memref_slice %arg2[%arg1, %dma_start3A_9, %dma_start3A_14, %dma_start3A_15] : memref<16x90x2x112xi32, #tpu.memory_space<hbm>> -> memref<1x1x2x112xi32, #tpu.memory_space<hbm>>
    %dma_start3A_17 = tpu.memref_squeeze %dma_start3A_16 : memref<1x1x2x112xi32, #tpu.memory_space<hbm>> -> memref<2x112xi32, #tpu.memory_space<hbm>>
    tpu.enqueue_dma source(%dma_start3A_17 : memref<2x112xi32, #tpu.memory_space<hbm>>) target(%arg12 : memref<2x112xi32, #tpu.memory_space<vmem>>) target_semaphore(%arg24 : memref<!tpu.dma_semaphore, #tpu.memory_space<semaphore_mem>>)
    "tpu.region"() ({
      %run_scoped3A = tpu.sem_alloc : memref<!tpu.dma_semaphore, #tpu.memory_space<semaphore_mem>>
      %dma_start3A_340 = arith.constant 0 : i32
      %dma_start3A_341 = tpu.memref_slice %arg21[%mul3A_0, %dma_start3A_340] : memref<10240x128xf32, #tpu.memory_space<vmem_shared>> -> memref<640x128xf32, #tpu.memory_space<vmem_shared>>
      tpu.enqueue_dma source(%arg4 : memref<640x128xf32, #tpu.memory_space<hbm>>) target(%dma_start3A_341 : memref<640x128xf32, #tpu.memory_space<vmem_shared>>) target_semaphore(%run_scoped3A : memref<!tpu.dma_semaphore, #tpu.memory_space<semaphore_mem>>)
      %dma_wait3A_342 = arith.constant 0 : i32
      %dma_wait3A_343 = tpu.memref_slice %arg21[%mul3A_0, %dma_wait3A_342] : memref<10240x128xf32, #tpu.memory_space<vmem_shared>> -> memref<640x128xf32, #tpu.memory_space<vmem_shared>>
      tpu.wait_dma2 semaphore(%run_scoped3A : memref<!tpu.dma_semaphore, #tpu.memory_space<semaphore_mem>>) src(%arg4 : memref<640x128xf32, #tpu.memory_space<hbm>>) dst(%dma_wait3A_343 : memref<640x128xf32, #tpu.memory_space<vmem_shared>>)
      tpu.yield
    }) : () -> ()
    "tpu.region"() ({
      %run_scoped3A = tpu.sem_alloc : memref<!tpu.dma_semaphore, #tpu.memory_space<semaphore_mem>>
      %dma_start3A_340 = tpu.memref_slice %arg22[%mul3A_0] : memref<10240xf32, #tpu.memory_space<vmem_shared>> -> memref<640xf32, #tpu.memory_space<vmem_shared>>
      tpu.enqueue_dma source(%arg5 : memref<640xf32, #tpu.memory_space<hbm>>) target(%dma_start3A_340 : memref<640xf32, #tpu.memory_space<vmem_shared>>) target_semaphore(%run_scoped3A : memref<!tpu.dma_semaphore, #tpu.memory_space<semaphore_mem>>)
      %dma_wait3A_341 = tpu.memref_slice %arg22[%mul3A_0] : memref<10240xf32, #tpu.memory_space<vmem_shared>> -> memref<640xf32, #tpu.memory_space<vmem_shared>>
      tpu.wait_dma2 semaphore(%run_scoped3A : memref<!tpu.dma_semaphore, #tpu.memory_space<semaphore_mem>>) src(%arg5 : memref<640xf32, #tpu.memory_space<hbm>>) dst(%dma_wait3A_341 : memref<640xf32, #tpu.memory_space<vmem_shared>>)
      tpu.yield
    }) : () -> ()
    "tpu.region"() ({
      %run_scoped3A = tpu.sem_alloc : memref<!tpu.dma_semaphore, #tpu.memory_space<semaphore_mem>>
      tpu.enqueue_dma source(%arg6 : memref<112xf32, #tpu.memory_space<hbm>>) target(%arg20 : memref<112xf32, #tpu.memory_space<vmem>>) target_semaphore(%run_scoped3A : memref<!tpu.dma_semaphore, #tpu.memory_space<semaphore_mem>>)
      tpu.wait_dma2 semaphore(%run_scoped3A : memref<!tpu.dma_semaphore, #tpu.memory_space<semaphore_mem>>) src(%arg6 : memref<112xf32, #tpu.memory_space<hbm>>) dst(%arg20 : memref<112xf32, #tpu.memory_space<vmem>>)
      tpu.yield
    }) : () -> ()
    %dma_wait3A = arith.constant 0 : i32
    %dma_wait3A_18 = arith.constant 0 : i32
    %dma_wait3A_19 = arith.constant 0 : i32
    %dma_wait3A_20 = arith.constant 0 : i32
    %dma_wait3A_21 = tpu.memref_slice %arg2[%dma_wait3A, %dma_wait3A_18, %dma_wait3A_19, %dma_wait3A_20] : memref<16x90x2x112xi32, #tpu.memory_space<hbm>> -> memref<1x1x2x112xi32, #tpu.memory_space<hbm>>
    %dma_wait3A_22 = tpu.memref_squeeze %dma_wait3A_21 : memref<1x1x2x112xi32, #tpu.memory_space<hbm>> -> memref<2x112xi32, #tpu.memory_space<hbm>>
    %dma_wait3A_23 = arith.constant 0 : i32
    %dma_wait3A_24 = arith.constant 0 : i32
    %dma_wait3A_25 = tpu.memref_slice %arg2[%dma_wait3A, %dma_wait3A_18, %dma_wait3A_23, %dma_wait3A_24] : memref<16x90x2x112xi32, #tpu.memory_space<hbm>> -> memref<1x1x2x112xi32, #tpu.memory_space<hbm>>
    %dma_wait3A_26 = tpu.memref_squeeze %dma_wait3A_25 : memref<1x1x2x112xi32, #tpu.memory_space<hbm>> -> memref<2x112xi32, #tpu.memory_space<hbm>>
    tpu.wait_dma2 semaphore(%arg23 : memref<!tpu.dma_semaphore, #tpu.memory_space<semaphore_mem>>) src(%dma_wait3A_26 : memref<2x112xi32, #tpu.memory_space<hbm>>) dst(%arg11 : memref<2x112xi32, #tpu.memory_space<vmem>>)
    %get3A = arith.constant 0 : i32
    %get3A_27 = arith.index_cast %get3A : i32 to index
    %get3A_28 = arith.constant 0 : index
    %get3A_29 = tpu.vector_load %arg11[%get3A_27, %get3A_28] {strides = array<i32>} : memref<2x112xi32, #tpu.memory_space<vmem>>, vector<1x16xi32>,
    %get3A_30 = vector.shape_cast %get3A_29 : vector<1x16xi32> to vector<16xi32>
    %mul3A_31 = arith.constant 2 : i32
    %mul3A_32 = vector.broadcast %mul3A_31 : i32 to vector<16xi32>
    %mul3A_33 = arith.muli %get3A_30, %mul3A_32 : vector<16xi32>
    %add3A = vector.broadcast %arg0 : i32 to vector<16xi32>
    %add3A_34 = arith.addi %mul3A_33, %add3A : vector<16xi32>
    %swap3A = arith.constant 0 : i32
    %swap3A_35 = arith.index_cast %swap3A : i32 to index
    %swap3A_36 = arith.constant 0 : index
    %swap3A_37 = tpu.vector_load %arg11[%swap3A_35, %swap3A_36] {strides = array<i32>} : memref<2x112xi32, #tpu.memory_space<vmem>>, vector<1x16xi32>,
    %swap3A_38 = vector.shape_cast %swap3A_37 : vector<1x16xi32> to vector<16xi32>
    %swap3A_39 = vector.shape_cast %add3A_34 : vector<16xi32> to vector<1x16xi32>
    tpu.vector_store %arg11[%swap3A_35, %swap3A_36], %swap3A_39 {strides = array<i32>} : memref<2x112xi32, #tpu.memory_space<vmem>>, vector<1x16xi32>,
    %get3A_40 = arith.constant 0 : i32
    %get3A_41 = arith.index_cast %get3A_40 : i32 to index
    %get3A_42 = arith.constant 16 : index
    %get3A_43 = tpu.vector_load %arg11[%get3A_41, %get3A_42] {strides = array<i32>} : memref<2x112xi32, #tpu.memory_space<vmem>>, vector<1x16xi32>,
    %get3A_44 = vector.shape_cast %get3A_43 : vector<1x16xi32> to vector<16xi32>
    %mul3A_45 = arith.constant 2 : i32
    %mul3A_46 = vector.broadcast %mul3A_45 : i32 to vector<16xi32>
    %mul3A_47 = arith.muli %get3A_44, %mul3A_46 : vector<16xi32>
    %add3A_48 = vector.broadcast %arg0 : i32 to vector<16xi32>
    %add3A_49 = arith.addi %mul3A_47, %add3A_48 : vector<16xi32>
    %swap3A_50 = arith.constant 0 : i32
    %swap3A_51 = arith.index_cast %swap3A_50 : i32 to index
    %swap3A_52 = arith.constant 16 : index
    %swap3A_53 = tpu.vector_load %arg11[%swap3A_51, %swap3A_52] {strides = array<i32>} : memref<2x112xi32, #tpu.memory_space<vmem>>, vector<1x16xi32>,
    %swap3A_54 = vector.shape_cast %swap3A_53 : vector<1x16xi32> to vector<16xi32>
    %swap3A_55 = vector.shape_cast %add3A_49 : vector<16xi32> to vector<1x16xi32>
    tpu.vector_store %arg11[%swap3A_51, %swap3A_52], %swap3A_55 {strides = array<i32>} : memref<2x112xi32, #tpu.memory_space<vmem>>, vector<1x16xi32>,
    %get3A_56 = arith.constant 0 : i32
    %get3A_57 = arith.index_cast %get3A_56 : i32 to index
    %get3A_58 = arith.constant 32 : index
    %get3A_59 = tpu.vector_load %arg11[%get3A_57, %get3A_58] {strides = array<i32>} : memref<2x112xi32, #tpu.memory_space<vmem>>, vector<1x16xi32>,
    %get3A_60 = vector.shape_cast %get3A_59 : vector<1x16xi32> to vector<16xi32>
    %mul3A_61 = arith.constant 2 : i32
    %mul3A_62 = vector.broadcast %mul3A_61 : i32 to vector<16xi32>
    %mul3A_63 = arith.muli %get3A_60, %mul3A_62 : vector<16xi32>
    %add3A_64 = vector.broadcast %arg0 : i32 to vector<16xi32>
    %add3A_65 = arith.addi %mul3A_63, %add3A_64 : vector<16xi32>
    %swap3A_66 = arith.constant 0 : i32
    %swap3A_67 = arith.index_cast %swap3A_66 : i32 to index
    %swap3A_68 = arith.constant 32 : index
    %swap3A_69 = tpu.vector_load %arg11[%swap3A_67, %swap3A_68] {strides = array<i32>} : memref<2x112xi32, #tpu.memory_space<vmem>>, vector<1x16xi32>,
    %swap3A_70 = vector.shape_cast %swap3A_69 : vector<1x16xi32> to vector<16xi32>
    %swap3A_71 = vector.shape_cast %add3A_65 : vector<16xi32> to vector<1x16xi32>
    tpu.vector_store %arg11[%swap3A_67, %swap3A_68], %swap3A_71 {strides = array<i32>} : memref<2x112xi32, #tpu.memory_space<vmem>>, vector<1x16xi32>,
    %get3A_72 = arith.constant 0 : i32
    %get3A_73 = arith.index_cast %get3A_72 : i32 to index
    %get3A_74 = arith.constant 48 : index
    %get3A_75 = tpu.vector_load %arg11[%get3A_73, %get3A_74] {strides = array<i32>} : memref<2x112xi32, #tpu.memory_space<vmem>>, vector<1x16xi32>,
    %get3A_76 = vector.shape_cast %get3A_75 : vector<1x16xi32> to vector<16xi32>
    %mul3A_77 = arith.constant 2 : i32
    %mul3A_78 = vector.broadcast %mul3A_77 : i32 to vector<16xi32>
    %mul3A_79 = arith.muli %get3A_76, %mul3A_78 : vector<16xi32>
    %add3A_80 = vector.broadcast %arg0 : i32 to vector<16xi32>
    %add3A_81 = arith.addi %mul3A_79, %add3A_80 : vector<16xi32>
    %swap3A_82 = arith.constant 0 : i32
    %swap3A_83 = arith.index_cast %swap3A_82 : i32 to index
    %swap3A_84 = arith.constant 48 : index
    %swap3A_85 = tpu.vector_load %arg11[%swap3A_83, %swap3A_84] {strides = array<i32>} : memref<2x112xi32, #tpu.memory_space<vmem>>, vector<1x16xi32>,
    %swap3A_86 = vector.shape_cast %swap3A_85 : vector<1x16xi32> to vector<16xi32>
    %swap3A_87 = vector.shape_cast %add3A_81 : vector<16xi32> to vector<1x16xi32>
    tpu.vector_store %arg11[%swap3A_83, %swap3A_84], %swap3A_87 {strides = array<i32>} : memref<2x112xi32, #tpu.memory_space<vmem>>, vector<1x16xi32>,
    %get3A_88 = arith.constant 0 : i32
    %get3A_89 = arith.index_cast %get3A_88 : i32 to index
    %get3A_90 = arith.constant 64 : index
    %get3A_91 = tpu.vector_load %arg11[%get3A_89, %get3A_90] {strides = array<i32>} : memref<2x112xi32, #tpu.memory_space<vmem>>, vector<1x16xi32>,
    %get3A_92 = vector.shape_cast %get3A_91 : vector<1x16xi32> to vector<16xi32>
    %mul3A_93 = arith.constant 2 : i32
    %mul3A_94 = vector.broadcast %mul3A_93 : i32 to vector<16xi32>
    %mul3A_95 = arith.muli %get3A_92, %mul3A_94 : vector<16xi32>
    %add3A_96 = vector.broadcast %arg0 : i32 to vector<16xi32>
    %add3A_97 = arith.addi %mul3A_95, %add3A_96 : vector<16xi32>
    %swap3A_98 = arith.constant 0 : i32
    %swap3A_99 = arith.index_cast %swap3A_98 : i32 to index
    %swap3A_100 = arith.constant 64 : index
    %swap3A_101 = tpu.vector_load %arg11[%swap3A_99, %swap3A_100] {strides = array<i32>} : memref<2x112xi32, #tpu.memory_space<vmem>>, vector<1x16xi32>,
    %swap3A_102 = vector.shape_cast %swap3A_101 : vector<1x16xi32> to vector<16xi32>
    %swap3A_103 = vector.shape_cast %add3A_97 : vector<16xi32> to vector<1x16xi32>
    tpu.vector_store %arg11[%swap3A_99, %swap3A_100], %swap3A_103 {strides = array<i32>} : memref<2x112xi32, #tpu.memory_space<vmem>>, vector<1x16xi32>,
    %get3A_104 = arith.constant 0 : i32
    %get3A_105 = arith.index_cast %get3A_104 : i32 to index
    %get3A_106 = arith.constant 80 : index
    %get3A_107 = tpu.vector_load %arg11[%get3A_105, %get3A_106] {strides = array<i32>} : memref<2x112xi32, #tpu.memory_space<vmem>>, vector<1x16xi32>,
    %get3A_108 = vector.shape_cast %get3A_107 : vector<1x16xi32> to vector<16xi32>
    %mul3A_109 = arith.constant 2 : i32
    %mul3A_110 = vector.broadcast %mul3A_109 : i32 to vector<16xi32>
    %mul3A_111 = arith.muli %get3A_108, %mul3A_110 : vector<16xi32>
    %add3A_112 = vector.broadcast %arg0 : i32 to vector<16xi32>
    %add3A_113 = arith.addi %mul3A_111, %add3A_112 : vector<16xi32>
    %swap3A_114 = arith.constant 0 : i32
    %swap3A_115 = arith.index_cast %swap3A_114 : i32 to index
    %swap3A_116 = arith.constant 80 : index
    %swap3A_117 = tpu.vector_load %arg11[%swap3A_115, %swap3A_116] {strides = array<i32>} : memref<2x112xi32, #tpu.memory_space<vmem>>, vector<1x16xi32>,
    %swap3A_118 = vector.shape_cast %swap3A_117 : vector<1x16xi32> to vector<16xi32>
    %swap3A_119 = vector.shape_cast %add3A_113 : vector<16xi32> to vector<1x16xi32>
    tpu.vector_store %arg11[%swap3A_115, %swap3A_116], %swap3A_119 {strides = array<i32>} : memref<2x112xi32, #tpu.memory_space<vmem>>, vector<1x16xi32>,
    %get3A_120 = arith.constant 0 : i32
    %get3A_121 = arith.index_cast %get3A_120 : i32 to index
    %get3A_122 = arith.constant 96 : index
    %get3A_123 = tpu.vector_load %arg11[%get3A_121, %get3A_122] {strides = array<i32>} : memref<2x112xi32, #tpu.memory_space<vmem>>, vector<1x16xi32>,
    %get3A_124 = vector.shape_cast %get3A_123 : vector<1x16xi32> to vector<16xi32>
    %mul3A_125 = arith.constant 2 : i32
    %mul3A_126 = vector.broadcast %mul3A_125 : i32 to vector<16xi32>
    %mul3A_127 = arith.muli %get3A_124, %mul3A_126 : vector<16xi32>
    %add3A_128 = vector.broadcast %arg0 : i32 to vector<16xi32>
    %add3A_129 = arith.addi %mul3A_127, %add3A_128 : vector<16xi32>
    %swap3A_130 = arith.constant 0 : i32
    %swap3A_131 = arith.index_cast %swap3A_130 : i32 to index
    %swap3A_132 = arith.constant 96 : index
    %swap3A_133 = tpu.vector_load %arg11[%swap3A_131, %swap3A_132] {strides = array<i32>} : memref<2x112xi32, #tpu.memory_space<vmem>>, vector<1x16xi32>,
    %swap3A_134 = vector.shape_cast %swap3A_133 : vector<1x16xi32> to vector<16xi32>
    %swap3A_135 = vector.shape_cast %add3A_129 : vector<16xi32> to vector<1x16xi32>
    tpu.vector_store %arg11[%swap3A_131, %swap3A_132], %swap3A_135 {strides = array<i32>} : memref<2x112xi32, #tpu.memory_space<vmem>>, vector<1x16xi32>,
    %dma_start3A_136 = arith.constant 0 : i32
    %dma_start3A_137 = arith.constant 0 : i32
    %dma_start3A_138 = tpu.memref_slice %arg11[%dma_start3A_136, %dma_start3A_137] : memref<2x112xi32, #tpu.memory_space<vmem>> -> memref<1x112xi32, #tpu.memory_space<vmem>>
    %dma_start3A_139 = tpu.memref_squeeze %dma_start3A_138 : memref<1x112xi32, #tpu.memory_space<vmem>> -> memref<112xi32, #tpu.memory_space<vmem>>
    %dma_start3A_140 = arith.constant 0 : i32
    %dma_start3A_141 = arith.constant 0 : i32
    %dma_start3A_142 = tpu.memref_slice %arg3[%dma_start3A_140, %dma_start3A_141] : memref<20000x128xf32, #tpu.memory_space<hbm>> -> memref<20000x128xf32, #tpu.memory_space<hbm>>
    tpu.enqueue_indirect_dma source(%dma_start3A_142 : memref<20000x128xf32, #tpu.memory_space<hbm>>) target(%arg17 : memref<112x128xf32, #tpu.memory_space<vmem>>) offsets(%dma_start3A_139 : memref<112xi32, #tpu.memory_space<vmem>>) semaphore(%arg29 : memref<!tpu.dma_semaphore, #tpu.memory_space<semaphore_mem>>)
    %dma_wait3A_143 = arith.constant 0 : i32
    %dma_wait3A_144 = arith.constant 0 : i32
    %dma_wait3A_145 = arith.constant 0 : i32
    %dma_wait3A_146 = arith.constant 0 : i32
    %dma_wait3A_147 = tpu.memref_slice %arg2[%dma_wait3A_143, %dma_wait3A_144, %dma_wait3A_145, %dma_wait3A_146] : memref<16x90x2x112xi32, #tpu.memory_space<hbm>> -> memref<1x1x2x112xi32, #tpu.memory_space<hbm>>
    %dma_wait3A_148 = tpu.memref_squeeze %dma_wait3A_147 : memref<1x1x2x112xi32, #tpu.memory_space<hbm>> -> memref<2x112xi32, #tpu.memory_space<hbm>>
    %dma_wait3A_149 = arith.constant 0 : i32
    %dma_wait3A_150 = arith.constant 0 : i32
    %dma_wait3A_151 = tpu.memref_slice %arg2[%dma_wait3A_143, %dma_wait3A_144, %dma_wait3A_149, %dma_wait3A_150] : memref<16x90x2x112xi32, #tpu.memory_space<hbm>> -> memref<1x1x2x112xi32, #tpu.memory_space<hbm>>
    %dma_wait3A_152 = tpu.memref_squeeze %dma_wait3A_151 : memref<1x1x2x112xi32, #tpu.memory_space<hbm>> -> memref<2x112xi32, #tpu.memory_space<hbm>>
    tpu.wait_dma2 semaphore(%arg24 : memref<!tpu.dma_semaphore, #tpu.memory_space<semaphore_mem>>) src(%dma_wait3A_152 : memref<2x112xi32, #tpu.memory_space<hbm>>) dst(%arg12 : memref<2x112xi32, #tpu.memory_space<vmem>>)
    %get3A_153 = arith.constant 0 : i32
    %get3A_154 = arith.index_cast %get3A_153 : i32 to index
    %get3A_155 = arith.constant 0 : index
    %get3A_156 = tpu.vector_load %arg12[%get3A_154, %get3A_155] {strides = array<i32>} : memref<2x112xi32, #tpu.memory_space<vmem>>, vector<1x16xi32>,
    %get3A_157 = vector.shape_cast %get3A_156 : vector<1x16xi32> to vector<16xi32>
    %mul3A_158 = arith.constant 2 : i32
    %mul3A_159 = vector.broadcast %mul3A_158 : i32 to vector<16xi32>
    %mul3A_160 = arith.muli %get3A_157, %mul3A_159 : vector<16xi32>
    %add3A_161 = vector.broadcast %arg0 : i32 to vector<16xi32>
    %add3A_162 = arith.addi %mul3A_160, %add3A_161 : vector<16xi32>
    %swap3A_163 = arith.constant 0 : i32
    %swap3A_164 = arith.index_cast %swap3A_163 : i32 to index
    %swap3A_165 = arith.constant 0 : index
    %swap3A_166 = tpu.vector_load %arg12[%swap3A_164, %swap3A_165] {strides = array<i32>} : memref<2x112xi32, #tpu.memory_space<vmem>>, vector<1x16xi32>,
    %swap3A_167 = vector.shape_cast %swap3A_166 : vector<1x16xi32> to vector<16xi32>
    %swap3A_168 = vector.shape_cast %add3A_162 : vector<16xi32> to vector<1x16xi32>
    tpu.vector_store %arg12[%swap3A_164, %swap3A_165], %swap3A_168 {strides = array<i32>} : memref<2x112xi32, #tpu.memory_space<vmem>>, vector<1x16xi32>,
    %get3A_169 = arith.constant 0 : i32
    %get3A_170 = arith.index_cast %get3A_169 : i32 to index
    %get3A_171 = arith.constant 16 : index
    %get3A_172 = tpu.vector_load %arg12[%get3A_170, %get3A_171] {strides = array<i32>} : memref<2x112xi32, #tpu.memory_space<vmem>>, vector<1x16xi32>,
    %get3A_173 = vector.shape_cast %get3A_172 : vector<1x16xi32> to vector<16xi32>
    %mul3A_174 = arith.constant 2 : i32
    %mul3A_175 = vector.broadcast %mul3A_174 : i32 to vector<16xi32>
    %mul3A_176 = arith.muli %get3A_173, %mul3A_175 : vector<16xi32>
    %add3A_177 = vector.broadcast %arg0 : i32 to vector<16xi32>
    %add3A_178 = arith.addi %mul3A_176, %add3A_177 : vector<16xi32>
    %swap3A_179 = arith.constant 0 : i32
    %swap3A_180 = arith.index_cast %swap3A_179 : i32 to index
    %swap3A_181 = arith.constant 16 : index
    %swap3A_182 = tpu.vector_load %arg12[%swap3A_180, %swap3A_181] {strides = array<i32>} : memref<2x112xi32, #tpu.memory_space<vmem>>, vector<1x16xi32>,
    %swap3A_183 = vector.shape_cast %swap3A_182 : vector<1x16xi32> to vector<16xi32>
    %swap3A_184 = vector.shape_cast %add3A_178 : vector<16xi32> to vector<1x16xi32>
    tpu.vector_store %arg12[%swap3A_180, %swap3A_181], %swap3A_184 {strides = array<i32>} : memref<2x112xi32, #tpu.memory_space<vmem>>, vector<1x16xi32>,
    %get3A_185 = arith.constant 0 : i32
    %get3A_186 = arith.index_cast %get3A_185 : i32 to index
    %get3A_187 = arith.constant 32 : index
    %get3A_188 = tpu.vector_load %arg12[%get3A_186, %get3A_187] {strides = array<i32>} : memref<2x112xi32, #tpu.memory_space<vmem>>, vector<1x16xi32>,
    %get3A_189 = vector.shape_cast %get3A_188 : vector<1x16xi32> to vector<16xi32>
    %mul3A_190 = arith.constant 2 : i32
    %mul3A_191 = vector.broadcast %mul3A_190 : i32 to vector<16xi32>
    %mul3A_192 = arith.muli %get3A_189, %mul3A_191 : vector<16xi32>
    %add3A_193 = vector.broadcast %arg0 : i32 to vector<16xi32>
    %add3A_194 = arith.addi %mul3A_192, %add3A_193 : vector<16xi32>
    %swap3A_195 = arith.constant 0 : i32
    %swap3A_196 = arith.index_cast %swap3A_195 : i32 to index
    %swap3A_197 = arith.constant 32 : index
    %swap3A_198 = tpu.vector_load %arg12[%swap3A_196, %swap3A_197] {strides = array<i32>} : memref<2x112xi32, #tpu.memory_space<vmem>>, vector<1x16xi32>,
    %swap3A_199 = vector.shape_cast %swap3A_198 : vector<1x16xi32> to vector<16xi32>
    %swap3A_200 = vector.shape_cast %add3A_194 : vector<16xi32> to vector<1x16xi32>
    tpu.vector_store %arg12[%swap3A_196, %swap3A_197], %swap3A_200 {strides = array<i32>} : memref<2x112xi32, #tpu.memory_space<vmem>>, vector<1x16xi32>,
    %get3A_201 = arith.constant 0 : i32
    %get3A_202 = arith.index_cast %get3A_201 : i32 to index
    %get3A_203 = arith.constant 48 : index
    %get3A_204 = tpu.vector_load %arg12[%get3A_202, %get3A_203] {strides = array<i32>} : memref<2x112xi32, #tpu.memory_space<vmem>>, vector<1x16xi32>,
    %get3A_205 = vector.shape_cast %get3A_204 : vector<1x16xi32> to vector<16xi32>
    %mul3A_206 = arith.constant 2 : i32
    %mul3A_207 = vector.broadcast %mul3A_206 : i32 to vector<16xi32>
    %mul3A_208 = arith.muli %get3A_205, %mul3A_207 : vector<16xi32>
    %add3A_209 = vector.broadcast %arg0 : i32 to vector<16xi32>
    %add3A_210 = arith.addi %mul3A_208, %add3A_209 : vector<16xi32>
    %swap3A_211 = arith.constant 0 : i32
    %swap3A_212 = arith.index_cast %swap3A_211 : i32 to index
    %swap3A_213 = arith.constant 48 : index
    %swap3A_214 = tpu.vector_load %arg12[%swap3A_212, %swap3A_213] {strides = array<i32>} : memref<2x112xi32, #tpu.memory_space<vmem>>, vector<1x16xi32>,
    %swap3A_215 = vector.shape_cast %swap3A_214 : vector<1x16xi32> to vector<16xi32>
    %swap3A_216 = vector.shape_cast %add3A_210 : vector<16xi32> to vector<1x16xi32>
    tpu.vector_store %arg12[%swap3A_212, %swap3A_213], %swap3A_216 {strides = array<i32>} : memref<2x112xi32, #tpu.memory_space<vmem>>, vector<1x16xi32>,
    %get3A_217 = arith.constant 0 : i32
    %get3A_218 = arith.index_cast %get3A_217 : i32 to index
    %get3A_219 = arith.constant 64 : index
    %get3A_220 = tpu.vector_load %arg12[%get3A_218, %get3A_219] {strides = array<i32>} : memref<2x112xi32, #tpu.memory_space<vmem>>, vector<1x16xi32>,
    %get3A_221 = vector.shape_cast %get3A_220 : vector<1x16xi32> to vector<16xi32>
    %mul3A_222 = arith.constant 2 : i32
    %mul3A_223 = vector.broadcast %mul3A_222 : i32 to vector<16xi32>
    %mul3A_224 = arith.muli %get3A_221, %mul3A_223 : vector<16xi32>
    %add3A_225 = vector.broadcast %arg0 : i32 to vector<16xi32>
    %add3A_226 = arith.addi %mul3A_224, %add3A_225 : vector<16xi32>
    %swap3A_227 = arith.constant 0 : i32
    %swap3A_228 = arith.index_cast %swap3A_227 : i32 to index
    %swap3A_229 = arith.constant 64 : index
    %swap3A_230 = tpu.vector_load %arg12[%swap3A_228, %swap3A_229] {strides = array<i32>} : memref<2x112xi32, #tpu.memory_space<vmem>>, vector<1x16xi32>,
    %swap3A_231 = vector.shape_cast %swap3A_230 : vector<1x16xi32> to vector<16xi32>
    %swap3A_232 = vector.shape_cast %add3A_226 : vector<16xi32> to vector<1x16xi32>
    tpu.vector_store %arg12[%swap3A_228, %swap3A_229], %swap3A_232 {strides = array<i32>} : memref<2x112xi32, #tpu.memory_space<vmem>>, vector<1x16xi32>,
    %get3A_233 = arith.constant 0 : i32
    %get3A_234 = arith.index_cast %get3A_233 : i32 to index
    %get3A_235 = arith.constant 80 : index
    %get3A_236 = tpu.vector_load %arg12[%get3A_234, %get3A_235] {strides = array<i32>} : memref<2x112xi32, #tpu.memory_space<vmem>>, vector<1x16xi32>,
    %get3A_237 = vector.shape_cast %get3A_236 : vector<1x16xi32> to vector<16xi32>
    %mul3A_238 = arith.constant 2 : i32
    %mul3A_239 = vector.broadcast %mul3A_238 : i32 to vector<16xi32>
    %mul3A_240 = arith.muli %get3A_237, %mul3A_239 : vector<16xi32>
    %add3A_241 = vector.broadcast %arg0 : i32 to vector<16xi32>
    %add3A_242 = arith.addi %mul3A_240, %add3A_241 : vector<16xi32>
    %swap3A_243 = arith.constant 0 : i32
    %swap3A_244 = arith.index_cast %swap3A_243 : i32 to index
    %swap3A_245 = arith.constant 80 : index
    %swap3A_246 = tpu.vector_load %arg12[%swap3A_244, %swap3A_245] {strides = array<i32>} : memref<2x112xi32, #tpu.memory_space<vmem>>, vector<1x16xi32>,
    %swap3A_247 = vector.shape_cast %swap3A_246 : vector<1x16xi32> to vector<16xi32>
    %swap3A_248 = vector.shape_cast %add3A_242 : vector<16xi32> to vector<1x16xi32>
    tpu.vector_store %arg12[%swap3A_244, %swap3A_245], %swap3A_248 {strides = array<i32>} : memref<2x112xi32, #tpu.memory_space<vmem>>, vector<1x16xi32>,
    %get3A_249 = arith.constant 0 : i32
    %get3A_250 = arith.index_cast %get3A_249 : i32 to index
    %get3A_251 = arith.constant 96 : index
    %get3A_252 = tpu.vector_load %arg12[%get3A_250, %get3A_251] {strides = array<i32>} : memref<2x112xi32, #tpu.memory_space<vmem>>, vector<1x16xi32>,
    %get3A_253 = vector.shape_cast %get3A_252 : vector<1x16xi32> to vector<16xi32>
    %mul3A_254 = arith.constant 2 : i32
    %mul3A_255 = vector.broadcast %mul3A_254 : i32 to vector<16xi32>
    %mul3A_256 = arith.muli %get3A_253, %mul3A_255 : vector<16xi32>
    %add3A_257 = vector.broadcast %arg0 : i32 to vector<16xi32>
    %add3A_258 = arith.addi %mul3A_256, %add3A_257 : vector<16xi32>
    %swap3A_259 = arith.constant 0 : i32
    %swap3A_260 = arith.index_cast %swap3A_259 : i32 to index
    %swap3A_261 = arith.constant 96 : index
    %swap3A_262 = tpu.vector_load %arg12[%swap3A_260, %swap3A_261] {strides = array<i32>} : memref<2x112xi32, #tpu.memory_space<vmem>>, vector<1x16xi32>,
    %swap3A_263 = vector.shape_cast %swap3A_262 : vector<1x16xi32> to vector<16xi32>
    %swap3A_264 = vector.shape_cast %add3A_258 : vector<16xi32> to vector<1x16xi32>
    tpu.vector_store %arg12[%swap3A_260, %swap3A_261], %swap3A_264 {strides = array<i32>} : memref<2x112xi32, #tpu.memory_space<vmem>>, vector<1x16xi32>,
    %dma_start3A_265 = arith.constant 0 : i32
    %dma_start3A_266 = arith.constant 0 : i32
    %dma_start3A_267 = tpu.memref_slice %arg12[%dma_start3A_265, %dma_start3A_266] : memref<2x112xi32, #tpu.memory_space<vmem>> -> memref<1x112xi32, #tpu.memory_space<vmem>>
    %dma_start3A_268 = tpu.memref_squeeze %dma_start3A_267 : memref<1x112xi32, #tpu.memory_space<vmem>> -> memref<112xi32, #tpu.memory_space<vmem>>
    %dma_start3A_269 = arith.constant 0 : i32
    %dma_start3A_270 = arith.constant 0 : i32
    %dma_start3A_271 = tpu.memref_slice %arg3[%dma_start3A_269, %dma_start3A_270] : memref<20000x128xf32, #tpu.memory_space<hbm>> -> memref<20000x128xf32, #tpu.memory_space<hbm>>
    tpu.enqueue_indirect_dma source(%dma_start3A_271 : memref<20000x128xf32, #tpu.memory_space<hbm>>) target(%arg18 : memref<112x128xf32, #tpu.memory_space<vmem>>) offsets(%dma_start3A_268 : memref<112xi32, #tpu.memory_space<vmem>>) semaphore(%arg30 : memref<!tpu.dma_semaphore, #tpu.memory_space<semaphore_mem>>)
    %barrier3A = arith.constant 0 : index
    tpu.barrier barrier_id(%barrier3A)
    %scan3A = arith.constant 0 : i32
    %scan3A_272 = arith.constant 0 : i32
    %scan3A_273 = arith.constant 15 : i32
    %scan3A_274 = arith.addi %scan3A_272, %scan3A_273 : i32
    %scan3A_275 = arith.constant 1 : i32
    scf.for %scan3A_340 = %scan3A_272 to %scan3A_274 step %scan3A_275  : i32 {
      %mul3A_341 = arith.constant 6 : i32
      %mul3A_342 = arith.muli %scan3A_340, %mul3A_341 : i32
      %add3A_343 = arith.constant 0 : i32
      %add3A_344 = arith.addi %mul3A_342, %add3A_343 : i32
      %gt3A = arith.constant 0 : i32
      %gt3A_345 = arith.cmpi sgt, %scan3A_340, %gt3A : i32
      %convert_element_type3A_346 = arith.extui %gt3A_345 : i1 to i32
      %cond3A_347 = arith.constant 0 : i32
      %cond3A_348 = arith.cmpi ne, %convert_element_type3A_346, %cond3A_347 : i32
      scf.if %cond3A_348 {
        %dma_wait3A_1125 = arith.constant 0 : i32
        %dma_wait3A_1126 = arith.constant 0 : i32
        %dma_wait3A_1127 = arith.constant 0 : i32
        %dma_wait3A_1128 = arith.constant 0 : i32
        %dma_wait3A_1129 = tpu.memref_slice %arg2[%dma_wait3A_1125, %dma_wait3A_1126, %dma_wait3A_1127, %dma_wait3A_1128] : memref<16x90x2x112xi32, #tpu.memory_space<hbm>> -> memref<1x1x2x112xi32, #tpu.memory_space<hbm>>
        %dma_wait3A_1130 = tpu.memref_squeeze %dma_wait3A_1129 : memref<1x1x2x112xi32, #tpu.memory_space<hbm>> -> memref<2x112xi32, #tpu.memory_space<hbm>>
        %dma_wait3A_1131 = arith.constant 0 : i32
        %dma_wait3A_1132 = arith.constant 0 : i32
        %dma_wait3A_1133 = tpu.memref_slice %arg2[%dma_wait3A_1125, %dma_wait3A_1126, %dma_wait3A_1131, %dma_wait3A_1132] : memref<16x90x2x112xi32, #tpu.memory_space<hbm>> -> memref<1x1x2x112xi32, #tpu.memory_space<hbm>>
        %dma_wait3A_1134 = tpu.memref_squeeze %dma_wait3A_1133 : memref<1x1x2x112xi32, #tpu.memory_space<hbm>> -> memref<2x112xi32, #tpu.memory_space<hbm>>
        tpu.wait_dma2 semaphore(%arg23 : memref<!tpu.dma_semaphore, #tpu.memory_space<semaphore_mem>>) src(%dma_wait3A_1134 : memref<2x112xi32, #tpu.memory_space<hbm>>) dst(%arg11 : memref<2x112xi32, #tpu.memory_space<vmem>>)
        %get3A_1135 = arith.constant 0 : i32
        %get3A_1136 = arith.index_cast %get3A_1135 : i32 to index
        %get3A_1137 = arith.constant 0 : index
        %get3A_1138 = tpu.vector_load %arg11[%get3A_1136, %get3A_1137] {strides = array<i32>} : memref<2x112xi32, #tpu.memory_space<vmem>>, vector<1x16xi32>,
        %get3A_1139 = vector.shape_cast %get3A_1138 : vector<1x16xi32> to vector<16xi32>
        %mul3A_1140 = arith.constant 2 : i32
        %mul3A_1141 = vector.broadcast %mul3A_1140 : i32 to vector<16xi32>
        %mul3A_1142 = arith.muli %get3A_1139, %mul3A_1141 : vector<16xi32>
        %add3A_1143 = vector.broadcast %arg0 : i32 to vector<16xi32>
        %add3A_1144 = arith.addi %mul3A_1142, %add3A_1143 : vector<16xi32>
        %swap3A_1145 = arith.constant 0 : i32
        %swap3A_1146 = arith.index_cast %swap3A_1145 : i32 to index
        %swap3A_1147 = arith.constant 0 : index
        %swap3A_1148 = tpu.vector_load %arg11[%swap3A_1146, %swap3A_1147] {strides = array<i32>} : memref<2x112xi32, #tpu.memory_space<vmem>>, vector<1x16xi32>,
        %swap3A_1149 = vector.shape_cast %swap3A_1148 : vector<1x16xi32> to vector<16xi32>
        %swap3A_1150 = vector.shape_cast %add3A_1144 : vector<16xi32> to vector<1x16xi32>
        tpu.vector_store %arg11[%swap3A_1146, %swap3A_1147], %swap3A_1150 {strides = array<i32>} : memref<2x112xi32, #tpu.memory_space<vmem>>, vector<1x16xi32>,
        %get3A_1151 = arith.constant 0 : i32
        %get3A_1152 = arith.index_cast %get3A_1151 : i32 to index
        %get3A_1153 = arith.constant 16 : index
        %get3A_1154 = tpu.vector_load %arg11[%get3A_1152, %get3A_1153] {strides = array<i32>} : memref<2x112xi32, #tpu.memory_space<vmem>>, vector<1x16xi32>,
        %get3A_1155 = vector.shape_cast %get3A_1154 : vector<1x16xi32> to vector<16xi32>
        %mul3A_1156 = arith.constant 2 : i32
        %mul3A_1157 = vector.broadcast %mul3A_1156 : i32 to vector<16xi32>
        %mul3A_1158 = arith.muli %get3A_1155, %mul3A_1157 : vector<16xi32>
        %add3A_1159 = vector.broadcast %arg0 : i32 to vector<16xi32>
        %add3A_1160 = arith.addi %mul3A_1158, %add3A_1159 : vector<16xi32>
        %swap3A_1161 = arith.constant 0 : i32
        %swap3A_1162 = arith.index_cast %swap3A_1161 : i32 to index
        %swap3A_1163 = arith.constant 16 : index
        %swap3A_1164 = tpu.vector_load %arg11[%swap3A_1162, %swap3A_1163] {strides = array<i32>} : memref<2x112xi32, #tpu.memory_space<vmem>>, vector<1x16xi32>,
        %swap3A_1165 = vector.shape_cast %swap3A_1164 : vector<1x16xi32> to vector<16xi32>
        %swap3A_1166 = vector.shape_cast %add3A_1160 : vector<16xi32> to vector<1x16xi32>
        tpu.vector_store %arg11[%swap3A_1162, %swap3A_1163], %swap3A_1166 {strides = array<i32>} : memref<2x112xi32, #tpu.memory_space<vmem>>, vector<1x16xi32>,
        %get3A_1167 = arith.constant 0 : i32
        %get3A_1168 = arith.index_cast %get3A_1167 : i32 to index
        %get3A_1169 = arith.constant 32 : index
        %get3A_1170 = tpu.vector_load %arg11[%get3A_1168, %get3A_1169] {strides = array<i32>} : memref<2x112xi32, #tpu.memory_space<vmem>>, vector<1x16xi32>,
        %get3A_1171 = vector.shape_cast %get3A_1170 : vector<1x16xi32> to vector<16xi32>
        %mul3A_1172 = arith.constant 2 : i32
        %mul3A_1173 = vector.broadcast %mul3A_1172 : i32 to vector<16xi32>
        %mul3A_1174 = arith.muli %get3A_1171, %mul3A_1173 : vector<16xi32>
        %add3A_1175 = vector.broadcast %arg0 : i32 to vector<16xi32>
        %add3A_1176 = arith.addi %mul3A_1174, %add3A_1175 : vector<16xi32>
        %swap3A_1177 = arith.constant 0 : i32
        %swap3A_1178 = arith.index_cast %swap3A_1177 : i32 to index
        %swap3A_1179 = arith.constant 32 : index
        %swap3A_1180 = tpu.vector_load %arg11[%swap3A_1178, %swap3A_1179] {strides = array<i32>} : memref<2x112xi32, #tpu.memory_space<vmem>>, vector<1x16xi32>,
        %swap3A_1181 = vector.shape_cast %swap3A_1180 : vector<1x16xi32> to vector<16xi32>
        %swap3A_1182 = vector.shape_cast %add3A_1176 : vector<16xi32> to vector<1x16xi32>
        tpu.vector_store %arg11[%swap3A_1178, %swap3A_1179], %swap3A_1182 {strides = array<i32>} : memref<2x112xi32, #tpu.memory_space<vmem>>, vector<1x16xi32>,
        %get3A_1183 = arith.constant 0 : i32
        %get3A_1184 = arith.index_cast %get3A_1183 : i32 to index
        %get3A_1185 = arith.constant 48 : index
        %get3A_1186 = tpu.vector_load %arg11[%get3A_1184, %get3A_1185] {strides = array<i32>} : memref<2x112xi32, #tpu.memory_space<vmem>>, vector<1x16xi32>,
        %get3A_1187 = vector.shape_cast %get3A_1186 : vector<1x16xi32> to vector<16xi32>
        %mul3A_1188 = arith.constant 2 : i32
        %mul3A_1189 = vector.broadcast %mul3A_1188 : i32 to vector<16xi32>
        %mul3A_1190 = arith.muli %get3A_1187, %mul3A_1189 : vector<16xi32>
        %add3A_1191 = vector.broadcast %arg0 : i32 to vector<16xi32>
        %add3A_1192 = arith.addi %mul3A_1190, %add3A_1191 : vector<16xi32>
        %swap3A_1193 = arith.constant 0 : i32
        %swap3A_1194 = arith.index_cast %swap3A_1193 : i32 to index
        %swap3A_1195 = arith.constant 48 : index
        %swap3A_1196 = tpu.vector_load %arg11[%swap3A_1194, %swap3A_1195] {strides = array<i32>} : memref<2x112xi32, #tpu.memory_space<vmem>>, vector<1x16xi32>,
        %swap3A_1197 = vector.shape_cast %swap3A_1196 : vector<1x16xi32> to vector<16xi32>
        %swap3A_1198 = vector.shape_cast %add3A_1192 : vector<16xi32> to vector<1x16xi32>
        tpu.vector_store %arg11[%swap3A_1194, %swap3A_1195], %swap3A_1198 {strides = array<i32>} : memref<2x112xi32, #tpu.memory_space<vmem>>, vector<1x16xi32>,
        %get3A_1199 = arith.constant 0 : i32
        %get3A_1200 = arith.index_cast %get3A_1199 : i32 to index
        %get3A_1201 = arith.constant 64 : index
        %get3A_1202 = tpu.vector_load %arg11[%get3A_1200, %get3A_1201] {strides = array<i32>} : memref<2x112xi32, #tpu.memory_space<vmem>>, vector<1x16xi32>,
        %get3A_1203 = vector.shape_cast %get3A_1202 : vector<1x16xi32> to vector<16xi32>
        %mul3A_1204 = arith.constant 2 : i32
        %mul3A_1205 = vector.broadcast %mul3A_1204 : i32 to vector<16xi32>
        %mul3A_1206 = arith.muli %get3A_1203, %mul3A_1205 : vector<16xi32>
        %add3A_1207 = vector.broadcast %arg0 : i32 to vector<16xi32>
        %add3A_1208 = arith.addi %mul3A_1206, %add3A_1207 : vector<16xi32>
        %swap3A_1209 = arith.constant 0 : i32
        %swap3A_1210 = arith.index_cast %swap3A_1209 : i32 to index
        %swap3A_1211 = arith.constant 64 : index
        %swap3A_1212 = tpu.vector_load %arg11[%swap3A_1210, %swap3A_1211] {strides = array<i32>} : memref<2x112xi32, #tpu.memory_space<vmem>>, vector<1x16xi32>,
        %swap3A_1213 = vector.shape_cast %swap3A_1212 : vector<1x16xi32> to vector<16xi32>
        %swap3A_1214 = vector.shape_cast %add3A_1208 : vector<16xi32> to vector<1x16xi32>
        tpu.vector_store %arg11[%swap3A_1210, %swap3A_1211], %swap3A_1214 {strides = array<i32>} : memref<2x112xi32, #tpu.memory_space<vmem>>, vector<1x16xi32>,
        %get3A_1215 = arith.constant 0 : i32
        %get3A_1216 = arith.index_cast %get3A_1215 : i32 to index
        %get3A_1217 = arith.constant 80 : index
        %get3A_1218 = tpu.vector_load %arg11[%get3A_1216, %get3A_1217] {strides = array<i32>} : memref<2x112xi32, #tpu.memory_space<vmem>>, vector<1x16xi32>,
        %get3A_1219 = vector.shape_cast %get3A_1218 : vector<1x16xi32> to vector<16xi32>
        %mul3A_1220 = arith.constant 2 : i32
        %mul3A_1221 = vector.broadcast %mul3A_1220 : i32 to vector<16xi32>
        %mul3A_1222 = arith.muli %get3A_1219, %mul3A_1221 : vector<16xi32>
        %add3A_1223 = vector.broadcast %arg0 : i32 to vector<16xi32>
        %add3A_1224 = arith.addi %mul3A_1222, %add3A_1223 : vector<16xi32>
        %swap3A_1225 = arith.constant 0 : i32
        %swap3A_1226 = arith.index_cast %swap3A_1225 : i32 to index
        %swap3A_1227 = arith.constant 80 : index
        %swap3A_1228 = tpu.vector_load %arg11[%swap3A_1226, %swap3A_1227] {strides = array<i32>} : memref<2x112xi32, #tpu.memory_space<vmem>>, vector<1x16xi32>,
        %swap3A_1229 = vector.shape_cast %swap3A_1228 : vector<1x16xi32> to vector<16xi32>
        %swap3A_1230 = vector.shape_cast %add3A_1224 : vector<16xi32> to vector<1x16xi32>
        tpu.vector_store %arg11[%swap3A_1226, %swap3A_1227], %swap3A_1230 {strides = array<i32>} : memref<2x112xi32, #tpu.memory_space<vmem>>, vector<1x16xi32>,
        %get3A_1231 = arith.constant 0 : i32
        %get3A_1232 = arith.index_cast %get3A_1231 : i32 to index
        %get3A_1233 = arith.constant 96 : index
        %get3A_1234 = tpu.vector_load %arg11[%get3A_1232, %get3A_1233] {strides = array<i32>} : memref<2x112xi32, #tpu.memory_space<vmem>>, vector<1x16xi32>,
        %get3A_1235 = vector.shape_cast %get3A_1234 : vector<1x16xi32> to vector<16xi32>
        %mul3A_1236 = arith.constant 2 : i32
        %mul3A_1237 = vector.broadcast %mul3A_1236 : i32 to vector<16xi32>
        %mul3A_1238 = arith.muli %get3A_1235, %mul3A_1237 : vector<16xi32>
        %add3A_1239 = vector.broadcast %arg0 : i32 to vector<16xi32>
        %add3A_1240 = arith.addi %mul3A_1238, %add3A_1239 : vector<16xi32>
        %swap3A_1241 = arith.constant 0 : i32
        %swap3A_1242 = arith.index_cast %swap3A_1241 : i32 to index
        %swap3A_1243 = arith.constant 96 : index
        %swap3A_1244 = tpu.vector_load %arg11[%swap3A_1242, %swap3A_1243] {strides = array<i32>} : memref<2x112xi32, #tpu.memory_space<vmem>>, vector<1x16xi32>,
        %swap3A_1245 = vector.shape_cast %swap3A_1244 : vector<1x16xi32> to vector<16xi32>
        %swap3A_1246 = vector.shape_cast %add3A_1240 : vector<16xi32> to vector<1x16xi32>
        tpu.vector_store %arg11[%swap3A_1242, %swap3A_1243], %swap3A_1246 {strides = array<i32>} : memref<2x112xi32, #tpu.memory_space<vmem>>, vector<1x16xi32>,
      } else {
      }
      %gt3A_349 = arith.constant 0 : i32
      %gt3A_350 = arith.cmpi sgt, %scan3A_340, %gt3A_349 : i32
      %convert_element_type3A_351 = arith.extui %gt3A_350 : i1 to i32
      %cond3A_352 = arith.constant 0 : i32
      %cond3A_353 = arith.cmpi ne, %convert_element_type3A_351, %cond3A_352 : i32
      scf.if %cond3A_353 {
        %dma_wait3A_1125 = arith.constant 1 : i32
        %dma_wait3A_1126 = arith.constant 0 : i32
        %dma_wait3A_1127 = tpu.memref_slice %arg14[%dma_wait3A_1125, %dma_wait3A_1126] : memref<2x112xi32, #tpu.memory_space<vmem>> -> memref<1x112xi32, #tpu.memory_space<vmem>>
        %dma_wait3A_1128 = tpu.memref_squeeze %dma_wait3A_1127 : memref<1x112xi32, #tpu.memory_space<vmem>> -> memref<112xi32, #tpu.memory_space<vmem>>
        %dma_wait3A_1129 = arith.constant 0 : i32
        %dma_wait3A_1130 = arith.constant 0 : i32
        %dma_wait3A_1131 = tpu.memref_slice %arg21[%dma_wait3A_1129, %dma_wait3A_1130] : memref<10240x128xf32, #tpu.memory_space<vmem_shared>> -> memref<10240x128xf32, #tpu.memory_space<vmem_shared>>
        tpu.wait_indirect_dma semaphore(%arg32 : memref<!tpu.dma_semaphore, #tpu.memory_space<semaphore_mem>>) src(%arg17 : memref<112x128xf32, #tpu.memory_space<vmem>>) dst(%dma_wait3A_1131 : memref<10240x128xf32, #tpu.memory_space<vmem_shared>>)
      } else {
      }
      %gt3A_354 = arith.constant 0 : i32
      %gt3A_355 = arith.cmpi sgt, %scan3A_340, %gt3A_354 : i32
      %convert_element_type3A_356 = arith.extui %gt3A_355 : i1 to i32
      %cond3A_357 = arith.constant 0 : i32
      %cond3A_358 = arith.cmpi ne, %convert_element_type3A_356, %cond3A_357 : i32
      scf.if %cond3A_358 {
        %dma_start3A_1125 = arith.constant 0 : i32
        %dma_start3A_1126 = arith.constant 0 : i32
        %dma_start3A_1127 = tpu.memref_slice %arg11[%dma_start3A_1125, %dma_start3A_1126] : memref<2x112xi32, #tpu.memory_space<vmem>> -> memref<1x112xi32, #tpu.memory_space<vmem>>
        %dma_start3A_1128 = tpu.memref_squeeze %dma_start3A_1127 : memref<1x112xi32, #tpu.memory_space<vmem>> -> memref<112xi32, #tpu.memory_space<vmem>>
        %dma_start3A_1129 = arith.constant 0 : i32
        %dma_start3A_1130 = arith.constant 0 : i32
        %dma_start3A_1131 = tpu.memref_slice %arg3[%dma_start3A_1129, %dma_start3A_1130] : memref<20000x128xf32, #tpu.memory_space<hbm>> -> memref<20000x128xf32, #tpu.memory_space<hbm>>
        tpu.enqueue_indirect_dma source(%dma_start3A_1131 : memref<20000x128xf32, #tpu.memory_space<hbm>>) target(%arg17 : memref<112x128xf32, #tpu.memory_space<vmem>>) offsets(%dma_start3A_1128 : memref<112xi32, #tpu.memory_space<vmem>>) semaphore(%arg29 : memref<!tpu.dma_semaphore, #tpu.memory_space<semaphore_mem>>)
      } else {
      }
      %gt3A_359 = arith.constant 0 : i32
      %gt3A_360 = arith.cmpi sgt, %scan3A_340, %gt3A_359 : i32
      %convert_element_type3A_361 = arith.extui %gt3A_360 : i1 to i32
      %cond3A_362 = arith.constant 0 : i32
      %cond3A_363 = arith.cmpi ne, %convert_element_type3A_361, %cond3A_362 : i32
      scf.if %cond3A_363 {
        %dma_wait3A_1125 = arith.constant 0 : i32
        %dma_wait3A_1126 = arith.constant 0 : i32
        %dma_wait3A_1127 = tpu.memref_slice %arg16[%dma_wait3A_1125, %dma_wait3A_1126] : memref<2x112xi32, #tpu.memory_space<vmem>> -> memref<1x112xi32, #tpu.memory_space<vmem>>
        %dma_wait3A_1128 = tpu.memref_squeeze %dma_wait3A_1127 : memref<1x112xi32, #tpu.memory_space<vmem>> -> memref<112xi32, #tpu.memory_space<vmem>>
        %dma_wait3A_1129 = arith.constant 0 : i32
        %dma_wait3A_1130 = arith.constant 0 : i32
        %dma_wait3A_1131 = tpu.memref_slice %arg3[%dma_wait3A_1129, %dma_wait3A_1130] : memref<20000x128xf32, #tpu.memory_space<hbm>> -> memref<20000x128xf32, #tpu.memory_space<hbm>>
        tpu.wait_indirect_dma semaphore(%arg31 : memref<!tpu.dma_semaphore, #tpu.memory_space<semaphore_mem>>) src(%dma_wait3A_1131 : memref<20000x128xf32, #tpu.memory_space<hbm>>) dst(%arg19 : memref<112x128xf32, #tpu.memory_space<vmem>>)
      } else {
      }
      %gt3A_364 = arith.constant 0 : i32
      %gt3A_365 = arith.cmpi sgt, %scan3A_340, %gt3A_364 : i32
      %convert_element_type3A_366 = arith.extui %gt3A_365 : i1 to i32
      %cond3A_367 = arith.constant 0 : i32
      %cond3A_368 = arith.cmpi ne, %convert_element_type3A_366, %cond3A_367 : i32
      scf.if %cond3A_368 {
        %dma_start3A_1125 = arith.constant 1 : i32
        %dma_start3A_1126 = arith.constant 0 : i32
        %dma_start3A_1127 = tpu.memref_slice %arg16[%dma_start3A_1125, %dma_start3A_1126] : memref<2x112xi32, #tpu.memory_space<vmem>> -> memref<1x112xi32, #tpu.memory_space<vmem>>
        %dma_start3A_1128 = tpu.memref_squeeze %dma_start3A_1127 : memref<1x112xi32, #tpu.memory_space<vmem>> -> memref<112xi32, #tpu.memory_space<vmem>>
        %dma_start3A_1129 = arith.constant 0 : i32
        %dma_start3A_1130 = arith.constant 0 : i32
        %dma_start3A_1131 = tpu.memref_slice %arg21[%dma_start3A_1129, %dma_start3A_1130] : memref<10240x128xf32, #tpu.memory_space<vmem_shared>> -> memref<10240x128xf32, #tpu.memory_space<vmem_shared>>
        tpu.enqueue_indirect_dma source(%arg19 : memref<112x128xf32, #tpu.memory_space<vmem>>) target(%dma_start3A_1131 : memref<10240x128xf32, #tpu.memory_space<vmem_shared>>) offsets(%dma_start3A_1128 : memref<112xi32, #tpu.memory_space<vmem>>) semaphore(%arg34 : memref<!tpu.dma_semaphore, #tpu.memory_space<semaphore_mem>>) {add = true}
      } else {
      }
      %gt3A_369 = arith.constant 0 : i32
      %gt3A_370 = arith.cmpi sgt, %scan3A_340, %gt3A_369 : i32
      %convert_element_type3A_371 = arith.extui %gt3A_370 : i1 to i32
      %cond3A_372 = arith.constant 0 : i32
      %cond3A_373 = arith.cmpi ne, %convert_element_type3A_371, %cond3A_372 : i32
      scf.if %cond3A_373 {
        %eq3A_1125 = arith.constant 1 : i32
        %eq3A_1126 = arith.cmpi eq, %arg0, %eq3A_1125 : i32
        %convert_element_type3A_1127 = arith.extui %eq3A_1126 : i1 to i32
        %cond3A_1128 = arith.constant 0 : i32
        %cond3A_1129 = arith.cmpi ne, %convert_element_type3A_1127, %cond3A_1128 : i32
        scf.if %cond3A_1129 {
          %dma_wait3A_1130 = arith.constant 1 : i32
          %dma_wait3A_1131 = arith.constant 0 : i32
          %dma_wait3A_1132 = tpu.memref_slice %arg14[%dma_wait3A_1130, %dma_wait3A_1131] : memref<2x112xi32, #tpu.memory_space<vmem>> -> memref<1x112xi32, #tpu.memory_space<vmem>>
          %dma_wait3A_1133 = tpu.memref_squeeze %dma_wait3A_1132 : memref<1x112xi32, #tpu.memory_space<vmem>> -> memref<112xi32, #tpu.memory_space<vmem>>
          %dma_wait3A_1134 = arith.constant 0 : i32
          %dma_wait3A_1135 = tpu.memref_slice %arg22[%dma_wait3A_1134] : memref<10240xf32, #tpu.memory_space<vmem_shared>> -> memref<10240xf32, #tpu.memory_space<vmem_shared>>
          tpu.wait_indirect_dma semaphore(%arg35 : memref<!tpu.dma_semaphore, #tpu.memory_space<semaphore_mem>>) src(%arg20 : memref<112xf32, #tpu.memory_space<vmem>>) dst(%dma_wait3A_1135 : memref<10240xf32, #tpu.memory_space<vmem_shared>>)
        } else {
        }
      } else {
      }
      %gt3A_374 = arith.constant 0 : i32
      %gt3A_375 = arith.cmpi sgt, %scan3A_340, %gt3A_374 : i32
      %convert_element_type3A_376 = arith.extui %gt3A_375 : i1 to i32
      %cond3A_377 = arith.constant 0 : i32
      %cond3A_378 = arith.cmpi ne, %convert_element_type3A_376, %cond3A_377 : i32
      scf.if %cond3A_378 {
        %eq3A_1125 = arith.constant 1 : i32
        %eq3A_1126 = arith.cmpi eq, %arg0, %eq3A_1125 : i32
        %convert_element_type3A_1127 = arith.extui %eq3A_1126 : i1 to i32
        %cond3A_1128 = arith.constant 0 : i32
        %cond3A_1129 = arith.cmpi ne, %convert_element_type3A_1127, %cond3A_1128 : i32
        scf.if %cond3A_1129 {
          %dma_start3A_1130 = arith.constant 1 : i32
          %dma_start3A_1131 = arith.constant 0 : i32
          %dma_start3A_1132 = tpu.memref_slice %arg16[%dma_start3A_1130, %dma_start3A_1131] : memref<2x112xi32, #tpu.memory_space<vmem>> -> memref<1x112xi32, #tpu.memory_space<vmem>>
          %dma_start3A_1133 = tpu.memref_squeeze %dma_start3A_1132 : memref<1x112xi32, #tpu.memory_space<vmem>> -> memref<112xi32, #tpu.memory_space<vmem>>
          %dma_start3A_1134 = arith.constant 0 : i32
          %dma_start3A_1135 = tpu.memref_slice %arg22[%dma_start3A_1134] : memref<10240xf32, #tpu.memory_space<vmem_shared>> -> memref<10240xf32, #tpu.memory_space<vmem_shared>>
          tpu.enqueue_indirect_dma source(%arg20 : memref<112xf32, #tpu.memory_space<vmem>>) target(%dma_start3A_1135 : memref<10240xf32, #tpu.memory_space<vmem_shared>>) offsets(%dma_start3A_1133 : memref<112xi32, #tpu.memory_space<vmem>>) semaphore(%arg35 : memref<!tpu.dma_semaphore, #tpu.memory_space<semaphore_mem>>) {add = true}
        } else {
        }
      } else {
      }
      %add3A_379 = arith.constant 2 : i32
      %add3A_380 = arith.addi %add3A_344, %add3A_379 : i32
      %dma_start3A_381 = arith.constant 0 : i32
      %dma_start3A_382 = arith.constant 0 : i32
      %dma_start3A_383 = tpu.memref_slice %arg2[%arg1, %add3A_380, %dma_start3A_381, %dma_start3A_382] : memref<16x90x2x112xi32, #tpu.memory_space<hbm>> -> memref<1x1x2x112xi32, #tpu.memory_space<hbm>>
      %dma_start3A_384 = tpu.memref_squeeze %dma_start3A_383 : memref<1x1x2x112xi32, #tpu.memory_space<hbm>> -> memref<2x112xi32, #tpu.memory_space<hbm>>
      %dma_start3A_385 = arith.constant 0 : i32
      %dma_start3A_386 = arith.constant 0 : i32
      %dma_start3A_387 = tpu.memref_slice %arg2[%arg1, %add3A_380, %dma_start3A_385, %dma_start3A_386] : memref<16x90x2x112xi32, #tpu.memory_space<hbm>> -> memref<1x1x2x112xi32, #tpu.memory_space<hbm>>
      %dma_start3A_388 = tpu.memref_squeeze %dma_start3A_387 : memref<1x1x2x112xi32, #tpu.memory_space<hbm>> -> memref<2x112xi32, #tpu.memory_space<hbm>>
      tpu.enqueue_dma source(%dma_start3A_388 : memref<2x112xi32, #tpu.memory_space<hbm>>) target(%arg13 : memref<2x112xi32, #tpu.memory_space<vmem>>) target_semaphore(%arg25 : memref<!tpu.dma_semaphore, #tpu.memory_space<semaphore_mem>>)
      %mul3A_389 = arith.constant 6 : i32
      %mul3A_390 = arith.muli %scan3A_340, %mul3A_389 : i32
      %add3A_391 = arith.constant 1 : i32
      %add3A_392 = arith.addi %mul3A_390, %add3A_391 : i32
      %gt3A_393 = arith.constant 0 : i32
      %gt3A_394 = arith.cmpi sgt, %scan3A_340, %gt3A_393 : i32
      %convert_element_type3A_395 = arith.extui %gt3A_394 : i1 to i32
      %cond3A_396 = arith.constant 0 : i32
      %cond3A_397 = arith.cmpi ne, %convert_element_type3A_395, %cond3A_396 : i32
      scf.if %cond3A_397 {
        %dma_wait3A_1125 = arith.constant 0 : i32
        %dma_wait3A_1126 = arith.constant 0 : i32
        %dma_wait3A_1127 = arith.constant 0 : i32
        %dma_wait3A_1128 = arith.constant 0 : i32
        %dma_wait3A_1129 = tpu.memref_slice %arg2[%dma_wait3A_1125, %dma_wait3A_1126, %dma_wait3A_1127, %dma_wait3A_1128] : memref<16x90x2x112xi32, #tpu.memory_space<hbm>> -> memref<1x1x2x112xi32, #tpu.memory_space<hbm>>
        %dma_wait3A_1130 = tpu.memref_squeeze %dma_wait3A_1129 : memref<1x1x2x112xi32, #tpu.memory_space<hbm>> -> memref<2x112xi32, #tpu.memory_space<hbm>>
        %dma_wait3A_1131 = arith.constant 0 : i32
        %dma_wait3A_1132 = arith.constant 0 : i32
        %dma_wait3A_1133 = tpu.memref_slice %arg2[%dma_wait3A_1125, %dma_wait3A_1126, %dma_wait3A_1131, %dma_wait3A_1132] : memref<16x90x2x112xi32, #tpu.memory_space<hbm>> -> memref<1x1x2x112xi32, #tpu.memory_space<hbm>>
        %dma_wait3A_1134 = tpu.memref_squeeze %dma_wait3A_1133 : memref<1x1x2x112xi32, #tpu.memory_space<hbm>> -> memref<2x112xi32, #tpu.memory_space<hbm>>
        tpu.wait_dma2 semaphore(%arg24 : memref<!tpu.dma_semaphore, #tpu.memory_space<semaphore_mem>>) src(%dma_wait3A_1134 : memref<2x112xi32, #tpu.memory_space<hbm>>) dst(%arg12 : memref<2x112xi32, #tpu.memory_space<vmem>>)
        %get3A_1135 = arith.constant 0 : i32
        %get3A_1136 = arith.index_cast %get3A_1135 : i32 to index
        %get3A_1137 = arith.constant 0 : index
        %get3A_1138 = tpu.vector_load %arg12[%get3A_1136, %get3A_1137] {strides = array<i32>} : memref<2x112xi32, #tpu.memory_space<vmem>>, vector<1x16xi32>,
        %get3A_1139 = vector.shape_cast %get3A_1138 : vector<1x16xi32> to vector<16xi32>
        %mul3A_1140 = arith.constant 2 : i32
        %mul3A_1141 = vector.broadcast %mul3A_1140 : i32 to vector<16xi32>
        %mul3A_1142 = arith.muli %get3A_1139, %mul3A_1141 : vector<16xi32>
        %add3A_1143 = vector.broadcast %arg0 : i32 to vector<16xi32>
        %add3A_1144 = arith.addi %mul3A_1142, %add3A_1143 : vector<16xi32>
        %swap3A_1145 = arith.constant 0 : i32
        %swap3A_1146 = arith.index_cast %swap3A_1145 : i32 to index
        %swap3A_1147 = arith.constant 0 : index
        %swap3A_1148 = tpu.vector_load %arg12[%swap3A_1146, %swap3A_1147] {strides = array<i32>} : memref<2x112xi32, #tpu.memory_space<vmem>>, vector<1x16xi32>,
        %swap3A_1149 = vector.shape_cast %swap3A_1148 : vector<1x16xi32> to vector<16xi32>
        %swap3A_1150 = vector.shape_cast %add3A_1144 : vector<16xi32> to vector<1x16xi32>
        tpu.vector_store %arg12[%swap3A_1146, %swap3A_1147], %swap3A_1150 {strides = array<i32>} : memref<2x112xi32, #tpu.memory_space<vmem>>, vector<1x16xi32>,
        %get3A_1151 = arith.constant 0 : i32
        %get3A_1152 = arith.index_cast %get3A_1151 : i32 to index
        %get3A_1153 = arith.constant 16 : index
        %get3A_1154 = tpu.vector_load %arg12[%get3A_1152, %get3A_1153] {strides = array<i32>} : memref<2x112xi32, #tpu.memory_space<vmem>>, vector<1x16xi32>,
        %get3A_1155 = vector.shape_cast %get3A_1154 : vector<1x16xi32> to vector<16xi32>
        %mul3A_1156 = arith.constant 2 : i32
        %mul3A_1157 = vector.broadcast %mul3A_1156 : i32 to vector<16xi32>
        %mul3A_1158 = arith.muli %get3A_1155, %mul3A_1157 : vector<16xi32>
        %add3A_1159 = vector.broadcast %arg0 : i32 to vector<16xi32>
        %add3A_1160 = arith.addi %mul3A_1158, %add3A_1159 : vector<16xi32>
        %swap3A_1161 = arith.constant 0 : i32
        %swap3A_1162 = arith.index_cast %swap3A_1161 : i32 to index
        %swap3A_1163 = arith.constant 16 : index
        %swap3A_1164 = tpu.vector_load %arg12[%swap3A_1162, %swap3A_1163] {strides = array<i32>} : memref<2x112xi32, #tpu.memory_space<vmem>>, vector<1x16xi32>,
        %swap3A_1165 = vector.shape_cast %swap3A_1164 : vector<1x16xi32> to vector<16xi32>
        %swap3A_1166 = vector.shape_cast %add3A_1160 : vector<16xi32> to vector<1x16xi32>
        tpu.vector_store %arg12[%swap3A_1162, %swap3A_1163], %swap3A_1166 {strides = array<i32>} : memref<2x112xi32, #tpu.memory_space<vmem>>, vector<1x16xi32>,
        %get3A_1167 = arith.constant 0 : i32
        %get3A_1168 = arith.index_cast %get3A_1167 : i32 to index
        %get3A_1169 = arith.constant 32 : index
        %get3A_1170 = tpu.vector_load %arg12[%get3A_1168, %get3A_1169] {strides = array<i32>} : memref<2x112xi32, #tpu.memory_space<vmem>>, vector<1x16xi32>,
        %get3A_1171 = vector.shape_cast %get3A_1170 : vector<1x16xi32> to vector<16xi32>
        %mul3A_1172 = arith.constant 2 : i32
        %mul3A_1173 = vector.broadcast %mul3A_1172 : i32 to vector<16xi32>
        %mul3A_1174 = arith.muli %get3A_1171, %mul3A_1173 : vector<16xi32>
        %add3A_1175 = vector.broadcast %arg0 : i32 to vector<16xi32>
        %add3A_1176 = arith.addi %mul3A_1174, %add3A_1175 : vector<16xi32>
        %swap3A_1177 = arith.constant 0 : i32
        %swap3A_1178 = arith.index_cast %swap3A_1177 : i32 to index
        %swap3A_1179 = arith.constant 32 : index
        %swap3A_1180 = tpu.vector_load %arg12[%swap3A_1178, %swap3A_1179] {strides = array<i32>} : memref<2x112xi32, #tpu.memory_space<vmem>>, vector<1x16xi32>,
        %swap3A_1181 = vector.shape_cast %swap3A_1180 : vector<1x16xi32> to vector<16xi32>
        %swap3A_1182 = vector.shape_cast %add3A_1176 : vector<16xi32> to vector<1x16xi32>
        tpu.vector_store %arg12[%swap3A_1178, %swap3A_1179], %swap3A_1182 {strides = array<i32>} : memref<2x112xi32, #tpu.memory_space<vmem>>, vector<1x16xi32>,
        %get3A_1183 = arith.constant 0 : i32
        %get3A_1184 = arith.index_cast %get3A_1183 : i32 to index
        %get3A_1185 = arith.constant 48 : index
        %get3A_1186 = tpu.vector_load %arg12[%get3A_1184, %get3A_1185] {strides = array<i32>} : memref<2x112xi32, #tpu.memory_space<vmem>>, vector<1x16xi32>,
        %get3A_1187 = vector.shape_cast %get3A_1186 : vector<1x16xi32> to vector<16xi32>
        %mul3A_1188 = arith.constant 2 : i32
        %mul3A_1189 = vector.broadcast %mul3A_1188 : i32 to vector<16xi32>
        %mul3A_1190 = arith.muli %get3A_1187, %mul3A_1189 : vector<16xi32>
        %add3A_1191 = vector.broadcast %arg0 : i32 to vector<16xi32>
        %add3A_1192 = arith.addi %mul3A_1190, %add3A_1191 : vector<16xi32>
        %swap3A_1193 = arith.constant 0 : i32
        %swap3A_1194 = arith.index_cast %swap3A_1193 : i32 to index
        %swap3A_1195 = arith.constant 48 : index
        %swap3A_1196 = tpu.vector_load %arg12[%swap3A_1194, %swap3A_1195] {strides = array<i32>} : memref<2x112xi32, #tpu.memory_space<vmem>>, vector<1x16xi32>,
        %swap3A_1197 = vector.shape_cast %swap3A_1196 : vector<1x16xi32> to vector<16xi32>
        %swap3A_1198 = vector.shape_cast %add3A_1192 : vector<16xi32> to vector<1x16xi32>
        tpu.vector_store %arg12[%swap3A_1194, %swap3A_1195], %swap3A_1198 {strides = array<i32>} : memref<2x112xi32, #tpu.memory_space<vmem>>, vector<1x16xi32>,
        %get3A_1199 = arith.constant 0 : i32
        %get3A_1200 = arith.index_cast %get3A_1199 : i32 to index
        %get3A_1201 = arith.constant 64 : index
        %get3A_1202 = tpu.vector_load %arg12[%get3A_1200, %get3A_1201] {strides = array<i32>} : memref<2x112xi32, #tpu.memory_space<vmem>>, vector<1x16xi32>,
        %get3A_1203 = vector.shape_cast %get3A_1202 : vector<1x16xi32> to vector<16xi32>
        %mul3A_1204 = arith.constant 2 : i32
        %mul3A_1205 = vector.broadcast %mul3A_1204 : i32 to vector<16xi32>
        %mul3A_1206 = arith.muli %get3A_1203, %mul3A_1205 : vector<16xi32>
        %add3A_1207 = vector.broadcast %arg0 : i32 to vector<16xi32>
        %add3A_1208 = arith.addi %mul3A_1206, %add3A_1207 : vector<16xi32>
        %swap3A_1209 = arith.constant 0 : i32
        %swap3A_1210 = arith.index_cast %swap3A_1209 : i32 to index
        %swap3A_1211 = arith.constant 64 : index
        %swap3A_1212 = tpu.vector_load %arg12[%swap3A_1210, %swap3A_1211] {strides = array<i32>} : memref<2x112xi32, #tpu.memory_space<vmem>>, vector<1x16xi32>,
        %swap3A_1213 = vector.shape_cast %swap3A_1212 : vector<1x16xi32> to vector<16xi32>
        %swap3A_1214 = vector.shape_cast %add3A_1208 : vector<16xi32> to vector<1x16xi32>
        tpu.vector_store %arg12[%swap3A_1210, %swap3A_1211], %swap3A_1214 {strides = array<i32>} : memref<2x112xi32, #tpu.memory_space<vmem>>, vector<1x16xi32>,
        %get3A_1215 = arith.constant 0 : i32
        %get3A_1216 = arith.index_cast %get3A_1215 : i32 to index
        %get3A_1217 = arith.constant 80 : index
        %get3A_1218 = tpu.vector_load %arg12[%get3A_1216, %get3A_1217] {strides = array<i32>} : memref<2x112xi32, #tpu.memory_space<vmem>>, vector<1x16xi32>,
        %get3A_1219 = vector.shape_cast %get3A_1218 : vector<1x16xi32> to vector<16xi32>
        %mul3A_1220 = arith.constant 2 : i32
        %mul3A_1221 = vector.broadcast %mul3A_1220 : i32 to vector<16xi32>
        %mul3A_1222 = arith.muli %get3A_1219, %mul3A_1221 : vector<16xi32>
        %add3A_1223 = vector.broadcast %arg0 : i32 to vector<16xi32>
        %add3A_1224 = arith.addi %mul3A_1222, %add3A_1223 : vector<16xi32>
        %swap3A_1225 = arith.constant 0 : i32
        %swap3A_1226 = arith.index_cast %swap3A_1225 : i32 to index
        %swap3A_1227 = arith.constant 80 : index
        %swap3A_1228 = tpu.vector_load %arg12[%swap3A_1226, %swap3A_1227] {strides = array<i32>} : memref<2x112xi32, #tpu.memory_space<vmem>>, vector<1x16xi32>,
        %swap3A_1229 = vector.shape_cast %swap3A_1228 : vector<1x16xi32> to vector<16xi32>
        %swap3A_1230 = vector.shape_cast %add3A_1224 : vector<16xi32> to vector<1x16xi32>
        tpu.vector_store %arg12[%swap3A_1226, %swap3A_1227], %swap3A_1230 {strides = array<i32>} : memref<2x112xi32, #tpu.memory_space<vmem>>, vector<1x16xi32>,
        %get3A_1231 = arith.constant 0 : i32
        %get3A_1232 = arith.index_cast %get3A_1231 : i32 to index
        %get3A_1233 = arith.constant 96 : index
        %get3A_1234 = tpu.vector_load %arg12[%get3A_1232, %get3A_1233] {strides = array<i32>} : memref<2x112xi32, #tpu.memory_space<vmem>>, vector<1x16xi32>,
        %get3A_1235 = vector.shape_cast %get3A_1234 : vector<1x16xi32> to vector<16xi32>
        %mul3A_1236 = arith.constant 2 : i32
        %mul3A_1237 = vector.broadcast %mul3A_1236 : i32 to vector<16xi32>
        %mul3A_1238 = arith.muli %get3A_1235, %mul3A_1237 : vector<16xi32>
        %add3A_1239 = vector.broadcast %arg0 : i32 to vector<16xi32>
        %add3A_1240 = arith.addi %mul3A_1238, %add3A_1239 : vector<16xi32>
        %swap3A_1241 = arith.constant 0 : i32
        %swap3A_1242 = arith.index_cast %swap3A_1241 : i32 to index
        %swap3A_1243 = arith.constant 96 : index
        %swap3A_1244 = tpu.vector_load %arg12[%swap3A_1242, %swap3A_1243] {strides = array<i32>} : memref<2x112xi32, #tpu.memory_space<vmem>>, vector<1x16xi32>,
        %swap3A_1245 = vector.shape_cast %swap3A_1244 : vector<1x16xi32> to vector<16xi32>
        %swap3A_1246 = vector.shape_cast %add3A_1240 : vector<16xi32> to vector<1x16xi32>
        tpu.vector_store %arg12[%swap3A_1242, %swap3A_1243], %swap3A_1246 {strides = array<i32>} : memref<2x112xi32, #tpu.memory_space<vmem>>, vector<1x16xi32>,
      } else {
      }
      %gt3A_398 = arith.constant 0 : i32
      %gt3A_399 = arith.cmpi sgt, %scan3A_340, %gt3A_398 : i32
      %convert_element_type3A_400 = arith.extui %gt3A_399 : i1 to i32
      %cond3A_401 = arith.constant 0 : i32
      %cond3A_402 = arith.cmpi ne, %convert_element_type3A_400, %cond3A_401 : i32
      scf.if %cond3A_402 {
        %dma_wait3A_1125 = arith.constant 1 : i32
        %dma_wait3A_1126 = arith.constant 0 : i32
        %dma_wait3A_1127 = tpu.memref_slice %arg15[%dma_wait3A_1125, %dma_wait3A_1126] : memref<2x112xi32, #tpu.memory_space<vmem>> -> memref<1x112xi32, #tpu.memory_space<vmem>>
        %dma_wait3A_1128 = tpu.memref_squeeze %dma_wait3A_1127 : memref<1x112xi32, #tpu.memory_space<vmem>> -> memref<112xi32, #tpu.memory_space<vmem>>
        %dma_wait3A_1129 = arith.constant 0 : i32
        %dma_wait3A_1130 = arith.constant 0 : i32
        %dma_wait3A_1131 = tpu.memref_slice %arg21[%dma_wait3A_1129, %dma_wait3A_1130] : memref<10240x128xf32, #tpu.memory_space<vmem_shared>> -> memref<10240x128xf32, #tpu.memory_space<vmem_shared>>
        tpu.wait_indirect_dma semaphore(%arg33 : memref<!tpu.dma_semaphore, #tpu.memory_space<semaphore_mem>>) src(%arg18 : memref<112x128xf32, #tpu.memory_space<vmem>>) dst(%dma_wait3A_1131 : memref<10240x128xf32, #tpu.memory_space<vmem_shared>>)
      } else {
      }
      %gt3A_403 = arith.constant 0 : i32
      %gt3A_404 = arith.cmpi sgt, %scan3A_340, %gt3A_403 : i32
      %convert_element_type3A_405 = arith.extui %gt3A_404 : i1 to i32
      %cond3A_406 = arith.constant 0 : i32
      %cond3A_407 = arith.cmpi ne, %convert_element_type3A_405, %cond3A_406 : i32
      scf.if %cond3A_407 {
        %dma_start3A_1125 = arith.constant 0 : i32
        %dma_start3A_1126 = arith.constant 0 : i32
        %dma_start3A_1127 = tpu.memref_slice %arg12[%dma_start3A_1125, %dma_start3A_1126] : memref<2x112xi32, #tpu.memory_space<vmem>> -> memref<1x112xi32, #tpu.memory_space<vmem>>
        %dma_start3A_1128 = tpu.memref_squeeze %dma_start3A_1127 : memref<1x112xi32, #tpu.memory_space<vmem>> -> memref<112xi32, #tpu.memory_space<vmem>>
        %dma_start3A_1129 = arith.constant 0 : i32
        %dma_start3A_1130 = arith.constant 0 : i32
        %dma_start3A_1131 = tpu.memref_slice %arg3[%dma_start3A_1129, %dma_start3A_1130] : memref<20000x128xf32, #tpu.memory_space<hbm>> -> memref<20000x128xf32, #tpu.memory_space<hbm>>
        tpu.enqueue_indirect_dma source(%dma_start3A_1131 : memref<20000x128xf32, #tpu.memory_space<hbm>>) target(%arg18 : memref<112x128xf32, #tpu.memory_space<vmem>>) offsets(%dma_start3A_1128 : memref<112xi32, #tpu.memory_space<vmem>>) semaphore(%arg30 : memref<!tpu.dma_semaphore, #tpu.memory_space<semaphore_mem>>)
      } else {
      }
      %dma_wait3A_408 = arith.constant 0 : i32
      %dma_wait3A_409 = arith.constant 0 : i32
      %dma_wait3A_410 = tpu.memref_slice %arg11[%dma_wait3A_408, %dma_wait3A_409] : memref<2x112xi32, #tpu.memory_space<vmem>> -> memref<1x112xi32, #tpu.memory_space<vmem>>
      %dma_wait3A_411 = tpu.memref_squeeze %dma_wait3A_410 : memref<1x112xi32, #tpu.memory_space<vmem>> -> memref<112xi32, #tpu.memory_space<vmem>>
      %dma_wait3A_412 = arith.constant 0 : i32
      %dma_wait3A_413 = arith.constant 0 : i32
      %dma_wait3A_414 = tpu.memref_slice %arg3[%dma_wait3A_412, %dma_wait3A_413] : memref<20000x128xf32, #tpu.memory_space<hbm>> -> memref<20000x128xf32, #tpu.memory_space<hbm>>
      tpu.wait_indirect_dma semaphore(%arg29 : memref<!tpu.dma_semaphore, #tpu.memory_space<semaphore_mem>>) src(%dma_wait3A_414 : memref<20000x128xf32, #tpu.memory_space<hbm>>) dst(%arg17 : memref<112x128xf32, #tpu.memory_space<vmem>>)
      %dma_start3A_415 = arith.constant 1 : i32
      %dma_start3A_416 = arith.constant 0 : i32
      %dma_start3A_417 = tpu.memref_slice %arg11[%dma_start3A_415, %dma_start3A_416] : memref<2x112xi32, #tpu.memory_space<vmem>> -> memref<1x112xi32, #tpu.memory_space<vmem>>
      %dma_start3A_418 = tpu.memref_squeeze %dma_start3A_417 : memref<1x112xi32, #tpu.memory_space<vmem>> -> memref<112xi32, #tpu.memory_space<vmem>>
      %dma_start3A_419 = arith.constant 0 : i32
      %dma_start3A_420 = arith.constant 0 : i32
      %dma_start3A_421 = tpu.memref_slice %arg21[%dma_start3A_419, %dma_start3A_420] : memref<10240x128xf32, #tpu.memory_space<vmem_shared>> -> memref<10240x128xf32, #tpu.memory_space<vmem_shared>>
      tpu.enqueue_indirect_dma source(%arg17 : memref<112x128xf32, #tpu.memory_space<vmem>>) target(%dma_start3A_421 : memref<10240x128xf32, #tpu.memory_space<vmem_shared>>) offsets(%dma_start3A_418 : memref<112xi32, #tpu.memory_space<vmem>>) semaphore(%arg32 : memref<!tpu.dma_semaphore, #tpu.memory_space<semaphore_mem>>) {add = true}
      %gt3A_422 = arith.constant 0 : i32
      %gt3A_423 = arith.cmpi sgt, %scan3A_340, %gt3A_422 : i32
      %convert_element_type3A_424 = arith.extui %gt3A_423 : i1 to i32
      %cond3A_425 = arith.constant 0 : i32
      %cond3A_426 = arith.cmpi ne, %convert_element_type3A_424, %cond3A_425 : i32
      scf.if %cond3A_426 {
        %eq3A_1125 = arith.constant 0 : i32
        %eq3A_1126 = arith.cmpi eq, %arg0, %eq3A_1125 : i32
        %convert_element_type3A_1127 = arith.extui %eq3A_1126 : i1 to i32
        %cond3A_1128 = arith.constant 0 : i32
        %cond3A_1129 = arith.cmpi ne, %convert_element_type3A_1127, %cond3A_1128 : i32
        scf.if %cond3A_1129 {
          %dma_wait3A_1130 = arith.constant 1 : i32
          %dma_wait3A_1131 = arith.constant 0 : i32
          %dma_wait3A_1132 = tpu.memref_slice %arg15[%dma_wait3A_1130, %dma_wait3A_1131] : memref<2x112xi32, #tpu.memory_space<vmem>> -> memref<1x112xi32, #tpu.memory_space<vmem>>
          %dma_wait3A_1133 = tpu.memref_squeeze %dma_wait3A_1132 : memref<1x112xi32, #tpu.memory_space<vmem>> -> memref<112xi32, #tpu.memory_space<vmem>>
          %dma_wait3A_1134 = arith.constant 0 : i32
          %dma_wait3A_1135 = tpu.memref_slice %arg22[%dma_wait3A_1134] : memref<10240xf32, #tpu.memory_space<vmem_shared>> -> memref<10240xf32, #tpu.memory_space<vmem_shared>>
          tpu.wait_indirect_dma semaphore(%arg35 : memref<!tpu.dma_semaphore, #tpu.memory_space<semaphore_mem>>) src(%arg20 : memref<112xf32, #tpu.memory_space<vmem>>) dst(%dma_wait3A_1135 : memref<10240xf32, #tpu.memory_space<vmem_shared>>)
        } else {
        }
      } else {
      }
      %eq3A_427 = arith.constant 0 : i32
      %eq3A_428 = arith.cmpi eq, %arg0, %eq3A_427 : i32
      %convert_element_type3A_429 = arith.extui %eq3A_428 : i1 to i32
      %cond3A_430 = arith.constant 0 : i32
      %cond3A_431 = arith.cmpi ne, %convert_element_type3A_429, %cond3A_430 : i32
      scf.if %cond3A_431 {
        %dma_start3A_1125 = arith.constant 1 : i32
        %dma_start3A_1126 = arith.constant 0 : i32
        %dma_start3A_1127 = tpu.memref_slice %arg11[%dma_start3A_1125, %dma_start3A_1126] : memref<2x112xi32, #tpu.memory_space<vmem>> -> memref<1x112xi32, #tpu.memory_space<vmem>>
        %dma_start3A_1128 = tpu.memref_squeeze %dma_start3A_1127 : memref<1x112xi32, #tpu.memory_space<vmem>> -> memref<112xi32, #tpu.memory_space<vmem>>
        %dma_start3A_1129 = arith.constant 0 : i32
        %dma_start3A_1130 = tpu.memref_slice %arg22[%dma_start3A_1129] : memref<10240xf32, #tpu.memory_space<vmem_shared>> -> memref<10240xf32, #tpu.memory_space<vmem_shared>>
        tpu.enqueue_indirect_dma source(%arg20 : memref<112xf32, #tpu.memory_space<vmem>>) target(%dma_start3A_1130 : memref<10240xf32, #tpu.memory_space<vmem_shared>>) offsets(%dma_start3A_1128 : memref<112xi32, #tpu.memory_space<vmem>>) semaphore(%arg35 : memref<!tpu.dma_semaphore, #tpu.memory_space<semaphore_mem>>) {add = true}
      } else {
      }
      %add3A_432 = arith.constant 2 : i32
      %add3A_433 = arith.addi %add3A_392, %add3A_432 : i32
      %dma_start3A_434 = arith.constant 0 : i32
      %dma_start3A_435 = arith.constant 0 : i32
      %dma_start3A_436 = tpu.memref_slice %arg2[%arg1, %add3A_433, %dma_start3A_434, %dma_start3A_435] : memref<16x90x2x112xi32, #tpu.memory_space<hbm>> -> memref<1x1x2x112xi32, #tpu.memory_space<hbm>>
      %dma_start3A_437 = tpu.memref_squeeze %dma_start3A_436 : memref<1x1x2x112xi32, #tpu.memory_space<hbm>> -> memref<2x112xi32, #tpu.memory_space<hbm>>
      %dma_start3A_438 = arith.constant 0 : i32
      %dma_start3A_439 = arith.constant 0 : i32
      %dma_start3A_440 = tpu.memref_slice %arg2[%arg1, %add3A_433, %dma_start3A_438, %dma_start3A_439] : memref<16x90x2x112xi32, #tpu.memory_space<hbm>> -> memref<1x1x2x112xi32, #tpu.memory_space<hbm>>
      %dma_start3A_441 = tpu.memref_squeeze %dma_start3A_440 : memref<1x1x2x112xi32, #tpu.memory_space<hbm>> -> memref<2x112xi32, #tpu.memory_space<hbm>>
      tpu.enqueue_dma source(%dma_start3A_441 : memref<2x112xi32, #tpu.memory_space<hbm>>) target(%arg14 : memref<2x112xi32, #tpu.memory_space<vmem>>) target_semaphore(%arg26 : memref<!tpu.dma_semaphore, #tpu.memory_space<semaphore_mem>>)
      %mul3A_442 = arith.constant 6 : i32
      %mul3A_443 = arith.muli %scan3A_340, %mul3A_442 : i32
      %add3A_444 = arith.constant 2 : i32
      %add3A_445 = arith.addi %mul3A_443, %add3A_444 : i32
      %dma_wait3A_446 = arith.constant 0 : i32
      %dma_wait3A_447 = arith.constant 0 : i32
      %dma_wait3A_448 = arith.constant 0 : i32
      %dma_wait3A_449 = arith.constant 0 : i32
      %dma_wait3A_450 = tpu.memref_slice %arg2[%dma_wait3A_446, %dma_wait3A_447, %dma_wait3A_448, %dma_wait3A_449] : memref<16x90x2x112xi32, #tpu.memory_space<hbm>> -> memref<1x1x2x112xi32, #tpu.memory_space<hbm>>
      %dma_wait3A_451 = tpu.memref_squeeze %dma_wait3A_450 : memref<1x1x2x112xi32, #tpu.memory_space<hbm>> -> memref<2x112xi32, #tpu.memory_space<hbm>>
      %dma_wait3A_452 = arith.constant 0 : i32
      %dma_wait3A_453 = arith.constant 0 : i32
      %dma_wait3A_454 = tpu.memref_slice %arg2[%dma_wait3A_446, %dma_wait3A_447, %dma_wait3A_452, %dma_wait3A_453] : memref<16x90x2x112xi32, #tpu.memory_space<hbm>> -> memref<1x1x2x112xi32, #tpu.memory_space<hbm>>
      %dma_wait3A_455 = tpu.memref_squeeze %dma_wait3A_454 : memref<1x1x2x112xi32, #tpu.memory_space<hbm>> -> memref<2x112xi32, #tpu.memory_space<hbm>>
      tpu.wait_dma2 semaphore(%arg25 : memref<!tpu.dma_semaphore, #tpu.memory_space<semaphore_mem>>) src(%dma_wait3A_455 : memref<2x112xi32, #tpu.memory_space<hbm>>) dst(%arg13 : memref<2x112xi32, #tpu.memory_space<vmem>>)
      %get3A_456 = arith.constant 0 : i32
      %get3A_457 = arith.index_cast %get3A_456 : i32 to index
      %get3A_458 = arith.constant 0 : index
      %get3A_459 = tpu.vector_load %arg13[%get3A_457, %get3A_458] {strides = array<i32>} : memref<2x112xi32, #tpu.memory_space<vmem>>, vector<1x16xi32>,
      %get3A_460 = vector.shape_cast %get3A_459 : vector<1x16xi32> to vector<16xi32>
      %mul3A_461 = arith.constant 2 : i32
      %mul3A_462 = vector.broadcast %mul3A_461 : i32 to vector<16xi32>
      %mul3A_463 = arith.muli %get3A_460, %mul3A_462 : vector<16xi32>
      %add3A_464 = vector.broadcast %arg0 : i32 to vector<16xi32>
      %add3A_465 = arith.addi %mul3A_463, %add3A_464 : vector<16xi32>
      %swap3A_466 = arith.constant 0 : i32
      %swap3A_467 = arith.index_cast %swap3A_466 : i32 to index
      %swap3A_468 = arith.constant 0 : index
      %swap3A_469 = tpu.vector_load %arg13[%swap3A_467, %swap3A_468] {strides = array<i32>} : memref<2x112xi32, #tpu.memory_space<vmem>>, vector<1x16xi32>,
      %swap3A_470 = vector.shape_cast %swap3A_469 : vector<1x16xi32> to vector<16xi32>
      %swap3A_471 = vector.shape_cast %add3A_465 : vector<16xi32> to vector<1x16xi32>
      tpu.vector_store %arg13[%swap3A_467, %swap3A_468], %swap3A_471 {strides = array<i32>} : memref<2x112xi32, #tpu.memory_space<vmem>>, vector<1x16xi32>,
      %get3A_472 = arith.constant 0 : i32
      %get3A_473 = arith.index_cast %get3A_472 : i32 to index
      %get3A_474 = arith.constant 16 : index
      %get3A_475 = tpu.vector_load %arg13[%get3A_473, %get3A_474] {strides = array<i32>} : memref<2x112xi32, #tpu.memory_space<vmem>>, vector<1x16xi32>,
      %get3A_476 = vector.shape_cast %get3A_475 : vector<1x16xi32> to vector<16xi32>
      %mul3A_477 = arith.constant 2 : i32
      %mul3A_478 = vector.broadcast %mul3A_477 : i32 to vector<16xi32>
      %mul3A_479 = arith.muli %get3A_476, %mul3A_478 : vector<16xi32>
      %add3A_480 = vector.broadcast %arg0 : i32 to vector<16xi32>
      %add3A_481 = arith.addi %mul3A_479, %add3A_480 : vector<16xi32>
      %swap3A_482 = arith.constant 0 : i32
      %swap3A_483 = arith.index_cast %swap3A_482 : i32 to index
      %swap3A_484 = arith.constant 16 : index
      %swap3A_485 = tpu.vector_load %arg13[%swap3A_483, %swap3A_484] {strides = array<i32>} : memref<2x112xi32, #tpu.memory_space<vmem>>, vector<1x16xi32>,
      %swap3A_486 = vector.shape_cast %swap3A_485 : vector<1x16xi32> to vector<16xi32>
      %swap3A_487 = vector.shape_cast %add3A_481 : vector<16xi32> to vector<1x16xi32>
      tpu.vector_store %arg13[%swap3A_483, %swap3A_484], %swap3A_487 {strides = array<i32>} : memref<2x112xi32, #tpu.memory_space<vmem>>, vector<1x16xi32>,
      %get3A_488 = arith.constant 0 : i32
      %get3A_489 = arith.index_cast %get3A_488 : i32 to index
      %get3A_490 = arith.constant 32 : index
      %get3A_491 = tpu.vector_load %arg13[%get3A_489, %get3A_490] {strides = array<i32>} : memref<2x112xi32, #tpu.memory_space<vmem>>, vector<1x16xi32>,
      %get3A_492 = vector.shape_cast %get3A_491 : vector<1x16xi32> to vector<16xi32>
      %mul3A_493 = arith.constant 2 : i32
      %mul3A_494 = vector.broadcast %mul3A_493 : i32 to vector<16xi32>
      %mul3A_495 = arith.muli %get3A_492, %mul3A_494 : vector<16xi32>
      %add3A_496 = vector.broadcast %arg0 : i32 to vector<16xi32>
      %add3A_497 = arith.addi %mul3A_495, %add3A_496 : vector<16xi32>
      %swap3A_498 = arith.constant 0 : i32
      %swap3A_499 = arith.index_cast %swap3A_498 : i32 to index
      %swap3A_500 = arith.constant 32 : index
      %swap3A_501 = tpu.vector_load %arg13[%swap3A_499, %swap3A_500] {strides = array<i32>} : memref<2x112xi32, #tpu.memory_space<vmem>>, vector<1x16xi32>,
      %swap3A_502 = vector.shape_cast %swap3A_501 : vector<1x16xi32> to vector<16xi32>
      %swap3A_503 = vector.shape_cast %add3A_497 : vector<16xi32> to vector<1x16xi32>
      tpu.vector_store %arg13[%swap3A_499, %swap3A_500], %swap3A_503 {strides = array<i32>} : memref<2x112xi32, #tpu.memory_space<vmem>>, vector<1x16xi32>,
      %get3A_504 = arith.constant 0 : i32
      %get3A_505 = arith.index_cast %get3A_504 : i32 to index
      %get3A_506 = arith.constant 48 : index
      %get3A_507 = tpu.vector_load %arg13[%get3A_505, %get3A_506] {strides = array<i32>} : memref<2x112xi32, #tpu.memory_space<vmem>>, vector<1x16xi32>,
      %get3A_508 = vector.shape_cast %get3A_507 : vector<1x16xi32> to vector<16xi32>
      %mul3A_509 = arith.constant 2 : i32
      %mul3A_510 = vector.broadcast %mul3A_509 : i32 to vector<16xi32>
      %mul3A_511 = arith.muli %get3A_508, %mul3A_510 : vector<16xi32>
      %add3A_512 = vector.broadcast %arg0 : i32 to vector<16xi32>
      %add3A_513 = arith.addi %mul3A_511, %add3A_512 : vector<16xi32>
      %swap3A_514 = arith.constant 0 : i32
      %swap3A_515 = arith.index_cast %swap3A_514 : i32 to index
      %swap3A_516 = arith.constant 48 : index
      %swap3A_517 = tpu.vector_load %arg13[%swap3A_515, %swap3A_516] {strides = array<i32>} : memref<2x112xi32, #tpu.memory_space<vmem>>, vector<1x16xi32>,
      %swap3A_518 = vector.shape_cast %swap3A_517 : vector<1x16xi32> to vector<16xi32>
      %swap3A_519 = vector.shape_cast %add3A_513 : vector<16xi32> to vector<1x16xi32>
      tpu.vector_store %arg13[%swap3A_515, %swap3A_516], %swap3A_519 {strides = array<i32>} : memref<2x112xi32, #tpu.memory_space<vmem>>, vector<1x16xi32>,
      %get3A_520 = arith.constant 0 : i32
      %get3A_521 = arith.index_cast %get3A_520 : i32 to index
      %get3A_522 = arith.constant 64 : index
      %get3A_523 = tpu.vector_load %arg13[%get3A_521, %get3A_522] {strides = array<i32>} : memref<2x112xi32, #tpu.memory_space<vmem>>, vector<1x16xi32>,
      %get3A_524 = vector.shape_cast %get3A_523 : vector<1x16xi32> to vector<16xi32>
      %mul3A_525 = arith.constant 2 : i32
      %mul3A_526 = vector.broadcast %mul3A_525 : i32 to vector<16xi32>
      %mul3A_527 = arith.muli %get3A_524, %mul3A_526 : vector<16xi32>
      %add3A_528 = vector.broadcast %arg0 : i32 to vector<16xi32>
      %add3A_529 = arith.addi %mul3A_527, %add3A_528 : vector<16xi32>
      %swap3A_530 = arith.constant 0 : i32
      %swap3A_531 = arith.index_cast %swap3A_530 : i32 to index
      %swap3A_532 = arith.constant 64 : index
      %swap3A_533 = tpu.vector_load %arg13[%swap3A_531, %swap3A_532] {strides = array<i32>} : memref<2x112xi32, #tpu.memory_space<vmem>>, vector<1x16xi32>,
      %swap3A_534 = vector.shape_cast %swap3A_533 : vector<1x16xi32> to vector<16xi32>
      %swap3A_535 = vector.shape_cast %add3A_529 : vector<16xi32> to vector<1x16xi32>
      tpu.vector_store %arg13[%swap3A_531, %swap3A_532], %swap3A_535 {strides = array<i32>} : memref<2x112xi32, #tpu.memory_space<vmem>>, vector<1x16xi32>,
      %get3A_536 = arith.constant 0 : i32
      %get3A_537 = arith.index_cast %get3A_536 : i32 to index
      %get3A_538 = arith.constant 80 : index
      %get3A_539 = tpu.vector_load %arg13[%get3A_537, %get3A_538] {strides = array<i32>} : memref<2x112xi32, #tpu.memory_space<vmem>>, vector<1x16xi32>,
      %get3A_540 = vector.shape_cast %get3A_539 : vector<1x16xi32> to vector<16xi32>
      %mul3A_541 = arith.constant 2 : i32
      %mul3A_542 = vector.broadcast %mul3A_541 : i32 to vector<16xi32>
      %mul3A_543 = arith.muli %get3A_540, %mul3A_542 : vector<16xi32>
      %add3A_544 = vector.broadcast %arg0 : i32 to vector<16xi32>
      %add3A_545 = arith.addi %mul3A_543, %add3A_544 : vector<16xi32>
      %swap3A_546 = arith.constant 0 : i32
      %swap3A_547 = arith.index_cast %swap3A_546 : i32 to index
      %swap3A_548 = arith.constant 80 : index
      %swap3A_549 = tpu.vector_load %arg13[%swap3A_547, %swap3A_548] {strides = array<i32>} : memref<2x112xi32, #tpu.memory_space<vmem>>, vector<1x16xi32>,
      %swap3A_550 = vector.shape_cast %swap3A_549 : vector<1x16xi32> to vector<16xi32>
      %swap3A_551 = vector.shape_cast %add3A_545 : vector<16xi32> to vector<1x16xi32>
      tpu.vector_store %arg13[%swap3A_547, %swap3A_548], %swap3A_551 {strides = array<i32>} : memref<2x112xi32, #tpu.memory_space<vmem>>, vector<1x16xi32>,
      %get3A_552 = arith.constant 0 : i32
      %get3A_553 = arith.index_cast %get3A_552 : i32 to index
      %get3A_554 = arith.constant 96 : index
      %get3A_555 = tpu.vector_load %arg13[%get3A_553, %get3A_554] {strides = array<i32>} : memref<2x112xi32, #tpu.memory_space<vmem>>, vector<1x16xi32>,
      %get3A_556 = vector.shape_cast %get3A_555 : vector<1x16xi32> to vector<16xi32>
      %mul3A_557 = arith.constant 2 : i32
      %mul3A_558 = vector.broadcast %mul3A_557 : i32 to vector<16xi32>
      %mul3A_559 = arith.muli %get3A_556, %mul3A_558 : vector<16xi32>
      %add3A_560 = vector.broadcast %arg0 : i32 to vector<16xi32>
      %add3A_561 = arith.addi %mul3A_559, %add3A_560 : vector<16xi32>
      %swap3A_562 = arith.constant 0 : i32
      %swap3A_563 = arith.index_cast %swap3A_562 : i32 to index
      %swap3A_564 = arith.constant 96 : index
      %swap3A_565 = tpu.vector_load %arg13[%swap3A_563, %swap3A_564] {strides = array<i32>} : memref<2x112xi32, #tpu.memory_space<vmem>>, vector<1x16xi32>,
      %swap3A_566 = vector.shape_cast %swap3A_565 : vector<1x16xi32> to vector<16xi32>
      %swap3A_567 = vector.shape_cast %add3A_561 : vector<16xi32> to vector<1x16xi32>
      tpu.vector_store %arg13[%swap3A_563, %swap3A_564], %swap3A_567 {strides = array<i32>} : memref<2x112xi32, #tpu.memory_space<vmem>>, vector<1x16xi32>,
      %gt3A_568 = arith.constant 0 : i32
      %gt3A_569 = arith.cmpi sgt, %scan3A_340, %gt3A_568 : i32
      %convert_element_type3A_570 = arith.extui %gt3A_569 : i1 to i32
      %cond3A_571 = arith.constant 0 : i32
      %cond3A_572 = arith.cmpi ne, %convert_element_type3A_570, %cond3A_571 : i32
      scf.if %cond3A_572 {
        %dma_wait3A_1125 = arith.constant 1 : i32
        %dma_wait3A_1126 = arith.constant 0 : i32
        %dma_wait3A_1127 = tpu.memref_slice %arg16[%dma_wait3A_1125, %dma_wait3A_1126] : memref<2x112xi32, #tpu.memory_space<vmem>> -> memref<1x112xi32, #tpu.memory_space<vmem>>
        %dma_wait3A_1128 = tpu.memref_squeeze %dma_wait3A_1127 : memref<1x112xi32, #tpu.memory_space<vmem>> -> memref<112xi32, #tpu.memory_space<vmem>>
        %dma_wait3A_1129 = arith.constant 0 : i32
        %dma_wait3A_1130 = arith.constant 0 : i32
        %dma_wait3A_1131 = tpu.memref_slice %arg21[%dma_wait3A_1129, %dma_wait3A_1130] : memref<10240x128xf32, #tpu.memory_space<vmem_shared>> -> memref<10240x128xf32, #tpu.memory_space<vmem_shared>>
        tpu.wait_indirect_dma semaphore(%arg34 : memref<!tpu.dma_semaphore, #tpu.memory_space<semaphore_mem>>) src(%arg19 : memref<112x128xf32, #tpu.memory_space<vmem>>) dst(%dma_wait3A_1131 : memref<10240x128xf32, #tpu.memory_space<vmem_shared>>)
      } else {
      }
      %dma_start3A_573 = arith.constant 0 : i32
      %dma_start3A_574 = arith.constant 0 : i32
      %dma_start3A_575 = tpu.memref_slice %arg13[%dma_start3A_573, %dma_start3A_574] : memref<2x112xi32, #tpu.memory_space<vmem>> -> memref<1x112xi32, #tpu.memory_space<vmem>>
      %dma_start3A_576 = tpu.memref_squeeze %dma_start3A_575 : memref<1x112xi32, #tpu.memory_space<vmem>> -> memref<112xi32, #tpu.memory_space<vmem>>
      %dma_start3A_577 = arith.constant 0 : i32
      %dma_start3A_578 = arith.constant 0 : i32
      %dma_start3A_579 = tpu.memref_slice %arg3[%dma_start3A_577, %dma_start3A_578] : memref<20000x128xf32, #tpu.memory_space<hbm>> -> memref<20000x128xf32, #tpu.memory_space<hbm>>
      tpu.enqueue_indirect_dma source(%dma_start3A_579 : memref<20000x128xf32, #tpu.memory_space<hbm>>) target(%arg19 : memref<112x128xf32, #tpu.memory_space<vmem>>) offsets(%dma_start3A_576 : memref<112xi32, #tpu.memory_space<vmem>>) semaphore(%arg31 : memref<!tpu.dma_semaphore, #tpu.memory_space<semaphore_mem>>)
      %dma_wait3A_580 = arith.constant 0 : i32
      %dma_wait3A_581 = arith.constant 0 : i32
      %dma_wait3A_582 = tpu.memref_slice %arg12[%dma_wait3A_580, %dma_wait3A_581] : memref<2x112xi32, #tpu.memory_space<vmem>> -> memref<1x112xi32, #tpu.memory_space<vmem>>
      %dma_wait3A_583 = tpu.memref_squeeze %dma_wait3A_582 : memref<1x112xi32, #tpu.memory_space<vmem>> -> memref<112xi32, #tpu.memory_space<vmem>>
      %dma_wait3A_584 = arith.constant 0 : i32
      %dma_wait3A_585 = arith.constant 0 : i32
      %dma_wait3A_586 = tpu.memref_slice %arg3[%dma_wait3A_584, %dma_wait3A_585] : memref<20000x128xf32, #tpu.memory_space<hbm>> -> memref<20000x128xf32, #tpu.memory_space<hbm>>
      tpu.wait_indirect_dma semaphore(%arg30 : memref<!tpu.dma_semaphore, #tpu.memory_space<semaphore_mem>>) src(%dma_wait3A_586 : memref<20000x128xf32, #tpu.memory_space<hbm>>) dst(%arg18 : memref<112x128xf32, #tpu.memory_space<vmem>>)
      %dma_start3A_587 = arith.constant 1 : i32
      %dma_start3A_588 = arith.constant 0 : i32
      %dma_start3A_589 = tpu.memref_slice %arg12[%dma_start3A_587, %dma_start3A_588] : memref<2x112xi32, #tpu.memory_space<vmem>> -> memref<1x112xi32, #tpu.memory_space<vmem>>
      %dma_start3A_590 = tpu.memref_squeeze %dma_start3A_589 : memref<1x112xi32, #tpu.memory_space<vmem>> -> memref<112xi32, #tpu.memory_space<vmem>>
      %dma_start3A_591 = arith.constant 0 : i32
      %dma_start3A_592 = arith.constant 0 : i32
      %dma_start3A_593 = tpu.memref_slice %arg21[%dma_start3A_591, %dma_start3A_592] : memref<10240x128xf32, #tpu.memory_space<vmem_shared>> -> memref<10240x128xf32, #tpu.memory_space<vmem_shared>>
      tpu.enqueue_indirect_dma source(%arg18 : memref<112x128xf32, #tpu.memory_space<vmem>>) target(%dma_start3A_593 : memref<10240x128xf32, #tpu.memory_space<vmem_shared>>) offsets(%dma_start3A_590 : memref<112xi32, #tpu.memory_space<vmem>>) semaphore(%arg33 : memref<!tpu.dma_semaphore, #tpu.memory_space<semaphore_mem>>) {add = true}
      %gt3A_594 = arith.constant 0 : i32
      %gt3A_595 = arith.cmpi sgt, %scan3A_340, %gt3A_594 : i32
      %convert_element_type3A_596 = arith.extui %gt3A_595 : i1 to i32
      %cond3A_597 = arith.constant 0 : i32
      %cond3A_598 = arith.cmpi ne, %convert_element_type3A_596, %cond3A_597 : i32
      scf.if %cond3A_598 {
        %eq3A_1125 = arith.constant 1 : i32
        %eq3A_1126 = arith.cmpi eq, %arg0, %eq3A_1125 : i32
        %convert_element_type3A_1127 = arith.extui %eq3A_1126 : i1 to i32
        %cond3A_1128 = arith.constant 0 : i32
        %cond3A_1129 = arith.cmpi ne, %convert_element_type3A_1127, %cond3A_1128 : i32
        scf.if %cond3A_1129 {
          %dma_wait3A_1130 = arith.constant 1 : i32
          %dma_wait3A_1131 = arith.constant 0 : i32
          %dma_wait3A_1132 = tpu.memref_slice %arg16[%dma_wait3A_1130, %dma_wait3A_1131] : memref<2x112xi32, #tpu.memory_space<vmem>> -> memref<1x112xi32, #tpu.memory_space<vmem>>
          %dma_wait3A_1133 = tpu.memref_squeeze %dma_wait3A_1132 : memref<1x112xi32, #tpu.memory_space<vmem>> -> memref<112xi32, #tpu.memory_space<vmem>>
          %dma_wait3A_1134 = arith.constant 0 : i32
          %dma_wait3A_1135 = tpu.memref_slice %arg22[%dma_wait3A_1134] : memref<10240xf32, #tpu.memory_space<vmem_shared>> -> memref<10240xf32, #tpu.memory_space<vmem_shared>>
          tpu.wait_indirect_dma semaphore(%arg35 : memref<!tpu.dma_semaphore, #tpu.memory_space<semaphore_mem>>) src(%arg20 : memref<112xf32, #tpu.memory_space<vmem>>) dst(%dma_wait3A_1135 : memref<10240xf32, #tpu.memory_space<vmem_shared>>)
        } else {
        }
      } else {
      }
      %eq3A_599 = arith.constant 1 : i32
      %eq3A_600 = arith.cmpi eq, %arg0, %eq3A_599 : i32
      %convert_element_type3A_601 = arith.extui %eq3A_600 : i1 to i32
      %cond3A_602 = arith.constant 0 : i32
      %cond3A_603 = arith.cmpi ne, %convert_element_type3A_601, %cond3A_602 : i32
      scf.if %cond3A_603 {
        %dma_start3A_1125 = arith.constant 1 : i32
        %dma_start3A_1126 = arith.constant 0 : i32
        %dma_start3A_1127 = tpu.memref_slice %arg12[%dma_start3A_1125, %dma_start3A_1126] : memref<2x112xi32, #tpu.memory_space<vmem>> -> memref<1x112xi32, #tpu.memory_space<vmem>>
        %dma_start3A_1128 = tpu.memref_squeeze %dma_start3A_1127 : memref<1x112xi32, #tpu.memory_space<vmem>> -> memref<112xi32, #tpu.memory_space<vmem>>
        %dma_start3A_1129 = arith.constant 0 : i32
        %dma_start3A_1130 = tpu.memref_slice %arg22[%dma_start3A_1129] : memref<10240xf32, #tpu.memory_space<vmem_shared>> -> memref<10240xf32, #tpu.memory_space<vmem_shared>>
        tpu.enqueue_indirect_dma source(%arg20 : memref<112xf32, #tpu.memory_space<vmem>>) target(%dma_start3A_1130 : memref<10240xf32, #tpu.memory_space<vmem_shared>>) offsets(%dma_start3A_1128 : memref<112xi32, #tpu.memory_space<vmem>>) semaphore(%arg35 : memref<!tpu.dma_semaphore, #tpu.memory_space<semaphore_mem>>) {add = true}
      } else {
      }
      %add3A_604 = arith.constant 2 : i32
      %add3A_605 = arith.addi %add3A_445, %add3A_604 : i32
      %dma_start3A_606 = arith.constant 0 : i32
      %dma_start3A_607 = arith.constant 0 : i32
      %dma_start3A_608 = tpu.memref_slice %arg2[%arg1, %add3A_605, %dma_start3A_606, %dma_start3A_607] : memref<16x90x2x112xi32, #tpu.memory_space<hbm>> -> memref<1x1x2x112xi32, #tpu.memory_space<hbm>>
      %dma_start3A_609 = tpu.memref_squeeze %dma_start3A_608 : memref<1x1x2x112xi32, #tpu.memory_space<hbm>> -> memref<2x112xi32, #tpu.memory_space<hbm>>
      %dma_start3A_610 = arith.constant 0 : i32
      %dma_start3A_611 = arith.constant 0 : i32
      %dma_start3A_612 = tpu.memref_slice %arg2[%arg1, %add3A_605, %dma_start3A_610, %dma_start3A_611] : memref<16x90x2x112xi32, #tpu.memory_space<hbm>> -> memref<1x1x2x112xi32, #tpu.memory_space<hbm>>
      %dma_start3A_613 = tpu.memref_squeeze %dma_start3A_612 : memref<1x1x2x112xi32, #tpu.memory_space<hbm>> -> memref<2x112xi32, #tpu.memory_space<hbm>>
      tpu.enqueue_dma source(%dma_start3A_613 : memref<2x112xi32, #tpu.memory_space<hbm>>) target(%arg15 : memref<2x112xi32, #tpu.memory_space<vmem>>) target_semaphore(%arg27 : memref<!tpu.dma_semaphore, #tpu.memory_space<semaphore_mem>>)
      %mul3A_614 = arith.constant 6 : i32
      %mul3A_615 = arith.muli %scan3A_340, %mul3A_614 : i32
      %add3A_616 = arith.constant 3 : i32
      %add3A_617 = arith.addi %mul3A_615, %add3A_616 : i32
      %dma_wait3A_618 = arith.constant 0 : i32
      %dma_wait3A_619 = arith.constant 0 : i32
      %dma_wait3A_620 = arith.constant 0 : i32
      %dma_wait3A_621 = arith.constant 0 : i32
      %dma_wait3A_622 = tpu.memref_slice %arg2[%dma_wait3A_618, %dma_wait3A_619, %dma_wait3A_620, %dma_wait3A_621] : memref<16x90x2x112xi32, #tpu.memory_space<hbm>> -> memref<1x1x2x112xi32, #tpu.memory_space<hbm>>
      %dma_wait3A_623 = tpu.memref_squeeze %dma_wait3A_622 : memref<1x1x2x112xi32, #tpu.memory_space<hbm>> -> memref<2x112xi32, #tpu.memory_space<hbm>>
      %dma_wait3A_624 = arith.constant 0 : i32
      %dma_wait3A_625 = arith.constant 0 : i32
      %dma_wait3A_626 = tpu.memref_slice %arg2[%dma_wait3A_618, %dma_wait3A_619, %dma_wait3A_624, %dma_wait3A_625] : memref<16x90x2x112xi32, #tpu.memory_space<hbm>> -> memref<1x1x2x112xi32, #tpu.memory_space<hbm>>
      %dma_wait3A_627 = tpu.memref_squeeze %dma_wait3A_626 : memref<1x1x2x112xi32, #tpu.memory_space<hbm>> -> memref<2x112xi32, #tpu.memory_space<hbm>>
      tpu.wait_dma2 semaphore(%arg26 : memref<!tpu.dma_semaphore, #tpu.memory_space<semaphore_mem>>) src(%dma_wait3A_627 : memref<2x112xi32, #tpu.memory_space<hbm>>) dst(%arg14 : memref<2x112xi32, #tpu.memory_space<vmem>>)
      %get3A_628 = arith.constant 0 : i32
      %get3A_629 = arith.index_cast %get3A_628 : i32 to index
      %get3A_630 = arith.constant 0 : index
      %get3A_631 = tpu.vector_load %arg14[%get3A_629, %get3A_630] {strides = array<i32>} : memref<2x112xi32, #tpu.memory_space<vmem>>, vector<1x16xi32>,
      %get3A_632 = vector.shape_cast %get3A_631 : vector<1x16xi32> to vector<16xi32>
      %mul3A_633 = arith.constant 2 : i32
      %mul3A_634 = vector.broadcast %mul3A_633 : i32 to vector<16xi32>
      %mul3A_635 = arith.muli %get3A_632, %mul3A_634 : vector<16xi32>
      %add3A_636 = vector.broadcast %arg0 : i32 to vector<16xi32>
      %add3A_637 = arith.addi %mul3A_635, %add3A_636 : vector<16xi32>
      %swap3A_638 = arith.constant 0 : i32
      %swap3A_639 = arith.index_cast %swap3A_638 : i32 to index
      %swap3A_640 = arith.constant 0 : index
      %swap3A_641 = tpu.vector_load %arg14[%swap3A_639, %swap3A_640] {strides = array<i32>} : memref<2x112xi32, #tpu.memory_space<vmem>>, vector<1x16xi32>,
      %swap3A_642 = vector.shape_cast %swap3A_641 : vector<1x16xi32> to vector<16xi32>
      %swap3A_643 = vector.shape_cast %add3A_637 : vector<16xi32> to vector<1x16xi32>
      tpu.vector_store %arg14[%swap3A_639, %swap3A_640], %swap3A_643 {strides = array<i32>} : memref<2x112xi32, #tpu.memory_space<vmem>>, vector<1x16xi32>,
      %get3A_644 = arith.constant 0 : i32
      %get3A_645 = arith.index_cast %get3A_644 : i32 to index
      %get3A_646 = arith.constant 16 : index
      %get3A_647 = tpu.vector_load %arg14[%get3A_645, %get3A_646] {strides = array<i32>} : memref<2x112xi32, #tpu.memory_space<vmem>>, vector<1x16xi32>,
      %get3A_648 = vector.shape_cast %get3A_647 : vector<1x16xi32> to vector<16xi32>
      %mul3A_649 = arith.constant 2 : i32
      %mul3A_650 = vector.broadcast %mul3A_649 : i32 to vector<16xi32>
      %mul3A_651 = arith.muli %get3A_648, %mul3A_650 : vector<16xi32>
      %add3A_652 = vector.broadcast %arg0 : i32 to vector<16xi32>
      %add3A_653 = arith.addi %mul3A_651, %add3A_652 : vector<16xi32>
      %swap3A_654 = arith.constant 0 : i32
      %swap3A_655 = arith.index_cast %swap3A_654 : i32 to index
      %swap3A_656 = arith.constant 16 : index
      %swap3A_657 = tpu.vector_load %arg14[%swap3A_655, %swap3A_656] {strides = array<i32>} : memref<2x112xi32, #tpu.memory_space<vmem>>, vector<1x16xi32>,
      %swap3A_658 = vector.shape_cast %swap3A_657 : vector<1x16xi32> to vector<16xi32>
      %swap3A_659 = vector.shape_cast %add3A_653 : vector<16xi32> to vector<1x16xi32>
      tpu.vector_store %arg14[%swap3A_655, %swap3A_656], %swap3A_659 {strides = array<i32>} : memref<2x112xi32, #tpu.memory_space<vmem>>, vector<1x16xi32>,
      %get3A_660 = arith.constant 0 : i32
      %get3A_661 = arith.index_cast %get3A_660 : i32 to index
      %get3A_662 = arith.constant 32 : index
      %get3A_663 = tpu.vector_load %arg14[%get3A_661, %get3A_662] {strides = array<i32>} : memref<2x112xi32, #tpu.memory_space<vmem>>, vector<1x16xi32>,
      %get3A_664 = vector.shape_cast %get3A_663 : vector<1x16xi32> to vector<16xi32>
      %mul3A_665 = arith.constant 2 : i32
      %mul3A_666 = vector.broadcast %mul3A_665 : i32 to vector<16xi32>
      %mul3A_667 = arith.muli %get3A_664, %mul3A_666 : vector<16xi32>
      %add3A_668 = vector.broadcast %arg0 : i32 to vector<16xi32>
      %add3A_669 = arith.addi %mul3A_667, %add3A_668 : vector<16xi32>
      %swap3A_670 = arith.constant 0 : i32
      %swap3A_671 = arith.index_cast %swap3A_670 : i32 to index
      %swap3A_672 = arith.constant 32 : index
      %swap3A_673 = tpu.vector_load %arg14[%swap3A_671, %swap3A_672] {strides = array<i32>} : memref<2x112xi32, #tpu.memory_space<vmem>>, vector<1x16xi32>,
      %swap3A_674 = vector.shape_cast %swap3A_673 : vector<1x16xi32> to vector<16xi32>
      %swap3A_675 = vector.shape_cast %add3A_669 : vector<16xi32> to vector<1x16xi32>
      tpu.vector_store %arg14[%swap3A_671, %swap3A_672], %swap3A_675 {strides = array<i32>} : memref<2x112xi32, #tpu.memory_space<vmem>>, vector<1x16xi32>,
      %get3A_676 = arith.constant 0 : i32
      %get3A_677 = arith.index_cast %get3A_676 : i32 to index
      %get3A_678 = arith.constant 48 : index
      %get3A_679 = tpu.vector_load %arg14[%get3A_677, %get3A_678] {strides = array<i32>} : memref<2x112xi32, #tpu.memory_space<vmem>>, vector<1x16xi32>,
      %get3A_680 = vector.shape_cast %get3A_679 : vector<1x16xi32> to vector<16xi32>
      %mul3A_681 = arith.constant 2 : i32
      %mul3A_682 = vector.broadcast %mul3A_681 : i32 to vector<16xi32>
      %mul3A_683 = arith.muli %get3A_680, %mul3A_682 : vector<16xi32>
      %add3A_684 = vector.broadcast %arg0 : i32 to vector<16xi32>
      %add3A_685 = arith.addi %mul3A_683, %add3A_684 : vector<16xi32>
      %swap3A_686 = arith.constant 0 : i32
      %swap3A_687 = arith.index_cast %swap3A_686 : i32 to index
      %swap3A_688 = arith.constant 48 : index
      %swap3A_689 = tpu.vector_load %arg14[%swap3A_687, %swap3A_688] {strides = array<i32>} : memref<2x112xi32, #tpu.memory_space<vmem>>, vector<1x16xi32>,
      %swap3A_690 = vector.shape_cast %swap3A_689 : vector<1x16xi32> to vector<16xi32>
      %swap3A_691 = vector.shape_cast %add3A_685 : vector<16xi32> to vector<1x16xi32>
      tpu.vector_store %arg14[%swap3A_687, %swap3A_688], %swap3A_691 {strides = array<i32>} : memref<2x112xi32, #tpu.memory_space<vmem>>, vector<1x16xi32>,
      %get3A_692 = arith.constant 0 : i32
      %get3A_693 = arith.index_cast %get3A_692 : i32 to index
      %get3A_694 = arith.constant 64 : index
      %get3A_695 = tpu.vector_load %arg14[%get3A_693, %get3A_694] {strides = array<i32>} : memref<2x112xi32, #tpu.memory_space<vmem>>, vector<1x16xi32>,
      %get3A_696 = vector.shape_cast %get3A_695 : vector<1x16xi32> to vector<16xi32>
      %mul3A_697 = arith.constant 2 : i32
      %mul3A_698 = vector.broadcast %mul3A_697 : i32 to vector<16xi32>
      %mul3A_699 = arith.muli %get3A_696, %mul3A_698 : vector<16xi32>
      %add3A_700 = vector.broadcast %arg0 : i32 to vector<16xi32>
      %add3A_701 = arith.addi %mul3A_699, %add3A_700 : vector<16xi32>
      %swap3A_702 = arith.constant 0 : i32
      %swap3A_703 = arith.index_cast %swap3A_702 : i32 to index
      %swap3A_704 = arith.constant 64 : index
      %swap3A_705 = tpu.vector_load %arg14[%swap3A_703, %swap3A_704] {strides = array<i32>} : memref<2x112xi32, #tpu.memory_space<vmem>>, vector<1x16xi32>,
      %swap3A_706 = vector.shape_cast %swap3A_705 : vector<1x16xi32> to vector<16xi32>
      %swap3A_707 = vector.shape_cast %add3A_701 : vector<16xi32> to vector<1x16xi32>
      tpu.vector_store %arg14[%swap3A_703, %swap3A_704], %swap3A_707 {strides = array<i32>} : memref<2x112xi32, #tpu.memory_space<vmem>>, vector<1x16xi32>,
      %get3A_708 = arith.constant 0 : i32
      %get3A_709 = arith.index_cast %get3A_708 : i32 to index
      %get3A_710 = arith.constant 80 : index
      %get3A_711 = tpu.vector_load %arg14[%get3A_709, %get3A_710] {strides = array<i32>} : memref<2x112xi32, #tpu.memory_space<vmem>>, vector<1x16xi32>,
      %get3A_712 = vector.shape_cast %get3A_711 : vector<1x16xi32> to vector<16xi32>
      %mul3A_713 = arith.constant 2 : i32
      %mul3A_714 = vector.broadcast %mul3A_713 : i32 to vector<16xi32>
      %mul3A_715 = arith.muli %get3A_712, %mul3A_714 : vector<16xi32>
      %add3A_716 = vector.broadcast %arg0 : i32 to vector<16xi32>
      %add3A_717 = arith.addi %mul3A_715, %add3A_716 : vector<16xi32>
      %swap3A_718 = arith.constant 0 : i32
      %swap3A_719 = arith.index_cast %swap3A_718 : i32 to index
      %swap3A_720 = arith.constant 80 : index
      %swap3A_721 = tpu.vector_load %arg14[%swap3A_719, %swap3A_720] {strides = array<i32>} : memref<2x112xi32, #tpu.memory_space<vmem>>, vector<1x16xi32>,
      %swap3A_722 = vector.shape_cast %swap3A_721 : vector<1x16xi32> to vector<16xi32>
      %swap3A_723 = vector.shape_cast %add3A_717 : vector<16xi32> to vector<1x16xi32>
      tpu.vector_store %arg14[%swap3A_719, %swap3A_720], %swap3A_723 {strides = array<i32>} : memref<2x112xi32, #tpu.memory_space<vmem>>, vector<1x16xi32>,
      %get3A_724 = arith.constant 0 : i32
      %get3A_725 = arith.index_cast %get3A_724 : i32 to index
      %get3A_726 = arith.constant 96 : index
      %get3A_727 = tpu.vector_load %arg14[%get3A_725, %get3A_726] {strides = array<i32>} : memref<2x112xi32, #tpu.memory_space<vmem>>, vector<1x16xi32>,
      %get3A_728 = vector.shape_cast %get3A_727 : vector<1x16xi32> to vector<16xi32>
      %mul3A_729 = arith.constant 2 : i32
      %mul3A_730 = vector.broadcast %mul3A_729 : i32 to vector<16xi32>
      %mul3A_731 = arith.muli %get3A_728, %mul3A_730 : vector<16xi32>
      %add3A_732 = vector.broadcast %arg0 : i32 to vector<16xi32>
      %add3A_733 = arith.addi %mul3A_731, %add3A_732 : vector<16xi32>
      %swap3A_734 = arith.constant 0 : i32
      %swap3A_735 = arith.index_cast %swap3A_734 : i32 to index
      %swap3A_736 = arith.constant 96 : index
      %swap3A_737 = tpu.vector_load %arg14[%swap3A_735, %swap3A_736] {strides = array<i32>} : memref<2x112xi32, #tpu.memory_space<vmem>>, vector<1x16xi32>,
      %swap3A_738 = vector.shape_cast %swap3A_737 : vector<1x16xi32> to vector<16xi32>
      %swap3A_739 = vector.shape_cast %add3A_733 : vector<16xi32> to vector<1x16xi32>
      tpu.vector_store %arg14[%swap3A_735, %swap3A_736], %swap3A_739 {strides = array<i32>} : memref<2x112xi32, #tpu.memory_space<vmem>>, vector<1x16xi32>,
      %dma_wait3A_740 = arith.constant 1 : i32
      %dma_wait3A_741 = arith.constant 0 : i32
      %dma_wait3A_742 = tpu.memref_slice %arg11[%dma_wait3A_740, %dma_wait3A_741] : memref<2x112xi32, #tpu.memory_space<vmem>> -> memref<1x112xi32, #tpu.memory_space<vmem>>
      %dma_wait3A_743 = tpu.memref_squeeze %dma_wait3A_742 : memref<1x112xi32, #tpu.memory_space<vmem>> -> memref<112xi32, #tpu.memory_space<vmem>>
      %dma_wait3A_744 = arith.constant 0 : i32
      %dma_wait3A_745 = arith.constant 0 : i32
      %dma_wait3A_746 = tpu.memref_slice %arg21[%dma_wait3A_744, %dma_wait3A_745] : memref<10240x128xf32, #tpu.memory_space<vmem_shared>> -> memref<10240x128xf32, #tpu.memory_space<vmem_shared>>
      tpu.wait_indirect_dma semaphore(%arg32 : memref<!tpu.dma_semaphore, #tpu.memory_space<semaphore_mem>>) src(%arg17 : memref<112x128xf32, #tpu.memory_space<vmem>>) dst(%dma_wait3A_746 : memref<10240x128xf32, #tpu.memory_space<vmem_shared>>)
      %dma_start3A_747 = arith.constant 0 : i32
      %dma_start3A_748 = arith.constant 0 : i32
      %dma_start3A_749 = tpu.memref_slice %arg14[%dma_start3A_747, %dma_start3A_748] : memref<2x112xi32, #tpu.memory_space<vmem>> -> memref<1x112xi32, #tpu.memory_space<vmem>>
      %dma_start3A_750 = tpu.memref_squeeze %dma_start3A_749 : memref<1x112xi32, #tpu.memory_space<vmem>> -> memref<112xi32, #tpu.memory_space<vmem>>
      %dma_start3A_751 = arith.constant 0 : i32
      %dma_start3A_752 = arith.constant 0 : i32
      %dma_start3A_753 = tpu.memref_slice %arg3[%dma_start3A_751, %dma_start3A_752] : memref<20000x128xf32, #tpu.memory_space<hbm>> -> memref<20000x128xf32, #tpu.memory_space<hbm>>
      tpu.enqueue_indirect_dma source(%dma_start3A_753 : memref<20000x128xf32, #tpu.memory_space<hbm>>) target(%arg17 : memref<112x128xf32, #tpu.memory_space<vmem>>) offsets(%dma_start3A_750 : memref<112xi32, #tpu.memory_space<vmem>>) semaphore(%arg29 : memref<!tpu.dma_semaphore, #tpu.memory_space<semaphore_mem>>)
      %dma_wait3A_754 = arith.constant 0 : i32
      %dma_wait3A_755 = arith.constant 0 : i32
      %dma_wait3A_756 = tpu.memref_slice %arg13[%dma_wait3A_754, %dma_wait3A_755] : memref<2x112xi32, #tpu.memory_space<vmem>> -> memref<1x112xi32, #tpu.memory_space<vmem>>
      %dma_wait3A_757 = tpu.memref_squeeze %dma_wait3A_756 : memref<1x112xi32, #tpu.memory_space<vmem>> -> memref<112xi32, #tpu.memory_space<vmem>>
      %dma_wait3A_758 = arith.constant 0 : i32
      %dma_wait3A_759 = arith.constant 0 : i32
      %dma_wait3A_760 = tpu.memref_slice %arg3[%dma_wait3A_758, %dma_wait3A_759] : memref<20000x128xf32, #tpu.memory_space<hbm>> -> memref<20000x128xf32, #tpu.memory_space<hbm>>
      tpu.wait_indirect_dma semaphore(%arg31 : memref<!tpu.dma_semaphore, #tpu.memory_space<semaphore_mem>>) src(%dma_wait3A_760 : memref<20000x128xf32, #tpu.memory_space<hbm>>) dst(%arg19 : memref<112x128xf32, #tpu.memory_space<vmem>>)
      %dma_start3A_761 = arith.constant 1 : i32
      %dma_start3A_762 = arith.constant 0 : i32
      %dma_start3A_763 = tpu.memref_slice %arg13[%dma_start3A_761, %dma_start3A_762] : memref<2x112xi32, #tpu.memory_space<vmem>> -> memref<1x112xi32, #tpu.memory_space<vmem>>
      %dma_start3A_764 = tpu.memref_squeeze %dma_start3A_763 : memref<1x112xi32, #tpu.memory_space<vmem>> -> memref<112xi32, #tpu.memory_space<vmem>>
      %dma_start3A_765 = arith.constant 0 : i32
      %dma_start3A_766 = arith.constant 0 : i32
      %dma_start3A_767 = tpu.memref_slice %arg21[%dma_start3A_765, %dma_start3A_766] : memref<10240x128xf32, #tpu.memory_space<vmem_shared>> -> memref<10240x128xf32, #tpu.memory_space<vmem_shared>>
      tpu.enqueue_indirect_dma source(%arg19 : memref<112x128xf32, #tpu.memory_space<vmem>>) target(%dma_start3A_767 : memref<10240x128xf32, #tpu.memory_space<vmem_shared>>) offsets(%dma_start3A_764 : memref<112xi32, #tpu.memory_space<vmem>>) semaphore(%arg34 : memref<!tpu.dma_semaphore, #tpu.memory_space<semaphore_mem>>) {add = true}
      %eq3A_768 = arith.constant 0 : i32
      %eq3A_769 = arith.cmpi eq, %arg0, %eq3A_768 : i32
      %convert_element_type3A_770 = arith.extui %eq3A_769 : i1 to i32
      %cond3A_771 = arith.constant 0 : i32
      %cond3A_772 = arith.cmpi ne, %convert_element_type3A_770, %cond3A_771 : i32
      scf.if %cond3A_772 {
        %dma_wait3A_1125 = arith.constant 1 : i32
        %dma_wait3A_1126 = arith.constant 0 : i32
        %dma_wait3A_1127 = tpu.memref_slice %arg11[%dma_wait3A_1125, %dma_wait3A_1126] : memref<2x112xi32, #tpu.memory_space<vmem>> -> memref<1x112xi32, #tpu.memory_space<vmem>>
        %dma_wait3A_1128 = tpu.memref_squeeze %dma_wait3A_1127 : memref<1x112xi32, #tpu.memory_space<vmem>> -> memref<112xi32, #tpu.memory_space<vmem>>
        %dma_wait3A_1129 = arith.constant 0 : i32
        %dma_wait3A_1130 = tpu.memref_slice %arg22[%dma_wait3A_1129] : memref<10240xf32, #tpu.memory_space<vmem_shared>> -> memref<10240xf32, #tpu.memory_space<vmem_shared>>
        tpu.wait_indirect_dma semaphore(%arg35 : memref<!tpu.dma_semaphore, #tpu.memory_space<semaphore_mem>>) src(%arg20 : memref<112xf32, #tpu.memory_space<vmem>>) dst(%dma_wait3A_1130 : memref<10240xf32, #tpu.memory_space<vmem_shared>>)
      } else {
      }
      %eq3A_773 = arith.constant 0 : i32
      %eq3A_774 = arith.cmpi eq, %arg0, %eq3A_773 : i32
      %convert_element_type3A_775 = arith.extui %eq3A_774 : i1 to i32
      %cond3A_776 = arith.constant 0 : i32
      %cond3A_777 = arith.cmpi ne, %convert_element_type3A_775, %cond3A_776 : i32
      scf.if %cond3A_777 {
        %dma_start3A_1125 = arith.constant 1 : i32
        %dma_start3A_1126 = arith.constant 0 : i32
        %dma_start3A_1127 = tpu.memref_slice %arg13[%dma_start3A_1125, %dma_start3A_1126] : memref<2x112xi32, #tpu.memory_space<vmem>> -> memref<1x112xi32, #tpu.memory_space<vmem>>
        %dma_start3A_1128 = tpu.memref_squeeze %dma_start3A_1127 : memref<1x112xi32, #tpu.memory_space<vmem>> -> memref<112xi32, #tpu.memory_space<vmem>>
        %dma_start3A_1129 = arith.constant 0 : i32
        %dma_start3A_1130 = tpu.memref_slice %arg22[%dma_start3A_1129] : memref<10240xf32, #tpu.memory_space<vmem_shared>> -> memref<10240xf32, #tpu.memory_space<vmem_shared>>
        tpu.enqueue_indirect_dma source(%arg20 : memref<112xf32, #tpu.memory_space<vmem>>) target(%dma_start3A_1130 : memref<10240xf32, #tpu.memory_space<vmem_shared>>) offsets(%dma_start3A_1128 : memref<112xi32, #tpu.memory_space<vmem>>) semaphore(%arg35 : memref<!tpu.dma_semaphore, #tpu.memory_space<semaphore_mem>>) {add = true}
      } else {
      }
      %add3A_778 = arith.constant 2 : i32
      %add3A_779 = arith.addi %add3A_617, %add3A_778 : i32
      %dma_start3A_780 = arith.constant 0 : i32
      %dma_start3A_781 = arith.constant 0 : i32
      %dma_start3A_782 = tpu.memref_slice %arg2[%arg1, %add3A_779, %dma_start3A_780, %dma_start3A_781] : memref<16x90x2x112xi32, #tpu.memory_space<hbm>> -> memref<1x1x2x112xi32, #tpu.memory_space<hbm>>
      %dma_start3A_783 = tpu.memref_squeeze %dma_start3A_782 : memref<1x1x2x112xi32, #tpu.memory_space<hbm>> -> memref<2x112xi32, #tpu.memory_space<hbm>>
      %dma_start3A_784 = arith.constant 0 : i32
      %dma_start3A_785 = arith.constant 0 : i32
      %dma_start3A_786 = tpu.memref_slice %arg2[%arg1, %add3A_779, %dma_start3A_784, %dma_start3A_785] : memref<16x90x2x112xi32, #tpu.memory_space<hbm>> -> memref<1x1x2x112xi32, #tpu.memory_space<hbm>>
      %dma_start3A_787 = tpu.memref_squeeze %dma_start3A_786 : memref<1x1x2x112xi32, #tpu.memory_space<hbm>> -> memref<2x112xi32, #tpu.memory_space<hbm>>
      tpu.enqueue_dma source(%dma_start3A_787 : memref<2x112xi32, #tpu.memory_space<hbm>>) target(%arg16 : memref<2x112xi32, #tpu.memory_space<vmem>>) target_semaphore(%arg28 : memref<!tpu.dma_semaphore, #tpu.memory_space<semaphore_mem>>)
      %mul3A_788 = arith.constant 6 : i32
      %mul3A_789 = arith.muli %scan3A_340, %mul3A_788 : i32
      %add3A_790 = arith.constant 4 : i32
      %add3A_791 = arith.addi %mul3A_789, %add3A_790 : i32
      %dma_wait3A_792 = arith.constant 0 : i32
      %dma_wait3A_793 = arith.constant 0 : i32
      %dma_wait3A_794 = arith.constant 0 : i32
      %dma_wait3A_795 = arith.constant 0 : i32
      %dma_wait3A_796 = tpu.memref_slice %arg2[%dma_wait3A_792, %dma_wait3A_793, %dma_wait3A_794, %dma_wait3A_795] : memref<16x90x2x112xi32, #tpu.memory_space<hbm>> -> memref<1x1x2x112xi32, #tpu.memory_space<hbm>>
      %dma_wait3A_797 = tpu.memref_squeeze %dma_wait3A_796 : memref<1x1x2x112xi32, #tpu.memory_space<hbm>> -> memref<2x112xi32, #tpu.memory_space<hbm>>
      %dma_wait3A_798 = arith.constant 0 : i32
      %dma_wait3A_799 = arith.constant 0 : i32
      %dma_wait3A_800 = tpu.memref_slice %arg2[%dma_wait3A_792, %dma_wait3A_793, %dma_wait3A_798, %dma_wait3A_799] : memref<16x90x2x112xi32, #tpu.memory_space<hbm>> -> memref<1x1x2x112xi32, #tpu.memory_space<hbm>>
      %dma_wait3A_801 = tpu.memref_squeeze %dma_wait3A_800 : memref<1x1x2x112xi32, #tpu.memory_space<hbm>> -> memref<2x112xi32, #tpu.memory_space<hbm>>
      tpu.wait_dma2 semaphore(%arg27 : memref<!tpu.dma_semaphore, #tpu.memory_space<semaphore_mem>>) src(%dma_wait3A_801 : memref<2x112xi32, #tpu.memory_space<hbm>>) dst(%arg15 : memref<2x112xi32, #tpu.memory_space<vmem>>)
      %get3A_802 = arith.constant 0 : i32
      %get3A_803 = arith.index_cast %get3A_802 : i32 to index
      %get3A_804 = arith.constant 0 : index
      %get3A_805 = tpu.vector_load %arg15[%get3A_803, %get3A_804] {strides = array<i32>} : memref<2x112xi32, #tpu.memory_space<vmem>>, vector<1x16xi32>,
      %get3A_806 = vector.shape_cast %get3A_805 : vector<1x16xi32> to vector<16xi32>
      %mul3A_807 = arith.constant 2 : i32
      %mul3A_808 = vector.broadcast %mul3A_807 : i32 to vector<16xi32>
      %mul3A_809 = arith.muli %get3A_806, %mul3A_808 : vector<16xi32>
      %add3A_810 = vector.broadcast %arg0 : i32 to vector<16xi32>
      %add3A_811 = arith.addi %mul3A_809, %add3A_810 : vector<16xi32>
      %swap3A_812 = arith.constant 0 : i32
      %swap3A_813 = arith.index_cast %swap3A_812 : i32 to index
      %swap3A_814 = arith.constant 0 : index
      %swap3A_815 = tpu.vector_load %arg15[%swap3A_813, %swap3A_814] {strides = array<i32>} : memref<2x112xi32, #tpu.memory_space<vmem>>, vector<1x16xi32>,
      %swap3A_816 = vector.shape_cast %swap3A_815 : vector<1x16xi32> to vector<16xi32>
      %swap3A_817 = vector.shape_cast %add3A_811 : vector<16xi32> to vector<1x16xi32>
      tpu.vector_store %arg15[%swap3A_813, %swap3A_814], %swap3A_817 {strides = array<i32>} : memref<2x112xi32, #tpu.memory_space<vmem>>, vector<1x16xi32>,
      %get3A_818 = arith.constant 0 : i32
      %get3A_819 = arith.index_cast %get3A_818 : i32 to index
      %get3A_820 = arith.constant 16 : index
      %get3A_821 = tpu.vector_load %arg15[%get3A_819, %get3A_820] {strides = array<i32>} : memref<2x112xi32, #tpu.memory_space<vmem>>, vector<1x16xi32>,
      %get3A_822 = vector.shape_cast %get3A_821 : vector<1x16xi32> to vector<16xi32>
      %mul3A_823 = arith.constant 2 : i32
      %mul3A_824 = vector.broadcast %mul3A_823 : i32 to vector<16xi32>
      %mul3A_825 = arith.muli %get3A_822, %mul3A_824 : vector<16xi32>
      %add3A_826 = vector.broadcast %arg0 : i32 to vector<16xi32>
      %add3A_827 = arith.addi %mul3A_825, %add3A_826 : vector<16xi32>
      %swap3A_828 = arith.constant 0 : i32
      %swap3A_829 = arith.index_cast %swap3A_828 : i32 to index
      %swap3A_830 = arith.constant 16 : index
      %swap3A_831 = tpu.vector_load %arg15[%swap3A_829, %swap3A_830] {strides = array<i32>} : memref<2x112xi32, #tpu.memory_space<vmem>>, vector<1x16xi32>,
      %swap3A_832 = vector.shape_cast %swap3A_831 : vector<1x16xi32> to vector<16xi32>
      %swap3A_833 = vector.shape_cast %add3A_827 : vector<16xi32> to vector<1x16xi32>
      tpu.vector_store %arg15[%swap3A_829, %swap3A_830], %swap3A_833 {strides = array<i32>} : memref<2x112xi32, #tpu.memory_space<vmem>>, vector<1x16xi32>,
      %get3A_834 = arith.constant 0 : i32
      %get3A_835 = arith.index_cast %get3A_834 : i32 to index
      %get3A_836 = arith.constant 32 : index
      %get3A_837 = tpu.vector_load %arg15[%get3A_835, %get3A_836] {strides = array<i32>} : memref<2x112xi32, #tpu.memory_space<vmem>>, vector<1x16xi32>,
      %get3A_838 = vector.shape_cast %get3A_837 : vector<1x16xi32> to vector<16xi32>
      %mul3A_839 = arith.constant 2 : i32
      %mul3A_840 = vector.broadcast %mul3A_839 : i32 to vector<16xi32>
      %mul3A_841 = arith.muli %get3A_838, %mul3A_840 : vector<16xi32>
      %add3A_842 = vector.broadcast %arg0 : i32 to vector<16xi32>
      %add3A_843 = arith.addi %mul3A_841, %add3A_842 : vector<16xi32>
      %swap3A_844 = arith.constant 0 : i32
      %swap3A_845 = arith.index_cast %swap3A_844 : i32 to index
      %swap3A_846 = arith.constant 32 : index
      %swap3A_847 = tpu.vector_load %arg15[%swap3A_845, %swap3A_846] {strides = array<i32>} : memref<2x112xi32, #tpu.memory_space<vmem>>, vector<1x16xi32>,
      %swap3A_848 = vector.shape_cast %swap3A_847 : vector<1x16xi32> to vector<16xi32>
      %swap3A_849 = vector.shape_cast %add3A_843 : vector<16xi32> to vector<1x16xi32>
      tpu.vector_store %arg15[%swap3A_845, %swap3A_846], %swap3A_849 {strides = array<i32>} : memref<2x112xi32, #tpu.memory_space<vmem>>, vector<1x16xi32>,
      %get3A_850 = arith.constant 0 : i32
      %get3A_851 = arith.index_cast %get3A_850 : i32 to index
      %get3A_852 = arith.constant 48 : index
      %get3A_853 = tpu.vector_load %arg15[%get3A_851, %get3A_852] {strides = array<i32>} : memref<2x112xi32, #tpu.memory_space<vmem>>, vector<1x16xi32>,
      %get3A_854 = vector.shape_cast %get3A_853 : vector<1x16xi32> to vector<16xi32>
      %mul3A_855 = arith.constant 2 : i32
      %mul3A_856 = vector.broadcast %mul3A_855 : i32 to vector<16xi32>
      %mul3A_857 = arith.muli %get3A_854, %mul3A_856 : vector<16xi32>
      %add3A_858 = vector.broadcast %arg0 : i32 to vector<16xi32>
      %add3A_859 = arith.addi %mul3A_857, %add3A_858 : vector<16xi32>
      %swap3A_860 = arith.constant 0 : i32
      %swap3A_861 = arith.index_cast %swap3A_860 : i32 to index
      %swap3A_862 = arith.constant 48 : index
      %swap3A_863 = tpu.vector_load %arg15[%swap3A_861, %swap3A_862] {strides = array<i32>} : memref<2x112xi32, #tpu.memory_space<vmem>>, vector<1x16xi32>,
      %swap3A_864 = vector.shape_cast %swap3A_863 : vector<1x16xi32> to vector<16xi32>
      %swap3A_865 = vector.shape_cast %add3A_859 : vector<16xi32> to vector<1x16xi32>
      tpu.vector_store %arg15[%swap3A_861, %swap3A_862], %swap3A_865 {strides = array<i32>} : memref<2x112xi32, #tpu.memory_space<vmem>>, vector<1x16xi32>,
      %get3A_866 = arith.constant 0 : i32
      %get3A_867 = arith.index_cast %get3A_866 : i32 to index
      %get3A_868 = arith.constant 64 : index
      %get3A_869 = tpu.vector_load %arg15[%get3A_867, %get3A_868] {strides = array<i32>} : memref<2x112xi32, #tpu.memory_space<vmem>>, vector<1x16xi32>,
      %get3A_870 = vector.shape_cast %get3A_869 : vector<1x16xi32> to vector<16xi32>
      %mul3A_871 = arith.constant 2 : i32
      %mul3A_872 = vector.broadcast %mul3A_871 : i32 to vector<16xi32>
      %mul3A_873 = arith.muli %get3A_870, %mul3A_872 : vector<16xi32>
      %add3A_874 = vector.broadcast %arg0 : i32 to vector<16xi32>
      %add3A_875 = arith.addi %mul3A_873, %add3A_874 : vector<16xi32>
      %swap3A_876 = arith.constant 0 : i32
      %swap3A_877 = arith.index_cast %swap3A_876 : i32 to index
      %swap3A_878 = arith.constant 64 : index
      %swap3A_879 = tpu.vector_load %arg15[%swap3A_877, %swap3A_878] {strides = array<i32>} : memref<2x112xi32, #tpu.memory_space<vmem>>, vector<1x16xi32>,
      %swap3A_880 = vector.shape_cast %swap3A_879 : vector<1x16xi32> to vector<16xi32>
      %swap3A_881 = vector.shape_cast %add3A_875 : vector<16xi32> to vector<1x16xi32>
      tpu.vector_store %arg15[%swap3A_877, %swap3A_878], %swap3A_881 {strides = array<i32>} : memref<2x112xi32, #tpu.memory_space<vmem>>, vector<1x16xi32>,
      %get3A_882 = arith.constant 0 : i32
      %get3A_883 = arith.index_cast %get3A_882 : i32 to index
      %get3A_884 = arith.constant 80 : index
      %get3A_885 = tpu.vector_load %arg15[%get3A_883, %get3A_884] {strides = array<i32>} : memref<2x112xi32, #tpu.memory_space<vmem>>, vector<1x16xi32>,
      %get3A_886 = vector.shape_cast %get3A_885 : vector<1x16xi32> to vector<16xi32>
      %mul3A_887 = arith.constant 2 : i32
      %mul3A_888 = vector.broadcast %mul3A_887 : i32 to vector<16xi32>
      %mul3A_889 = arith.muli %get3A_886, %mul3A_888 : vector<16xi32>
      %add3A_890 = vector.broadcast %arg0 : i32 to vector<16xi32>
      %add3A_891 = arith.addi %mul3A_889, %add3A_890 : vector<16xi32>
      %swap3A_892 = arith.constant 0 : i32
      %swap3A_893 = arith.index_cast %swap3A_892 : i32 to index
      %swap3A_894 = arith.constant 80 : index
      %swap3A_895 = tpu.vector_load %arg15[%swap3A_893, %swap3A_894] {strides = array<i32>} : memref<2x112xi32, #tpu.memory_space<vmem>>, vector<1x16xi32>,
      %swap3A_896 = vector.shape_cast %swap3A_895 : vector<1x16xi32> to vector<16xi32>
      %swap3A_897 = vector.shape_cast %add3A_891 : vector<16xi32> to vector<1x16xi32>
      tpu.vector_store %arg15[%swap3A_893, %swap3A_894], %swap3A_897 {strides = array<i32>} : memref<2x112xi32, #tpu.memory_space<vmem>>, vector<1x16xi32>,
      %get3A_898 = arith.constant 0 : i32
      %get3A_899 = arith.index_cast %get3A_898 : i32 to index
      %get3A_900 = arith.constant 96 : index
      %get3A_901 = tpu.vector_load %arg15[%get3A_899, %get3A_900] {strides = array<i32>} : memref<2x112xi32, #tpu.memory_space<vmem>>, vector<1x16xi32>,
      %get3A_902 = vector.shape_cast %get3A_901 : vector<1x16xi32> to vector<16xi32>
      %mul3A_903 = arith.constant 2 : i32
      %mul3A_904 = vector.broadcast %mul3A_903 : i32 to vector<16xi32>
      %mul3A_905 = arith.muli %get3A_902, %mul3A_904 : vector<16xi32>
      %add3A_906 = vector.broadcast %arg0 : i32 to vector<16xi32>
      %add3A_907 = arith.addi %mul3A_905, %add3A_906 : vector<16xi32>
      %swap3A_908 = arith.constant 0 : i32
      %swap3A_909 = arith.index_cast %swap3A_908 : i32 to index
      %swap3A_910 = arith.constant 96 : index
      %swap3A_911 = tpu.vector_load %arg15[%swap3A_909, %swap3A_910] {strides = array<i32>} : memref<2x112xi32, #tpu.memory_space<vmem>>, vector<1x16xi32>,
      %swap3A_912 = vector.shape_cast %swap3A_911 : vector<1x16xi32> to vector<16xi32>
      %swap3A_913 = vector.shape_cast %add3A_907 : vector<16xi32> to vector<1x16xi32>
      tpu.vector_store %arg15[%swap3A_909, %swap3A_910], %swap3A_913 {strides = array<i32>} : memref<2x112xi32, #tpu.memory_space<vmem>>, vector<1x16xi32>,
      %dma_wait3A_914 = arith.constant 1 : i32
      %dma_wait3A_915 = arith.constant 0 : i32
      %dma_wait3A_916 = tpu.memref_slice %arg12[%dma_wait3A_914, %dma_wait3A_915] : memref<2x112xi32, #tpu.memory_space<vmem>> -> memref<1x112xi32, #tpu.memory_space<vmem>>
      %dma_wait3A_917 = tpu.memref_squeeze %dma_wait3A_916 : memref<1x112xi32, #tpu.memory_space<vmem>> -> memref<112xi32, #tpu.memory_space<vmem>>
      %dma_wait3A_918 = arith.constant 0 : i32
      %dma_wait3A_919 = arith.constant 0 : i32
      %dma_wait3A_920 = tpu.memref_slice %arg21[%dma_wait3A_918, %dma_wait3A_919] : memref<10240x128xf32, #tpu.memory_space<vmem_shared>> -> memref<10240x128xf32, #tpu.memory_space<vmem_shared>>
      tpu.wait_indirect_dma semaphore(%arg33 : memref<!tpu.dma_semaphore, #tpu.memory_space<semaphore_mem>>) src(%arg18 : memref<112x128xf32, #tpu.memory_space<vmem>>) dst(%dma_wait3A_920 : memref<10240x128xf32, #tpu.memory_space<vmem_shared>>)
      %dma_start3A_921 = arith.constant 0 : i32
      %dma_start3A_922 = arith.constant 0 : i32
      %dma_start3A_923 = tpu.memref_slice %arg15[%dma_start3A_921, %dma_start3A_922] : memref<2x112xi32, #tpu.memory_space<vmem>> -> memref<1x112xi32, #tpu.memory_space<vmem>>
      %dma_start3A_924 = tpu.memref_squeeze %dma_start3A_923 : memref<1x112xi32, #tpu.memory_space<vmem>> -> memref<112xi32, #tpu.memory_space<vmem>>
      %dma_start3A_925 = arith.constant 0 : i32
      %dma_start3A_926 = arith.constant 0 : i32
      %dma_start3A_927 = tpu.memref_slice %arg3[%dma_start3A_925, %dma_start3A_926] : memref<20000x128xf32, #tpu.memory_space<hbm>> -> memref<20000x128xf32, #tpu.memory_space<hbm>>
      tpu.enqueue_indirect_dma source(%dma_start3A_927 : memref<20000x128xf32, #tpu.memory_space<hbm>>) target(%arg18 : memref<112x128xf32, #tpu.memory_space<vmem>>) offsets(%dma_start3A_924 : memref<112xi32, #tpu.memory_space<vmem>>) semaphore(%arg30 : memref<!tpu.dma_semaphore, #tpu.memory_space<semaphore_mem>>)
      %dma_wait3A_928 = arith.constant 0 : i32
      %dma_wait3A_929 = arith.constant 0 : i32
      %dma_wait3A_930 = tpu.memref_slice %arg14[%dma_wait3A_928, %dma_wait3A_929] : memref<2x112xi32, #tpu.memory_space<vmem>> -> memref<1x112xi32, #tpu.memory_space<vmem>>
      %dma_wait3A_931 = tpu.memref_squeeze %dma_wait3A_930 : memref<1x112xi32, #tpu.memory_space<vmem>> -> memref<112xi32, #tpu.memory_space<vmem>>
      %dma_wait3A_932 = arith.constant 0 : i32
      %dma_wait3A_933 = arith.constant 0 : i32
      %dma_wait3A_934 = tpu.memref_slice %arg3[%dma_wait3A_932, %dma_wait3A_933] : memref<20000x128xf32, #tpu.memory_space<hbm>> -> memref<20000x128xf32, #tpu.memory_space<hbm>>
      tpu.wait_indirect_dma semaphore(%arg29 : memref<!tpu.dma_semaphore, #tpu.memory_space<semaphore_mem>>) src(%dma_wait3A_934 : memref<20000x128xf32, #tpu.memory_space<hbm>>) dst(%arg17 : memref<112x128xf32, #tpu.memory_space<vmem>>)
      %dma_start3A_935 = arith.constant 1 : i32
      %dma_start3A_936 = arith.constant 0 : i32
      %dma_start3A_937 = tpu.memref_slice %arg14[%dma_start3A_935, %dma_start3A_936] : memref<2x112xi32, #tpu.memory_space<vmem>> -> memref<1x112xi32, #tpu.memory_space<vmem>>
      %dma_start3A_938 = tpu.memref_squeeze %dma_start3A_937 : memref<1x112xi32, #tpu.memory_space<vmem>> -> memref<112xi32, #tpu.memory_space<vmem>>
      %dma_start3A_939 = arith.constant 0 : i32
      %dma_start3A_940 = arith.constant 0 : i32
      %dma_start3A_941 = tpu.memref_slice %arg21[%dma_start3A_939, %dma_start3A_940] : memref<10240x128xf32, #tpu.memory_space<vmem_shared>> -> memref<10240x128xf32, #tpu.memory_space<vmem_shared>>
      tpu.enqueue_indirect_dma source(%arg17 : memref<112x128xf32, #tpu.memory_space<vmem>>) target(%dma_start3A_941 : memref<10240x128xf32, #tpu.memory_space<vmem_shared>>) offsets(%dma_start3A_938 : memref<112xi32, #tpu.memory_space<vmem>>) semaphore(%arg32 : memref<!tpu.dma_semaphore, #tpu.memory_space<semaphore_mem>>) {add = true}
      %eq3A_942 = arith.constant 1 : i32
      %eq3A_943 = arith.cmpi eq, %arg0, %eq3A_942 : i32
      %convert_element_type3A_944 = arith.extui %eq3A_943 : i1 to i32
      %cond3A_945 = arith.constant 0 : i32
      %cond3A_946 = arith.cmpi ne, %convert_element_type3A_944, %cond3A_945 : i32
      scf.if %cond3A_946 {
        %dma_wait3A_1125 = arith.constant 1 : i32
        %dma_wait3A_1126 = arith.constant 0 : i32
        %dma_wait3A_1127 = tpu.memref_slice %arg12[%dma_wait3A_1125, %dma_wait3A_1126] : memref<2x112xi32, #tpu.memory_space<vmem>> -> memref<1x112xi32, #tpu.memory_space<vmem>>
        %dma_wait3A_1128 = tpu.memref_squeeze %dma_wait3A_1127 : memref<1x112xi32, #tpu.memory_space<vmem>> -> memref<112xi32, #tpu.memory_space<vmem>>
        %dma_wait3A_1129 = arith.constant 0 : i32
        %dma_wait3A_1130 = tpu.memref_slice %arg22[%dma_wait3A_1129] : memref<10240xf32, #tpu.memory_space<vmem_shared>> -> memref<10240xf32, #tpu.memory_space<vmem_shared>>
        tpu.wait_indirect_dma semaphore(%arg35 : memref<!tpu.dma_semaphore, #tpu.memory_space<semaphore_mem>>) src(%arg20 : memref<112xf32, #tpu.memory_space<vmem>>) dst(%dma_wait3A_1130 : memref<10240xf32, #tpu.memory_space<vmem_shared>>)
      } else {
      }
      %eq3A_947 = arith.constant 1 : i32
      %eq3A_948 = arith.cmpi eq, %arg0, %eq3A_947 : i32
      %convert_element_type3A_949 = arith.extui %eq3A_948 : i1 to i32
      %cond3A_950 = arith.constant 0 : i32
      %cond3A_951 = arith.cmpi ne, %convert_element_type3A_949, %cond3A_950 : i32
      scf.if %cond3A_951 {
        %dma_start3A_1125 = arith.constant 1 : i32
        %dma_start3A_1126 = arith.constant 0 : i32
        %dma_start3A_1127 = tpu.memref_slice %arg14[%dma_start3A_1125, %dma_start3A_1126] : memref<2x112xi32, #tpu.memory_space<vmem>> -> memref<1x112xi32, #tpu.memory_space<vmem>>
        %dma_start3A_1128 = tpu.memref_squeeze %dma_start3A_1127 : memref<1x112xi32, #tpu.memory_space<vmem>> -> memref<112xi32, #tpu.memory_space<vmem>>
        %dma_start3A_1129 = arith.constant 0 : i32
        %dma_start3A_1130 = tpu.memref_slice %arg22[%dma_start3A_1129] : memref<10240xf32, #tpu.memory_space<vmem_shared>> -> memref<10240xf32, #tpu.memory_space<vmem_shared>>
        tpu.enqueue_indirect_dma source(%arg20 : memref<112xf32, #tpu.memory_space<vmem>>) target(%dma_start3A_1130 : memref<10240xf32, #tpu.memory_space<vmem_shared>>) offsets(%dma_start3A_1128 : memref<112xi32, #tpu.memory_space<vmem>>) semaphore(%arg35 : memref<!tpu.dma_semaphore, #tpu.memory_space<semaphore_mem>>) {add = true}
      } else {
      }
      %lt3A = arith.constant 14 : i32
      %lt3A_952 = arith.cmpi slt, %scan3A_340, %lt3A : i32
      %convert_element_type3A_953 = arith.extui %lt3A_952 : i1 to i32
      %cond3A_954 = arith.constant 0 : i32
      %cond3A_955 = arith.cmpi ne, %convert_element_type3A_953, %cond3A_954 : i32
      scf.if %cond3A_955 {
        %add3A_1125 = arith.constant 2 : i32
        %add3A_1126 = arith.addi %add3A_791, %add3A_1125 : i32
        %dma_start3A_1127 = arith.constant 0 : i32
        %dma_start3A_1128 = arith.constant 0 : i32
        %dma_start3A_1129 = tpu.memref_slice %arg2[%arg1, %add3A_1126, %dma_start3A_1127, %dma_start3A_1128] : memref<16x90x2x112xi32, #tpu.memory_space<hbm>> -> memref<1x1x2x112xi32, #tpu.memory_space<hbm>>
        %dma_start3A_1130 = tpu.memref_squeeze %dma_start3A_1129 : memref<1x1x2x112xi32, #tpu.memory_space<hbm>> -> memref<2x112xi32, #tpu.memory_space<hbm>>
        %dma_start3A_1131 = arith.constant 0 : i32
        %dma_start3A_1132 = arith.constant 0 : i32
        %dma_start3A_1133 = tpu.memref_slice %arg2[%arg1, %add3A_1126, %dma_start3A_1131, %dma_start3A_1132] : memref<16x90x2x112xi32, #tpu.memory_space<hbm>> -> memref<1x1x2x112xi32, #tpu.memory_space<hbm>>
        %dma_start3A_1134 = tpu.memref_squeeze %dma_start3A_1133 : memref<1x1x2x112xi32, #tpu.memory_space<hbm>> -> memref<2x112xi32, #tpu.memory_space<hbm>>
        tpu.enqueue_dma source(%dma_start3A_1134 : memref<2x112xi32, #tpu.memory_space<hbm>>) target(%arg11 : memref<2x112xi32, #tpu.memory_space<vmem>>) target_semaphore(%arg23 : memref<!tpu.dma_semaphore, #tpu.memory_space<semaphore_mem>>)
      } else {
      }
      %mul3A_956 = arith.constant 6 : i32
      %mul3A_957 = arith.muli %scan3A_340, %mul3A_956 : i32
      %add3A_958 = arith.constant 5 : i32
      %add3A_959 = arith.addi %mul3A_957, %add3A_958 : i32
      %dma_wait3A_960 = arith.constant 0 : i32
      %dma_wait3A_961 = arith.constant 0 : i32
      %dma_wait3A_962 = arith.constant 0 : i32
      %dma_wait3A_963 = arith.constant 0 : i32
      %dma_wait3A_964 = tpu.memref_slice %arg2[%dma_wait3A_960, %dma_wait3A_961, %dma_wait3A_962, %dma_wait3A_963] : memref<16x90x2x112xi32, #tpu.memory_space<hbm>> -> memref<1x1x2x112xi32, #tpu.memory_space<hbm>>
      %dma_wait3A_965 = tpu.memref_squeeze %dma_wait3A_964 : memref<1x1x2x112xi32, #tpu.memory_space<hbm>> -> memref<2x112xi32, #tpu.memory_space<hbm>>
      %dma_wait3A_966 = arith.constant 0 : i32
      %dma_wait3A_967 = arith.constant 0 : i32
      %dma_wait3A_968 = tpu.memref_slice %arg2[%dma_wait3A_960, %dma_wait3A_961, %dma_wait3A_966, %dma_wait3A_967] : memref<16x90x2x112xi32, #tpu.memory_space<hbm>> -> memref<1x1x2x112xi32, #tpu.memory_space<hbm>>
      %dma_wait3A_969 = tpu.memref_squeeze %dma_wait3A_968 : memref<1x1x2x112xi32, #tpu.memory_space<hbm>> -> memref<2x112xi32, #tpu.memory_space<hbm>>
      tpu.wait_dma2 semaphore(%arg28 : memref<!tpu.dma_semaphore, #tpu.memory_space<semaphore_mem>>) src(%dma_wait3A_969 : memref<2x112xi32, #tpu.memory_space<hbm>>) dst(%arg16 : memref<2x112xi32, #tpu.memory_space<vmem>>)
      %get3A_970 = arith.constant 0 : i32
      %get3A_971 = arith.index_cast %get3A_970 : i32 to index
      %get3A_972 = arith.constant 0 : index
      %get3A_973 = tpu.vector_load %arg16[%get3A_971, %get3A_972] {strides = array<i32>} : memref<2x112xi32, #tpu.memory_space<vmem>>, vector<1x16xi32>,
      %get3A_974 = vector.shape_cast %get3A_973 : vector<1x16xi32> to vector<16xi32>
      %mul3A_975 = arith.constant 2 : i32
      %mul3A_976 = vector.broadcast %mul3A_975 : i32 to vector<16xi32>
      %mul3A_977 = arith.muli %get3A_974, %mul3A_976 : vector<16xi32>
      %add3A_978 = vector.broadcast %arg0 : i32 to vector<16xi32>
      %add3A_979 = arith.addi %mul3A_977, %add3A_978 : vector<16xi32>
      %swap3A_980 = arith.constant 0 : i32
      %swap3A_981 = arith.index_cast %swap3A_980 : i32 to index
      %swap3A_982 = arith.constant 0 : index
      %swap3A_983 = tpu.vector_load %arg16[%swap3A_981, %swap3A_982] {strides = array<i32>} : memref<2x112xi32, #tpu.memory_space<vmem>>, vector<1x16xi32>,
      %swap3A_984 = vector.shape_cast %swap3A_983 : vector<1x16xi32> to vector<16xi32>
      %swap3A_985 = vector.shape_cast %add3A_979 : vector<16xi32> to vector<1x16xi32>
      tpu.vector_store %arg16[%swap3A_981, %swap3A_982], %swap3A_985 {strides = array<i32>} : memref<2x112xi32, #tpu.memory_space<vmem>>, vector<1x16xi32>,
      %get3A_986 = arith.constant 0 : i32
      %get3A_987 = arith.index_cast %get3A_986 : i32 to index
      %get3A_988 = arith.constant 16 : index
      %get3A_989 = tpu.vector_load %arg16[%get3A_987, %get3A_988] {strides = array<i32>} : memref<2x112xi32, #tpu.memory_space<vmem>>, vector<1x16xi32>,
      %get3A_990 = vector.shape_cast %get3A_989 : vector<1x16xi32> to vector<16xi32>
      %mul3A_991 = arith.constant 2 : i32
      %mul3A_992 = vector.broadcast %mul3A_991 : i32 to vector<16xi32>
      %mul3A_993 = arith.muli %get3A_990, %mul3A_992 : vector<16xi32>
      %add3A_994 = vector.broadcast %arg0 : i32 to vector<16xi32>
      %add3A_995 = arith.addi %mul3A_993, %add3A_994 : vector<16xi32>
      %swap3A_996 = arith.constant 0 : i32
      %swap3A_997 = arith.index_cast %swap3A_996 : i32 to index
      %swap3A_998 = arith.constant 16 : index
      %swap3A_999 = tpu.vector_load %arg16[%swap3A_997, %swap3A_998] {strides = array<i32>} : memref<2x112xi32, #tpu.memory_space<vmem>>, vector<1x16xi32>,
      %swap3A_1000 = vector.shape_cast %swap3A_999 : vector<1x16xi32> to vector<16xi32>
      %swap3A_1001 = vector.shape_cast %add3A_995 : vector<16xi32> to vector<1x16xi32>
      tpu.vector_store %arg16[%swap3A_997, %swap3A_998], %swap3A_1001 {strides = array<i32>} : memref<2x112xi32, #tpu.memory_space<vmem>>, vector<1x16xi32>,
      %get3A_1002 = arith.constant 0 : i32
      %get3A_1003 = arith.index_cast %get3A_1002 : i32 to index
      %get3A_1004 = arith.constant 32 : index
      %get3A_1005 = tpu.vector_load %arg16[%get3A_1003, %get3A_1004] {strides = array<i32>} : memref<2x112xi32, #tpu.memory_space<vmem>>, vector<1x16xi32>,
      %get3A_1006 = vector.shape_cast %get3A_1005 : vector<1x16xi32> to vector<16xi32>
      %mul3A_1007 = arith.constant 2 : i32
      %mul3A_1008 = vector.broadcast %mul3A_1007 : i32 to vector<16xi32>
      %mul3A_1009 = arith.muli %get3A_1006, %mul3A_1008 : vector<16xi32>
      %add3A_1010 = vector.broadcast %arg0 : i32 to vector<16xi32>
      %add3A_1011 = arith.addi %mul3A_1009, %add3A_1010 : vector<16xi32>
      %swap3A_1012 = arith.constant 0 : i32
      %swap3A_1013 = arith.index_cast %swap3A_1012 : i32 to index
      %swap3A_1014 = arith.constant 32 : index
      %swap3A_1015 = tpu.vector_load %arg16[%swap3A_1013, %swap3A_1014] {strides = array<i32>} : memref<2x112xi32, #tpu.memory_space<vmem>>, vector<1x16xi32>,
      %swap3A_1016 = vector.shape_cast %swap3A_1015 : vector<1x16xi32> to vector<16xi32>
      %swap3A_1017 = vector.shape_cast %add3A_1011 : vector<16xi32> to vector<1x16xi32>
      tpu.vector_store %arg16[%swap3A_1013, %swap3A_1014], %swap3A_1017 {strides = array<i32>} : memref<2x112xi32, #tpu.memory_space<vmem>>, vector<1x16xi32>,
      %get3A_1018 = arith.constant 0 : i32
      %get3A_1019 = arith.index_cast %get3A_1018 : i32 to index
      %get3A_1020 = arith.constant 48 : index
      %get3A_1021 = tpu.vector_load %arg16[%get3A_1019, %get3A_1020] {strides = array<i32>} : memref<2x112xi32, #tpu.memory_space<vmem>>, vector<1x16xi32>,
      %get3A_1022 = vector.shape_cast %get3A_1021 : vector<1x16xi32> to vector<16xi32>
      %mul3A_1023 = arith.constant 2 : i32
      %mul3A_1024 = vector.broadcast %mul3A_1023 : i32 to vector<16xi32>
      %mul3A_1025 = arith.muli %get3A_1022, %mul3A_1024 : vector<16xi32>
      %add3A_1026 = vector.broadcast %arg0 : i32 to vector<16xi32>
      %add3A_1027 = arith.addi %mul3A_1025, %add3A_1026 : vector<16xi32>
      %swap3A_1028 = arith.constant 0 : i32
      %swap3A_1029 = arith.index_cast %swap3A_1028 : i32 to index
      %swap3A_1030 = arith.constant 48 : index
      %swap3A_1031 = tpu.vector_load %arg16[%swap3A_1029, %swap3A_1030] {strides = array<i32>} : memref<2x112xi32, #tpu.memory_space<vmem>>, vector<1x16xi32>,
      %swap3A_1032 = vector.shape_cast %swap3A_1031 : vector<1x16xi32> to vector<16xi32>
      %swap3A_1033 = vector.shape_cast %add3A_1027 : vector<16xi32> to vector<1x16xi32>
      tpu.vector_store %arg16[%swap3A_1029, %swap3A_1030], %swap3A_1033 {strides = array<i32>} : memref<2x112xi32, #tpu.memory_space<vmem>>, vector<1x16xi32>,
      %get3A_1034 = arith.constant 0 : i32
      %get3A_1035 = arith.index_cast %get3A_1034 : i32 to index
      %get3A_1036 = arith.constant 64 : index
      %get3A_1037 = tpu.vector_load %arg16[%get3A_1035, %get3A_1036] {strides = array<i32>} : memref<2x112xi32, #tpu.memory_space<vmem>>, vector<1x16xi32>,
      %get3A_1038 = vector.shape_cast %get3A_1037 : vector<1x16xi32> to vector<16xi32>
      %mul3A_1039 = arith.constant 2 : i32
      %mul3A_1040 = vector.broadcast %mul3A_1039 : i32 to vector<16xi32>
      %mul3A_1041 = arith.muli %get3A_1038, %mul3A_1040 : vector<16xi32>
      %add3A_1042 = vector.broadcast %arg0 : i32 to vector<16xi32>
      %add3A_1043 = arith.addi %mul3A_1041, %add3A_1042 : vector<16xi32>
      %swap3A_1044 = arith.constant 0 : i32
      %swap3A_1045 = arith.index_cast %swap3A_1044 : i32 to index
      %swap3A_1046 = arith.constant 64 : index
      %swap3A_1047 = tpu.vector_load %arg16[%swap3A_1045, %swap3A_1046] {strides = array<i32>} : memref<2x112xi32, #tpu.memory_space<vmem>>, vector<1x16xi32>,
      %swap3A_1048 = vector.shape_cast %swap3A_1047 : vector<1x16xi32> to vector<16xi32>
      %swap3A_1049 = vector.shape_cast %add3A_1043 : vector<16xi32> to vector<1x16xi32>
      tpu.vector_store %arg16[%swap3A_1045, %swap3A_1046], %swap3A_1049 {strides = array<i32>} : memref<2x112xi32, #tpu.memory_space<vmem>>, vector<1x16xi32>,
      %get3A_1050 = arith.constant 0 : i32
      %get3A_1051 = arith.index_cast %get3A_1050 : i32 to index
      %get3A_1052 = arith.constant 80 : index
      %get3A_1053 = tpu.vector_load %arg16[%get3A_1051, %get3A_1052] {strides = array<i32>} : memref<2x112xi32, #tpu.memory_space<vmem>>, vector<1x16xi32>,
      %get3A_1054 = vector.shape_cast %get3A_1053 : vector<1x16xi32> to vector<16xi32>
      %mul3A_1055 = arith.constant 2 : i32
      %mul3A_1056 = vector.broadcast %mul3A_1055 : i32 to vector<16xi32>
      %mul3A_1057 = arith.muli %get3A_1054, %mul3A_1056 : vector<16xi32>
      %add3A_1058 = vector.broadcast %arg0 : i32 to vector<16xi32>
      %add3A_1059 = arith.addi %mul3A_1057, %add3A_1058 : vector<16xi32>
      %swap3A_1060 = arith.constant 0 : i32
      %swap3A_1061 = arith.index_cast %swap3A_1060 : i32 to index
      %swap3A_1062 = arith.constant 80 : index
      %swap3A_1063 = tpu.vector_load %arg16[%swap3A_1061, %swap3A_1062] {strides = array<i32>} : memref<2x112xi32, #tpu.memory_space<vmem>>, vector<1x16xi32>,
      %swap3A_1064 = vector.shape_cast %swap3A_1063 : vector<1x16xi32> to vector<16xi32>
      %swap3A_1065 = vector.shape_cast %add3A_1059 : vector<16xi32> to vector<1x16xi32>
      tpu.vector_store %arg16[%swap3A_1061, %swap3A_1062], %swap3A_1065 {strides = array<i32>} : memref<2x112xi32, #tpu.memory_space<vmem>>, vector<1x16xi32>,
      %get3A_1066 = arith.constant 0 : i32
      %get3A_1067 = arith.index_cast %get3A_1066 : i32 to index
      %get3A_1068 = arith.constant 96 : index
      %get3A_1069 = tpu.vector_load %arg16[%get3A_1067, %get3A_1068] {strides = array<i32>} : memref<2x112xi32, #tpu.memory_space<vmem>>, vector<1x16xi32>,
      %get3A_1070 = vector.shape_cast %get3A_1069 : vector<1x16xi32> to vector<16xi32>
      %mul3A_1071 = arith.constant 2 : i32
      %mul3A_1072 = vector.broadcast %mul3A_1071 : i32 to vector<16xi32>
      %mul3A_1073 = arith.muli %get3A_1070, %mul3A_1072 : vector<16xi32>
      %add3A_1074 = vector.broadcast %arg0 : i32 to vector<16xi32>
      %add3A_1075 = arith.addi %mul3A_1073, %add3A_1074 : vector<16xi32>
      %swap3A_1076 = arith.constant 0 : i32
      %swap3A_1077 = arith.index_cast %swap3A_1076 : i32 to index
      %swap3A_1078 = arith.constant 96 : index
      %swap3A_1079 = tpu.vector_load %arg16[%swap3A_1077, %swap3A_1078] {strides = array<i32>} : memref<2x112xi32, #tpu.memory_space<vmem>>, vector<1x16xi32>,
      %swap3A_1080 = vector.shape_cast %swap3A_1079 : vector<1x16xi32> to vector<16xi32>
      %swap3A_1081 = vector.shape_cast %add3A_1075 : vector<16xi32> to vector<1x16xi32>
      tpu.vector_store %arg16[%swap3A_1077, %swap3A_1078], %swap3A_1081 {strides = array<i32>} : memref<2x112xi32, #tpu.memory_space<vmem>>, vector<1x16xi32>,
      %dma_wait3A_1082 = arith.constant 1 : i32
      %dma_wait3A_1083 = arith.constant 0 : i32
      %dma_wait3A_1084 = tpu.memref_slice %arg13[%dma_wait3A_1082, %dma_wait3A_1083] : memref<2x112xi32, #tpu.memory_space<vmem>> -> memref<1x112xi32, #tpu.memory_space<vmem>>
      %dma_wait3A_1085 = tpu.memref_squeeze %dma_wait3A_1084 : memref<1x112xi32, #tpu.memory_space<vmem>> -> memref<112xi32, #tpu.memory_space<vmem>>
      %dma_wait3A_1086 = arith.constant 0 : i32
      %dma_wait3A_1087 = arith.constant 0 : i32
      %dma_wait3A_1088 = tpu.memref_slice %arg21[%dma_wait3A_1086, %dma_wait3A_1087] : memref<10240x128xf32, #tpu.memory_space<vmem_shared>> -> memref<10240x128xf32, #tpu.memory_space<vmem_shared>>
      tpu.wait_indirect_dma semaphore(%arg34 : memref<!tpu.dma_semaphore, #tpu.memory_space<semaphore_mem>>) src(%arg19 : memref<112x128xf32, #tpu.memory_space<vmem>>) dst(%dma_wait3A_1088 : memref<10240x128xf32, #tpu.memory_space<vmem_shared>>)
      %dma_start3A_1089 = arith.constant 0 : i32
      %dma_start3A_1090 = arith.constant 0 : i32
      %dma_start3A_1091 = tpu.memref_slice %arg16[%dma_start3A_1089, %dma_start3A_1090] : memref<2x112xi32, #tpu.memory_space<vmem>> -> memref<1x112xi32, #tpu.memory_space<vmem>>
      %dma_start3A_1092 = tpu.memref_squeeze %dma_start3A_1091 : memref<1x112xi32, #tpu.memory_space<vmem>> -> memref<112xi32, #tpu.memory_space<vmem>>
      %dma_start3A_1093 = arith.constant 0 : i32
      %dma_start3A_1094 = arith.constant 0 : i32
      %dma_start3A_1095 = tpu.memref_slice %arg3[%dma_start3A_1093, %dma_start3A_1094] : memref<20000x128xf32, #tpu.memory_space<hbm>> -> memref<20000x128xf32, #tpu.memory_space<hbm>>
      tpu.enqueue_indirect_dma source(%dma_start3A_1095 : memref<20000x128xf32, #tpu.memory_space<hbm>>) target(%arg19 : memref<112x128xf32, #tpu.memory_space<vmem>>) offsets(%dma_start3A_1092 : memref<112xi32, #tpu.memory_space<vmem>>) semaphore(%arg31 : memref<!tpu.dma_semaphore, #tpu.memory_space<semaphore_mem>>)
      %dma_wait3A_1096 = arith.constant 0 : i32
      %dma_wait3A_1097 = arith.constant 0 : i32
      %dma_wait3A_1098 = tpu.memref_slice %arg15[%dma_wait3A_1096, %dma_wait3A_1097] : memref<2x112xi32, #tpu.memory_space<vmem>> -> memref<1x112xi32, #tpu.memory_space<vmem>>
      %dma_wait3A_1099 = tpu.memref_squeeze %dma_wait3A_1098 : memref<1x112xi32, #tpu.memory_space<vmem>> -> memref<112xi32, #tpu.memory_space<vmem>>
      %dma_wait3A_1100 = arith.constant 0 : i32
      %dma_wait3A_1101 = arith.constant 0 : i32
      %dma_wait3A_1102 = tpu.memref_slice %arg3[%dma_wait3A_1100, %dma_wait3A_1101] : memref<20000x128xf32, #tpu.memory_space<hbm>> -> memref<20000x128xf32, #tpu.memory_space<hbm>>
      tpu.wait_indirect_dma semaphore(%arg30 : memref<!tpu.dma_semaphore, #tpu.memory_space<semaphore_mem>>) src(%dma_wait3A_1102 : memref<20000x128xf32, #tpu.memory_space<hbm>>) dst(%arg18 : memref<112x128xf32, #tpu.memory_space<vmem>>)
      %dma_start3A_1103 = arith.constant 1 : i32
      %dma_start3A_1104 = arith.constant 0 : i32
      %dma_start3A_1105 = tpu.memref_slice %arg15[%dma_start3A_1103, %dma_start3A_1104] : memref<2x112xi32, #tpu.memory_space<vmem>> -> memref<1x112xi32, #tpu.memory_space<vmem>>
      %dma_start3A_1106 = tpu.memref_squeeze %dma_start3A_1105 : memref<1x112xi32, #tpu.memory_space<vmem>> -> memref<112xi32, #tpu.memory_space<vmem>>
      %dma_start3A_1107 = arith.constant 0 : i32
      %dma_start3A_1108 = arith.constant 0 : i32
      %dma_start3A_1109 = tpu.memref_slice %arg21[%dma_start3A_1107, %dma_start3A_1108] : memref<10240x128xf32, #tpu.memory_space<vmem_shared>> -> memref<10240x128xf32, #tpu.memory_space<vmem_shared>>
      tpu.enqueue_indirect_dma source(%arg18 : memref<112x128xf32, #tpu.memory_space<vmem>>) target(%dma_start3A_1109 : memref<10240x128xf32, #tpu.memory_space<vmem_shared>>) offsets(%dma_start3A_1106 : memref<112xi32, #tpu.memory_space<vmem>>) semaphore(%arg33 : memref<!tpu.dma_semaphore, #tpu.memory_space<semaphore_mem>>) {add = true}
      %eq3A_1110 = arith.constant 0 : i32
      %eq3A_1111 = arith.cmpi eq, %arg0, %eq3A_1110 : i32
      %convert_element_type3A_1112 = arith.extui %eq3A_1111 : i1 to i32
      %cond3A_1113 = arith.constant 0 : i32
      %cond3A_1114 = arith.cmpi ne, %convert_element_type3A_1112, %cond3A_1113 : i32
      scf.if %cond3A_1114 {
        %dma_wait3A_1125 = arith.constant 1 : i32
        %dma_wait3A_1126 = arith.constant 0 : i32
        %dma_wait3A_1127 = tpu.memref_slice %arg13[%dma_wait3A_1125, %dma_wait3A_1126] : memref<2x112xi32, #tpu.memory_space<vmem>> -> memref<1x112xi32, #tpu.memory_space<vmem>>
        %dma_wait3A_1128 = tpu.memref_squeeze %dma_wait3A_1127 : memref<1x112xi32, #tpu.memory_space<vmem>> -> memref<112xi32, #tpu.memory_space<vmem>>
        %dma_wait3A_1129 = arith.constant 0 : i32
        %dma_wait3A_1130 = tpu.memref_slice %arg22[%dma_wait3A_1129] : memref<10240xf32, #tpu.memory_space<vmem_shared>> -> memref<10240xf32, #tpu.memory_space<vmem_shared>>
        tpu.wait_indirect_dma semaphore(%arg35 : memref<!tpu.dma_semaphore, #tpu.memory_space<semaphore_mem>>) src(%arg20 : memref<112xf32, #tpu.memory_space<vmem>>) dst(%dma_wait3A_1130 : memref<10240xf32, #tpu.memory_space<vmem_shared>>)
      } else {
      }
      %eq3A_1115 = arith.constant 0 : i32
      %eq3A_1116 = arith.cmpi eq, %arg0, %eq3A_1115 : i32
      %convert_element_type3A_1117 = arith.extui %eq3A_1116 : i1 to i32
      %cond3A_1118 = arith.constant 0 : i32
      %cond3A_1119 = arith.cmpi ne, %convert_element_type3A_1117, %cond3A_1118 : i32
      scf.if %cond3A_1119 {
        %dma_start3A_1125 = arith.constant 1 : i32
        %dma_start3A_1126 = arith.constant 0 : i32
        %dma_start3A_1127 = tpu.memref_slice %arg15[%dma_start3A_1125, %dma_start3A_1126] : memref<2x112xi32, #tpu.memory_space<vmem>> -> memref<1x112xi32, #tpu.memory_space<vmem>>
        %dma_start3A_1128 = tpu.memref_squeeze %dma_start3A_1127 : memref<1x112xi32, #tpu.memory_space<vmem>> -> memref<112xi32, #tpu.memory_space<vmem>>
        %dma_start3A_1129 = arith.constant 0 : i32
        %dma_start3A_1130 = tpu.memref_slice %arg22[%dma_start3A_1129] : memref<10240xf32, #tpu.memory_space<vmem_shared>> -> memref<10240xf32, #tpu.memory_space<vmem_shared>>
        tpu.enqueue_indirect_dma source(%arg20 : memref<112xf32, #tpu.memory_space<vmem>>) target(%dma_start3A_1130 : memref<10240xf32, #tpu.memory_space<vmem_shared>>) offsets(%dma_start3A_1128 : memref<112xi32, #tpu.memory_space<vmem>>) semaphore(%arg35 : memref<!tpu.dma_semaphore, #tpu.memory_space<semaphore_mem>>) {add = true}
      } else {
      }
      %lt3A_1120 = arith.constant 14 : i32
      %lt3A_1121 = arith.cmpi slt, %scan3A_340, %lt3A_1120 : i32
      %convert_element_type3A_1122 = arith.extui %lt3A_1121 : i1 to i32
      %cond3A_1123 = arith.constant 0 : i32
      %cond3A_1124 = arith.cmpi ne, %convert_element_type3A_1122, %cond3A_1123 : i32
      scf.if %cond3A_1124 {
        %add3A_1125 = arith.constant 2 : i32
        %add3A_1126 = arith.addi %add3A_959, %add3A_1125 : i32
        %dma_start3A_1127 = arith.constant 0 : i32
        %dma_start3A_1128 = arith.constant 0 : i32
        %dma_start3A_1129 = tpu.memref_slice %arg2[%arg1, %add3A_1126, %dma_start3A_1127, %dma_start3A_1128] : memref<16x90x2x112xi32, #tpu.memory_space<hbm>> -> memref<1x1x2x112xi32, #tpu.memory_space<hbm>>
        %dma_start3A_1130 = tpu.memref_squeeze %dma_start3A_1129 : memref<1x1x2x112xi32, #tpu.memory_space<hbm>> -> memref<2x112xi32, #tpu.memory_space<hbm>>
        %dma_start3A_1131 = arith.constant 0 : i32
        %dma_start3A_1132 = arith.constant 0 : i32
        %dma_start3A_1133 = tpu.memref_slice %arg2[%arg1, %add3A_1126, %dma_start3A_1131, %dma_start3A_1132] : memref<16x90x2x112xi32, #tpu.memory_space<hbm>> -> memref<1x1x2x112xi32, #tpu.memory_space<hbm>>
        %dma_start3A_1134 = tpu.memref_squeeze %dma_start3A_1133 : memref<1x1x2x112xi32, #tpu.memory_space<hbm>> -> memref<2x112xi32, #tpu.memory_space<hbm>>
        tpu.enqueue_dma source(%dma_start3A_1134 : memref<2x112xi32, #tpu.memory_space<hbm>>) target(%arg12 : memref<2x112xi32, #tpu.memory_space<vmem>>) target_semaphore(%arg24 : memref<!tpu.dma_semaphore, #tpu.memory_space<semaphore_mem>>)
      } else {
      }
    }
    %scan3A_276 = arith.constant 15 : i32
    %dma_wait3A_277 = arith.constant 0 : i32
    %dma_wait3A_278 = arith.constant 0 : i32
    %dma_wait3A_279 = tpu.memref_slice %arg16[%dma_wait3A_277, %dma_wait3A_278] : memref<2x112xi32, #tpu.memory_space<vmem>> -> memref<1x112xi32, #tpu.memory_space<vmem>>
    %dma_wait3A_280 = tpu.memref_squeeze %dma_wait3A_279 : memref<1x112xi32, #tpu.memory_space<vmem>> -> memref<112xi32, #tpu.memory_space<vmem>>
    %dma_wait3A_281 = arith.constant 0 : i32
    %dma_wait3A_282 = arith.constant 0 : i32
    %dma_wait3A_283 = tpu.memref_slice %arg3[%dma_wait3A_281, %dma_wait3A_282] : memref<20000x128xf32, #tpu.memory_space<hbm>> -> memref<20000x128xf32, #tpu.memory_space<hbm>>
    tpu.wait_indirect_dma semaphore(%arg31 : memref<!tpu.dma_semaphore, #tpu.memory_space<semaphore_mem>>) src(%dma_wait3A_283 : memref<20000x128xf32, #tpu.memory_space<hbm>>) dst(%arg19 : memref<112x128xf32, #tpu.memory_space<vmem>>)
    %dma_wait3A_284 = arith.constant 1 : i32
    %dma_wait3A_285 = arith.constant 0 : i32
    %dma_wait3A_286 = tpu.memref_slice %arg14[%dma_wait3A_284, %dma_wait3A_285] : memref<2x112xi32, #tpu.memory_space<vmem>> -> memref<1x112xi32, #tpu.memory_space<vmem>>
    %dma_wait3A_287 = tpu.memref_squeeze %dma_wait3A_286 : memref<1x112xi32, #tpu.memory_space<vmem>> -> memref<112xi32, #tpu.memory_space<vmem>>
    %dma_wait3A_288 = arith.constant 0 : i32
    %dma_wait3A_289 = arith.constant 0 : i32
    %dma_wait3A_290 = tpu.memref_slice %arg21[%dma_wait3A_288, %dma_wait3A_289] : memref<10240x128xf32, #tpu.memory_space<vmem_shared>> -> memref<10240x128xf32, #tpu.memory_space<vmem_shared>>
    tpu.wait_indirect_dma semaphore(%arg32 : memref<!tpu.dma_semaphore, #tpu.memory_space<semaphore_mem>>) src(%arg17 : memref<112x128xf32, #tpu.memory_space<vmem>>) dst(%dma_wait3A_290 : memref<10240x128xf32, #tpu.memory_space<vmem_shared>>)
    %dma_start3A_291 = arith.constant 1 : i32
    %dma_start3A_292 = arith.constant 0 : i32
    %dma_start3A_293 = tpu.memref_slice %arg16[%dma_start3A_291, %dma_start3A_292] : memref<2x112xi32, #tpu.memory_space<vmem>> -> memref<1x112xi32, #tpu.memory_space<vmem>>
    %dma_start3A_294 = tpu.memref_squeeze %dma_start3A_293 : memref<1x112xi32, #tpu.memory_space<vmem>> -> memref<112xi32, #tpu.memory_space<vmem>>
    %dma_start3A_295 = arith.constant 0 : i32
    %dma_start3A_296 = arith.constant 0 : i32
    %dma_start3A_297 = tpu.memref_slice %arg21[%dma_start3A_295, %dma_start3A_296] : memref<10240x128xf32, #tpu.memory_space<vmem_shared>> -> memref<10240x128xf32, #tpu.memory_space<vmem_shared>>
    tpu.enqueue_indirect_dma source(%arg19 : memref<112x128xf32, #tpu.memory_space<vmem>>) target(%dma_start3A_297 : memref<10240x128xf32, #tpu.memory_space<vmem_shared>>) offsets(%dma_start3A_294 : memref<112xi32, #tpu.memory_space<vmem>>) semaphore(%arg34 : memref<!tpu.dma_semaphore, #tpu.memory_space<semaphore_mem>>) {add = true}
    %eq3A = arith.constant 0 : i32
    %eq3A_298 = arith.cmpi eq, %arg0, %eq3A : i32
    %convert_element_type3A = arith.extui %eq3A_298 : i1 to i32
    %cond3A = arith.constant 0 : i32
    %cond3A_299 = arith.cmpi ne, %convert_element_type3A, %cond3A : i32
    scf.if %cond3A_299 {
      %dma_wait3A_340 = arith.constant 1 : i32
      %dma_wait3A_341 = arith.constant 0 : i32
      %dma_wait3A_342 = tpu.memref_slice %arg15[%dma_wait3A_340, %dma_wait3A_341] : memref<2x112xi32, #tpu.memory_space<vmem>> -> memref<1x112xi32, #tpu.memory_space<vmem>>
      %dma_wait3A_343 = tpu.memref_squeeze %dma_wait3A_342 : memref<1x112xi32, #tpu.memory_space<vmem>> -> memref<112xi32, #tpu.memory_space<vmem>>
      %dma_wait3A_344 = arith.constant 0 : i32
      %dma_wait3A_345 = tpu.memref_slice %arg22[%dma_wait3A_344] : memref<10240xf32, #tpu.memory_space<vmem_shared>> -> memref<10240xf32, #tpu.memory_space<vmem_shared>>
      tpu.wait_indirect_dma semaphore(%arg35 : memref<!tpu.dma_semaphore, #tpu.memory_space<semaphore_mem>>) src(%arg20 : memref<112xf32, #tpu.memory_space<vmem>>) dst(%dma_wait3A_345 : memref<10240xf32, #tpu.memory_space<vmem_shared>>)
    } else {
    }
    %eq3A_300 = arith.constant 1 : i32
    %eq3A_301 = arith.cmpi eq, %arg0, %eq3A_300 : i32
    %convert_element_type3A_302 = arith.extui %eq3A_301 : i1 to i32
    %cond3A_303 = arith.constant 0 : i32
    %cond3A_304 = arith.cmpi ne, %convert_element_type3A_302, %cond3A_303 : i32
    scf.if %cond3A_304 {
      %dma_wait3A_340 = arith.constant 1 : i32
      %dma_wait3A_341 = arith.constant 0 : i32
      %dma_wait3A_342 = tpu.memref_slice %arg14[%dma_wait3A_340, %dma_wait3A_341] : memref<2x112xi32, #tpu.memory_space<vmem>> -> memref<1x112xi32, #tpu.memory_space<vmem>>
      %dma_wait3A_343 = tpu.memref_squeeze %dma_wait3A_342 : memref<1x112xi32, #tpu.memory_space<vmem>> -> memref<112xi32, #tpu.memory_space<vmem>>
      %dma_wait3A_344 = arith.constant 0 : i32
      %dma_wait3A_345 = tpu.memref_slice %arg22[%dma_wait3A_344] : memref<10240xf32, #tpu.memory_space<vmem_shared>> -> memref<10240xf32, #tpu.memory_space<vmem_shared>>
      tpu.wait_indirect_dma semaphore(%arg35 : memref<!tpu.dma_semaphore, #tpu.memory_space<semaphore_mem>>) src(%arg20 : memref<112xf32, #tpu.memory_space<vmem>>) dst(%dma_wait3A_345 : memref<10240xf32, #tpu.memory_space<vmem_shared>>)
    } else {
    }
    %eq3A_305 = arith.constant 1 : i32
    %eq3A_306 = arith.cmpi eq, %arg0, %eq3A_305 : i32
    %convert_element_type3A_307 = arith.extui %eq3A_306 : i1 to i32
    %cond3A_308 = arith.constant 0 : i32
    %cond3A_309 = arith.cmpi ne, %convert_element_type3A_307, %cond3A_308 : i32
    scf.if %cond3A_309 {
      %dma_start3A_340 = arith.constant 1 : i32
      %dma_start3A_341 = arith.constant 0 : i32
      %dma_start3A_342 = tpu.memref_slice %arg16[%dma_start3A_340, %dma_start3A_341] : memref<2x112xi32, #tpu.memory_space<vmem>> -> memref<1x112xi32, #tpu.memory_space<vmem>>
      %dma_start3A_343 = tpu.memref_squeeze %dma_start3A_342 : memref<1x112xi32, #tpu.memory_space<vmem>> -> memref<112xi32, #tpu.memory_space<vmem>>
      %dma_start3A_344 = arith.constant 0 : i32
      %dma_start3A_345 = tpu.memref_slice %arg22[%dma_start3A_344] : memref<10240xf32, #tpu.memory_space<vmem_shared>> -> memref<10240xf32, #tpu.memory_space<vmem_shared>>
      tpu.enqueue_indirect_dma source(%arg20 : memref<112xf32, #tpu.memory_space<vmem>>) target(%dma_start3A_345 : memref<10240xf32, #tpu.memory_space<vmem_shared>>) offsets(%dma_start3A_343 : memref<112xi32, #tpu.memory_space<vmem>>) semaphore(%arg35 : memref<!tpu.dma_semaphore, #tpu.memory_space<semaphore_mem>>) {add = true}
    } else {
    }
    %eq3A_310 = arith.constant 1 : i32
    %eq3A_311 = arith.cmpi eq, %arg0, %eq3A_310 : i32
    %convert_element_type3A_312 = arith.extui %eq3A_311 : i1 to i32
    %cond3A_313 = arith.constant 0 : i32
    %cond3A_314 = arith.cmpi ne, %convert_element_type3A_312, %cond3A_313 : i32
    scf.if %cond3A_314 {
      %dma_wait3A_340 = arith.constant 1 : i32
      %dma_wait3A_341 = arith.constant 0 : i32
      %dma_wait3A_342 = tpu.memref_slice %arg16[%dma_wait3A_340, %dma_wait3A_341] : memref<2x112xi32, #tpu.memory_space<vmem>> -> memref<1x112xi32, #tpu.memory_space<vmem>>
      %dma_wait3A_343 = tpu.memref_squeeze %dma_wait3A_342 : memref<1x112xi32, #tpu.memory_space<vmem>> -> memref<112xi32, #tpu.memory_space<vmem>>
      %dma_wait3A_344 = arith.constant 0 : i32
      %dma_wait3A_345 = tpu.memref_slice %arg22[%dma_wait3A_344] : memref<10240xf32, #tpu.memory_space<vmem_shared>> -> memref<10240xf32, #tpu.memory_space<vmem_shared>>
      tpu.wait_indirect_dma semaphore(%arg35 : memref<!tpu.dma_semaphore, #tpu.memory_space<semaphore_mem>>) src(%arg20 : memref<112xf32, #tpu.memory_space<vmem>>) dst(%dma_wait3A_345 : memref<10240xf32, #tpu.memory_space<vmem_shared>>)
    } else {
    }
    %dma_wait3A_315 = arith.constant 1 : i32
    %dma_wait3A_316 = arith.constant 0 : i32
    %dma_wait3A_317 = tpu.memref_slice %arg15[%dma_wait3A_315, %dma_wait3A_316] : memref<2x112xi32, #tpu.memory_space<vmem>> -> memref<1x112xi32, #tpu.memory_space<vmem>>
    %dma_wait3A_318 = tpu.memref_squeeze %dma_wait3A_317 : memref<1x112xi32, #tpu.memory_space<vmem>> -> memref<112xi32, #tpu.memory_space<vmem>>
    %dma_wait3A_319 = arith.constant 0 : i32
    %dma_wait3A_320 = arith.constant 0 : i32
    %dma_wait3A_321 = tpu.memref_slice %arg21[%dma_wait3A_319, %dma_wait3A_320] : memref<10240x128xf32, #tpu.memory_space<vmem_shared>> -> memref<10240x128xf32, #tpu.memory_space<vmem_shared>>
    tpu.wait_indirect_dma semaphore(%arg33 : memref<!tpu.dma_semaphore, #tpu.memory_space<semaphore_mem>>) src(%arg18 : memref<112x128xf32, #tpu.memory_space<vmem>>) dst(%dma_wait3A_321 : memref<10240x128xf32, #tpu.memory_space<vmem_shared>>)
    %dma_wait3A_322 = arith.constant 1 : i32
    %dma_wait3A_323 = arith.constant 0 : i32
    %dma_wait3A_324 = tpu.memref_slice %arg16[%dma_wait3A_322, %dma_wait3A_323] : memref<2x112xi32, #tpu.memory_space<vmem>> -> memref<1x112xi32, #tpu.memory_space<vmem>>
    %dma_wait3A_325 = tpu.memref_squeeze %dma_wait3A_324 : memref<1x112xi32, #tpu.memory_space<vmem>> -> memref<112xi32, #tpu.memory_space<vmem>>
    %dma_wait3A_326 = arith.constant 0 : i32
    %dma_wait3A_327 = arith.constant 0 : i32
    %dma_wait3A_328 = tpu.memref_slice %arg21[%dma_wait3A_326, %dma_wait3A_327] : memref<10240x128xf32, #tpu.memory_space<vmem_shared>> -> memref<10240x128xf32, #tpu.memory_space<vmem_shared>>
    tpu.wait_indirect_dma semaphore(%arg34 : memref<!tpu.dma_semaphore, #tpu.memory_space<semaphore_mem>>) src(%arg19 : memref<112x128xf32, #tpu.memory_space<vmem>>) dst(%dma_wait3A_328 : memref<10240x128xf32, #tpu.memory_space<vmem_shared>>)
    %barrier3A_329 = arith.constant 0 : index
    tpu.barrier barrier_id(%barrier3A_329)
    %eq3A_330 = arith.constant 0 : i32
    %eq3A_331 = arith.cmpi eq, %arg0, %eq3A_330 : i32
    %convert_element_type3A_332 = arith.extui %eq3A_331 : i1 to i32
    %cond3A_333 = arith.constant 0 : i32
    %cond3A_334 = arith.cmpi ne, %convert_element_type3A_332, %cond3A_333 : i32
    scf.if %cond3A_334 {
      "tpu.region"() ({
        %run_scoped3A = tpu.sem_alloc : memref<!tpu.dma_semaphore, #tpu.memory_space<semaphore_mem>>
        %dma_start3A_340 = arith.constant 0 : i32
        %dma_start3A_341 = tpu.memref_slice %arg7[%mul3A_0, %dma_start3A_340] : memref<10240x128xf32, #tpu.memory_space<hbm>> -> memref<640x128xf32, #tpu.memory_space<hbm>>
        %dma_start3A_342 = arith.constant 0 : i32
        %dma_start3A_343 = tpu.memref_slice %arg21[%mul3A_0, %dma_start3A_342] : memref<10240x128xf32, #tpu.memory_space<vmem_shared>> -> memref<640x128xf32, #tpu.memory_space<vmem_shared>>
        tpu.enqueue_dma source(%dma_start3A_343 : memref<640x128xf32, #tpu.memory_space<vmem_shared>>) target(%dma_start3A_341 : memref<640x128xf32, #tpu.memory_space<hbm>>) target_semaphore(%run_scoped3A : memref<!tpu.dma_semaphore, #tpu.memory_space<semaphore_mem>>)
        %dma_wait3A_344 = arith.constant 0 : i32
        %dma_wait3A_345 = tpu.memref_slice %arg7[%mul3A_0, %dma_wait3A_344] : memref<10240x128xf32, #tpu.memory_space<hbm>> -> memref<640x128xf32, #tpu.memory_space<hbm>>
        %dma_wait3A_346 = arith.constant 0 : i32
        %dma_wait3A_347 = tpu.memref_slice %arg21[%mul3A_0, %dma_wait3A_346] : memref<10240x128xf32, #tpu.memory_space<vmem_shared>> -> memref<640x128xf32, #tpu.memory_space<vmem_shared>>
        tpu.wait_dma2 semaphore(%run_scoped3A : memref<!tpu.dma_semaphore, #tpu.memory_space<semaphore_mem>>) src(%dma_wait3A_347 : memref<640x128xf32, #tpu.memory_space<vmem_shared>>) dst(%dma_wait3A_345 : memref<640x128xf32, #tpu.memory_space<hbm>>)
        tpu.yield
      }) : () -> ()
      "tpu.region"() ({
        %run_scoped3A = tpu.sem_alloc : memref<!tpu.dma_semaphore, #tpu.memory_space<semaphore_mem>>
        %dma_start3A_340 = tpu.memref_slice %arg9[%mul3A_0] : memref<10240xf32, #tpu.memory_space<hbm>> -> memref<640xf32, #tpu.memory_space<hbm>>
        %dma_start3A_341 = tpu.memref_slice %arg22[%mul3A_0] : memref<10240xf32, #tpu.memory_space<vmem_shared>> -> memref<640xf32, #tpu.memory_space<vmem_shared>>
        tpu.enqueue_dma source(%dma_start3A_341 : memref<640xf32, #tpu.memory_space<vmem_shared>>) target(%dma_start3A_340 : memref<640xf32, #tpu.memory_space<hbm>>) target_semaphore(%run_scoped3A : memref<!tpu.dma_semaphore, #tpu.memory_space<semaphore_mem>>)
        %dma_wait3A_342 = tpu.memref_slice %arg9[%mul3A_0] : memref<10240xf32, #tpu.memory_space<hbm>> -> memref<640xf32, #tpu.memory_space<hbm>>
        %dma_wait3A_343 = tpu.memref_slice %arg22[%mul3A_0] : memref<10240xf32, #tpu.memory_space<vmem_shared>> -> memref<640xf32, #tpu.memory_space<vmem_shared>>
        tpu.wait_dma2 semaphore(%run_scoped3A : memref<!tpu.dma_semaphore, #tpu.memory_space<semaphore_mem>>) src(%dma_wait3A_343 : memref<640xf32, #tpu.memory_space<vmem_shared>>) dst(%dma_wait3A_342 : memref<640xf32, #tpu.memory_space<hbm>>)
        tpu.yield
      }) : () -> ()
    } else {
    }
    %eq3A_335 = arith.constant 1 : i32
    %eq3A_336 = arith.cmpi eq, %arg0, %eq3A_335 : i32
    %convert_element_type3A_337 = arith.extui %eq3A_336 : i1 to i32
    %cond3A_338 = arith.constant 0 : i32
    %cond3A_339 = arith.cmpi ne, %convert_element_type3A_337, %cond3A_338 : i32
    scf.if %cond3A_339 {
      "tpu.region"() ({
        %run_scoped3A = tpu.sem_alloc : memref<!tpu.dma_semaphore, #tpu.memory_space<semaphore_mem>>
        %dma_start3A_340 = arith.constant 0 : i32
        %dma_start3A_341 = tpu.memref_slice %arg8[%mul3A_0, %dma_start3A_340] : memref<10240x128xf32, #tpu.memory_space<hbm>> -> memref<640x128xf32, #tpu.memory_space<hbm>>
        %dma_start3A_342 = arith.constant 0 : i32
        %dma_start3A_343 = tpu.memref_slice %arg21[%mul3A_0, %dma_start3A_342] : memref<10240x128xf32, #tpu.memory_space<vmem_shared>> -> memref<640x128xf32, #tpu.memory_space<vmem_shared>>
        tpu.enqueue_dma source(%dma_start3A_343 : memref<640x128xf32, #tpu.memory_space<vmem_shared>>) target(%dma_start3A_341 : memref<640x128xf32, #tpu.memory_space<hbm>>) target_semaphore(%run_scoped3A : memref<!tpu.dma_semaphore, #tpu.memory_space<semaphore_mem>>)
        %dma_wait3A_344 = arith.constant 0 : i32
        %dma_wait3A_345 = tpu.memref_slice %arg8[%mul3A_0, %dma_wait3A_344] : memref<10240x128xf32, #tpu.memory_space<hbm>> -> memref<640x128xf32, #tpu.memory_space<hbm>>
        %dma_wait3A_346 = arith.constant 0 : i32
        %dma_wait3A_347 = tpu.memref_slice %arg21[%mul3A_0, %dma_wait3A_346] : memref<10240x128xf32, #tpu.memory_space<vmem_shared>> -> memref<640x128xf32, #tpu.memory_space<vmem_shared>>
        tpu.wait_dma2 semaphore(%run_scoped3A : memref<!tpu.dma_semaphore, #tpu.memory_space<semaphore_mem>>) src(%dma_wait3A_347 : memref<640x128xf32, #tpu.memory_space<vmem_shared>>) dst(%dma_wait3A_345 : memref<640x128xf32, #tpu.memory_space<hbm>>)
        tpu.yield
      }) : () -> ()
      "tpu.region"() ({
        %run_scoped3A = tpu.sem_alloc : memref<!tpu.dma_semaphore, #tpu.memory_space<semaphore_mem>>
        %dma_start3A_340 = tpu.memref_slice %arg10[%mul3A_0] : memref<10240xf32, #tpu.memory_space<hbm>> -> memref<640xf32, #tpu.memory_space<hbm>>
        %dma_start3A_341 = tpu.memref_slice %arg22[%mul3A_0] : memref<10240xf32, #tpu.memory_space<vmem_shared>> -> memref<640xf32, #tpu.memory_space<vmem_shared>>
        tpu.enqueue_dma source(%dma_start3A_341 : memref<640xf32, #tpu.memory_space<vmem_shared>>) target(%dma_start3A_340 : memref<640xf32, #tpu.memory_space<hbm>>) target_semaphore(%run_scoped3A : memref<!tpu.dma_semaphore, #tpu.memory_space<semaphore_mem>>)
        %dma_wait3A_342 = tpu.memref_slice %arg10[%mul3A_0] : memref<10240xf32, #tpu.memory_space<hbm>> -> memref<640xf32, #tpu.memory_space<hbm>>
        %dma_wait3A_343 = tpu.memref_slice %arg22[%mul3A_0] : memref<10240xf32, #tpu.memory_space<vmem_shared>> -> memref<640xf32, #tpu.memory_space<vmem_shared>>
        tpu.wait_dma2 semaphore(%run_scoped3A : memref<!tpu.dma_semaphore, #tpu.memory_space<semaphore_mem>>) src(%dma_wait3A_343 : memref<640xf32, #tpu.memory_space<vmem_shared>>) dst(%dma_wait3A_342 : memref<640xf32, #tpu.memory_space<hbm>>)
        tpu.yield
      }) : () -> ()
    } else {
    }
    return
  }
}

module attributes {stable_mosaic.version = 14 : i64} {
  func.func @_tc_base_body(%arg0: i32, %arg1: memref<2000x256xf32, #tpu.memory_space<vmem>>, %arg2: memref<256x2xf32, #tpu.memory_space<vmem>>, %arg3: memref<1x2xf32, #tpu.memory_space<vmem>>, %arg4: memref<256x256xf32, #tpu.memory_space<vmem>>, %arg5: memref<1x256xf32, #tpu.memory_space<vmem>>, %arg6: memref<256x256xf32, #tpu.memory_space<vmem>>, %arg7: memref<1x256xf32, #tpu.memory_space<vmem>>, %arg8: memref<2000x256xbf16, #tpu.memory_space<vmem>>, %arg9: memref<2000x1xf32, #tpu.memory_space<vmem>>) attributes {dimension_semantics = [#tpu.dimension_semantics<arbitrary>], iteration_bounds = array<i64: 5>, scalar_prefetch = 0 : i64, scratch_operands = 0 : i64, tpu.core_type = #tpu.core_type<tc>, window_params = [{transform_indices = @transform_0, window_bounds = array<i64: 2000, 256>}, {pipeline_mode = #tpu.pipeline_mode<synchronous>, transform_indices = @transform_1, window_bounds = array<i64: 256, 2>}, {pipeline_mode = #tpu.pipeline_mode<synchronous>, transform_indices = @transform_2, window_bounds = array<i64: 1, 2>}, {pipeline_mode = #tpu.pipeline_mode<synchronous>, transform_indices = @transform_3, window_bounds = array<i64: 256, 256>}, {pipeline_mode = #tpu.pipeline_mode<synchronous>, transform_indices = @transform_4, window_bounds = array<i64: 1, 256>}, {pipeline_mode = #tpu.pipeline_mode<synchronous>, transform_indices = @transform_5, window_bounds = array<i64: 256, 256>}, {pipeline_mode = #tpu.pipeline_mode<synchronous>, transform_indices = @transform_6, window_bounds = array<i64: 1, 256>}, {transform_indices = @transform_7, window_bounds = array<i64: 2000, 256>}, {transform_indices = @transform_8, window_bounds = array<i64: 2000, 1>}]} {
    %get3A = arith.constant 0 : index
    %get3A_0 = arith.constant 0 : index
    %get3A_1 = vector.load %arg1[%get3A, %get3A_0] : memref<2000x256xf32, #tpu.memory_space<vmem>>, vector<2000x256xf32>
    %get3A_2 = arith.constant 0 : index
    %get3A_3 = arith.constant 0 : index
    %get3A_4 = vector.load %arg2[%get3A_2, %get3A_3] : memref<256x2xf32, #tpu.memory_space<vmem>>, vector<256x2xf32>
    %dot_general3A = arith.constant dense<0.000000e+00> : vector<2000x2xf32>
    %dot_general3A_5 = tpu.matmul %get3A_1, %get3A_4, %dot_general3A {dimension_numbers = #tpu.dot_dimension_numbers<[1], [0], [0], [1], [0, 0, 1, 1], [], []>, transpose_lhs_hint = false} : vector<2000x256xf32>, vector<256x2xf32>, vector<2000x2xf32> -> vector<2000x2xf32>
    %get3A_6 = arith.constant 0 : index
    %get3A_7 = arith.constant 0 : index
    %get3A_8 = vector.load %arg3[%get3A_6, %get3A_7] : memref<1x2xf32, #tpu.memory_space<vmem>>, vector<1x2xf32>
    %add3A = vector.broadcast %get3A_8 : vector<1x2xf32> to vector<2000x2xf32>
    %add3A_9 = arith.addf %dot_general3A_5, %add3A : vector<2000x2xf32>
    %slice3A = vector.extract_strided_slice %add3A_9 {offsets = [0, 1], sizes = [2000, 1], strides = [1, 1]} : vector<2000x2xf32> to vector<2000x1xf32>
    %slice3A_10 = vector.extract_strided_slice %add3A_9 {offsets = [0, 0], sizes = [2000, 1], strides = [1, 1]} : vector<2000x2xf32> to vector<2000x1xf32>
    %sub3A = arith.subf %slice3A, %slice3A_10 : vector<2000x1xf32>
    %neg3A = arith.constant 0.000000e+00 : f32
    %neg3A_11 = vector.broadcast %neg3A : f32 to vector<2000x1xf32>
    %neg3A_12 = arith.subf %neg3A_11, %sub3A : vector<2000x1xf32>
    %exp3A = math.exp %neg3A_12 : vector<2000x1xf32>
    %add3A_13 = arith.constant 1.000000e+00 : f32
    %add3A_14 = vector.broadcast %add3A_13 : f32 to vector<2000x1xf32>
    %add3A_15 = arith.addf %add3A_14, %exp3A : vector<2000x1xf32>
    %div3A = arith.constant 1.000000e+00 : f32
    %div3A_16 = vector.broadcast %div3A : f32 to vector<2000x1xf32>
    %div3A_17 = arith.divf %div3A_16, %add3A_15 : vector<2000x1xf32>
    %sub3A_18 = arith.constant 1.000000e+00 : f32
    %sub3A_19 = vector.broadcast %sub3A_18 : f32 to vector<2000x1xf32>
    %sub3A_20 = arith.subf %sub3A_19, %div3A_17 : vector<2000x1xf32>
    %get3A_21 = arith.constant 0 : index
    %get3A_22 = arith.constant 0 : index
    %get3A_23 = vector.load %arg4[%get3A_21, %get3A_22] : memref<256x256xf32, #tpu.memory_space<vmem>>, vector<256x256xf32>
    %dot_general3A_24 = arith.constant dense<0.000000e+00> : vector<2000x256xf32>
    %dot_general3A_25 = tpu.matmul %get3A_1, %get3A_23, %dot_general3A_24 {dimension_numbers = #tpu.dot_dimension_numbers<[1], [0], [0], [1], [0, 0, 1, 1], [], []>, transpose_lhs_hint = false} : vector<2000x256xf32>, vector<256x256xf32>, vector<2000x256xf32> -> vector<2000x256xf32>
    %get3A_26 = arith.constant 0 : index
    %get3A_27 = arith.constant 0 : index
    %get3A_28 = vector.load %arg5[%get3A_26, %get3A_27] : memref<1x256xf32, #tpu.memory_space<vmem>>, vector<1x256xf32>
    %add3A_29 = vector.broadcast %get3A_28 : vector<1x256xf32> to vector<2000x256xf32>
    %add3A_30 = arith.addf %dot_general3A_25, %add3A_29 : vector<2000x256xf32>
    %mul3A = vector.broadcast %sub3A_20 : vector<2000x1xf32> to vector<2000x256xf32>
    %mul3A_31 = arith.mulf %mul3A, %add3A_30 : vector<2000x256xf32>
    %get3A_32 = arith.constant 0 : index
    %get3A_33 = arith.constant 0 : index
    %get3A_34 = vector.load %arg6[%get3A_32, %get3A_33] : memref<256x256xf32, #tpu.memory_space<vmem>>, vector<256x256xf32>
    %dot_general3A_35 = arith.constant dense<0.000000e+00> : vector<2000x256xf32>
    %dot_general3A_36 = tpu.matmul %get3A_1, %get3A_34, %dot_general3A_35 {dimension_numbers = #tpu.dot_dimension_numbers<[1], [0], [0], [1], [0, 0, 1, 1], [], []>, transpose_lhs_hint = false} : vector<2000x256xf32>, vector<256x256xf32>, vector<2000x256xf32> -> vector<2000x256xf32>
    %get3A_37 = arith.constant 0 : index
    %get3A_38 = arith.constant 0 : index
    %get3A_39 = vector.load %arg7[%get3A_37, %get3A_38] : memref<1x256xf32, #tpu.memory_space<vmem>>, vector<1x256xf32>
    %add3A_40 = vector.broadcast %get3A_39 : vector<1x256xf32> to vector<2000x256xf32>
    %add3A_41 = arith.addf %dot_general3A_36, %add3A_40 : vector<2000x256xf32>
    %mul3A_42 = vector.broadcast %div3A_17 : vector<2000x1xf32> to vector<2000x256xf32>
    %mul3A_43 = arith.mulf %mul3A_42, %add3A_41 : vector<2000x256xf32>
    %add3A_44 = arith.addf %mul3A_31, %mul3A_43 : vector<2000x256xf32>
    %convert_element_type3A = arith.truncf %add3A_44 : vector<2000x256xf32> to vector<2000x256xbf16>
    %swap3A = arith.constant 0 : index
    %swap3A_45 = arith.constant 0 : index
    %swap3A_46 = vector.load %arg8[%swap3A, %swap3A_45] : memref<2000x256xbf16, #tpu.memory_space<vmem>>, vector<2000x256xbf16>
    tpu.vector_store %arg8[%swap3A, %swap3A_45], %convert_element_type3A {strides = array<i32>} : memref<2000x256xbf16, #tpu.memory_space<vmem>>, vector<2000x256xbf16>,
    %swap3A_47 = arith.constant 0 : index
    %swap3A_48 = arith.constant 0 : index
    %swap3A_49 = vector.load %arg9[%swap3A_47, %swap3A_48] : memref<2000x1xf32, #tpu.memory_space<vmem>>, vector<2000x1xf32>
    tpu.vector_store %arg9[%swap3A_47, %swap3A_48], %div3A_17 {strides = array<i32>} : memref<2000x1xf32, #tpu.memory_space<vmem>>, vector<2000x1xf32>,
    return
  }
  func.func @transform_0(%arg0: i32) -> (i32, i32) {
    %c0_i32 = arith.constant 0 : i32
    %c0_i32_0 = arith.constant 0 : i32
    return %arg0, %c0_i32 : i32, i32
  }
  func.func @transform_1(%arg0: i32) -> (i32, i32) {
    %c0_i32 = arith.constant 0 : i32
    %c0_i32_0 = arith.constant 0 : i32
    %c0_i32_1 = arith.constant 0 : i32
    return %c0_i32, %c0_i32_0 : i32, i32
  }
  func.func @transform_2(%arg0: i32) -> (i32, i32) {
    %c0_i32 = arith.constant 0 : i32
    %c0_i32_0 = arith.constant 0 : i32
    %c0_i32_1 = arith.constant 0 : i32
    return %c0_i32, %c0_i32_0 : i32, i32
  }
  func.func @transform_3(%arg0: i32) -> (i32, i32) {
    %c0_i32 = arith.constant 0 : i32
    %c0_i32_0 = arith.constant 0 : i32
    %c0_i32_1 = arith.constant 0 : i32
    return %c0_i32, %c0_i32_0 : i32, i32
  }
  func.func @transform_4(%arg0: i32) -> (i32, i32) {
    %c0_i32 = arith.constant 0 : i32
    %c0_i32_0 = arith.constant 0 : i32
    %c0_i32_1 = arith.constant 0 : i32
    return %c0_i32, %c0_i32_0 : i32, i32
  }
  func.func @transform_5(%arg0: i32) -> (i32, i32) {
    %c0_i32 = arith.constant 0 : i32
    %c0_i32_0 = arith.constant 0 : i32
    %c0_i32_1 = arith.constant 0 : i32
    return %c0_i32, %c0_i32_0 : i32, i32
  }
  func.func @transform_6(%arg0: i32) -> (i32, i32) {
    %c0_i32 = arith.constant 0 : i32
    %c0_i32_0 = arith.constant 0 : i32
    %c0_i32_1 = arith.constant 0 : i32
    return %c0_i32, %c0_i32_0 : i32, i32
  }
  func.func @transform_7(%arg0: i32) -> (i32, i32) {
    %c0_i32 = arith.constant 0 : i32
    %c0_i32_0 = arith.constant 0 : i32
    return %arg0, %c0_i32 : i32, i32
  }
  func.func @transform_8(%arg0: i32) -> (i32, i32) {
    %c0_i32 = arith.constant 0 : i32
    %c0_i32_0 = arith.constant 0 : i32
    return %arg0, %c0_i32 : i32, i32
  }
}

module attributes {stable_mosaic.version = 14 : i64} {
  func.func @_tc_comb_body(%arg0: i32, %arg1: memref<2000x128xf32, #tpu.memory_space<vmem>>, %arg2: memref<2000x128xf32, #tpu.memory_space<vmem>>, %arg3: memref<2000x1xf32, #tpu.memory_space<vmem>>, %arg4: memref<2000x1xf32, #tpu.memory_space<vmem>>, %arg5: memref<2000x256xbf16, #tpu.memory_space<vmem>>, %arg6: memref<2000x1xf32, #tpu.memory_space<vmem>>, %arg7: memref<256x256xf32, #tpu.memory_space<vmem>>, %arg8: memref<256x256xf32, #tpu.memory_space<vmem>>, %arg9: memref<2000x256xf32, #tpu.memory_space<vmem>>) attributes {dimension_semantics = [#tpu.dimension_semantics<arbitrary>], iteration_bounds = array<i64: 5>, scalar_prefetch = 0 : i64, scratch_operands = 0 : i64, tpu.core_type = #tpu.core_type<tc>, window_params = [{transform_indices = @transform_0, window_bounds = array<i64: 2000, 128>}, {transform_indices = @transform_1, window_bounds = array<i64: 2000, 128>}, {transform_indices = @transform_2, window_bounds = array<i64: 2000, 1>}, {transform_indices = @transform_3, window_bounds = array<i64: 2000, 1>}, {transform_indices = @transform_4, window_bounds = array<i64: 2000, 256>}, {transform_indices = @transform_5, window_bounds = array<i64: 2000, 1>}, {pipeline_mode = #tpu.pipeline_mode<synchronous>, transform_indices = @transform_6, window_bounds = array<i64: 256, 256>}, {pipeline_mode = #tpu.pipeline_mode<synchronous>, transform_indices = @transform_7, window_bounds = array<i64: 256, 256>}, {transform_indices = @transform_8, window_bounds = array<i64: 2000, 256>}]} {
    %get3A = arith.constant 0 : index
    %get3A_0 = arith.constant 0 : index
    %get3A_1 = vector.load %arg3[%get3A, %get3A_0] : memref<2000x1xf32, #tpu.memory_space<vmem>>, vector<2000x1xf32>
    %get3A_2 = arith.constant 0 : index
    %get3A_3 = arith.constant 0 : index
    %get3A_4 = vector.load %arg4[%get3A_2, %get3A_3] : memref<2000x1xf32, #tpu.memory_space<vmem>>, vector<2000x1xf32>
    %add3A = arith.addf %get3A_1, %get3A_4 : vector<2000x1xf32>
    %max3A = arith.constant 1.000000e+00 : f32
    %max3A_5 = vector.broadcast %max3A : f32 to vector<2000x1xf32>
    %max3A_6 = arith.maximumf %add3A, %max3A_5 : vector<2000x1xf32>
    %div3A = arith.constant 1.000000e+00 : f32
    %div3A_7 = vector.broadcast %div3A : f32 to vector<2000x1xf32>
    %div3A_8 = arith.divf %div3A_7, %max3A_6 : vector<2000x1xf32>
    %get3A_9 = arith.constant 0 : index
    %get3A_10 = arith.constant 0 : index
    %get3A_11 = vector.load %arg1[%get3A_9, %get3A_10] : memref<2000x128xf32, #tpu.memory_space<vmem>>, vector<2000x128xf32>
    %mul3A = vector.broadcast %div3A_8 : vector<2000x1xf32> to vector<2000x128xf32>
    %mul3A_12 = arith.mulf %get3A_11, %mul3A : vector<2000x128xf32>
    %get3A_13 = arith.constant 0 : index
    %get3A_14 = arith.constant 0 : index
    %get3A_15 = vector.load %arg2[%get3A_13, %get3A_14] : memref<2000x128xf32, #tpu.memory_space<vmem>>, vector<2000x128xf32>
    %mul3A_16 = vector.broadcast %div3A_8 : vector<2000x1xf32> to vector<2000x128xf32>
    %mul3A_17 = arith.mulf %get3A_15, %mul3A_16 : vector<2000x128xf32>
    %get3A_18 = arith.constant 0 : index
    %get3A_19 = arith.constant 0 : index
    %get3A_20 = vector.load %arg6[%get3A_18, %get3A_19] : memref<2000x1xf32, #tpu.memory_space<vmem>>, vector<2000x1xf32>
    %get3A_21 = arith.constant 0 : index
    %get3A_22 = arith.constant 0 : index
    %get3A_23 = vector.load %arg7[%get3A_21, %get3A_22] : memref<256x256xf32, #tpu.memory_space<vmem>>, vector<128x256xf32>
    %dot_general3A = arith.constant dense<0.000000e+00> : vector<2000x256xf32>
    %dot_general3A_24 = tpu.matmul %mul3A_12, %get3A_23, %dot_general3A {dimension_numbers = #tpu.dot_dimension_numbers<[1], [0], [0], [1], [0, 0, 1, 1], [], []>, transpose_lhs_hint = false} : vector<2000x128xf32>, vector<128x256xf32>, vector<2000x256xf32> -> vector<2000x256xf32>
    %get3A_25 = arith.constant 128 : index
    %get3A_26 = arith.constant 0 : index
    %get3A_27 = vector.load %arg7[%get3A_25, %get3A_26] : memref<256x256xf32, #tpu.memory_space<vmem>>, vector<128x256xf32>
    %dot_general3A_28 = arith.constant dense<0.000000e+00> : vector<2000x256xf32>
    %dot_general3A_29 = tpu.matmul %mul3A_17, %get3A_27, %dot_general3A_28 {dimension_numbers = #tpu.dot_dimension_numbers<[1], [0], [0], [1], [0, 0, 1, 1], [], []>, transpose_lhs_hint = false} : vector<2000x128xf32>, vector<128x256xf32>, vector<2000x256xf32> -> vector<2000x256xf32>
    %add3A_30 = arith.addf %dot_general3A_24, %dot_general3A_29 : vector<2000x256xf32>
    %get3A_31 = arith.constant 0 : index
    %get3A_32 = arith.constant 0 : index
    %get3A_33 = vector.load %arg8[%get3A_31, %get3A_32] : memref<256x256xf32, #tpu.memory_space<vmem>>, vector<128x256xf32>
    %dot_general3A_34 = arith.constant dense<0.000000e+00> : vector<2000x256xf32>
    %dot_general3A_35 = tpu.matmul %mul3A_12, %get3A_33, %dot_general3A_34 {dimension_numbers = #tpu.dot_dimension_numbers<[1], [0], [0], [1], [0, 0, 1, 1], [], []>, transpose_lhs_hint = false} : vector<2000x128xf32>, vector<128x256xf32>, vector<2000x256xf32> -> vector<2000x256xf32>
    %get3A_36 = arith.constant 128 : index
    %get3A_37 = arith.constant 0 : index
    %get3A_38 = vector.load %arg8[%get3A_36, %get3A_37] : memref<256x256xf32, #tpu.memory_space<vmem>>, vector<128x256xf32>
    %dot_general3A_39 = arith.constant dense<0.000000e+00> : vector<2000x256xf32>
    %dot_general3A_40 = tpu.matmul %mul3A_17, %get3A_38, %dot_general3A_39 {dimension_numbers = #tpu.dot_dimension_numbers<[1], [0], [0], [1], [0, 0, 1, 1], [], []>, transpose_lhs_hint = false} : vector<2000x128xf32>, vector<128x256xf32>, vector<2000x256xf32> -> vector<2000x256xf32>
    %add3A_41 = arith.addf %dot_general3A_35, %dot_general3A_40 : vector<2000x256xf32>
    %max3A_42 = arith.constant 0.000000e+00 : f32
    %max3A_43 = vector.broadcast %max3A_42 : f32 to vector<2000x256xf32>
    %max3A_44 = arith.maximumf %add3A_41, %max3A_43 : vector<2000x256xf32>
    %get3A_45 = arith.constant 0 : index
    %get3A_46 = arith.constant 0 : index
    %get3A_47 = vector.load %arg5[%get3A_45, %get3A_46] : memref<2000x256xbf16, #tpu.memory_space<vmem>>, vector<2000x256xbf16>
    %convert_element_type3A = arith.extf %get3A_47 : vector<2000x256xbf16> to vector<2000x256xf32>
    %sub3A = arith.constant 1.000000e+00 : f32
    %sub3A_48 = vector.broadcast %sub3A : f32 to vector<2000x1xf32>
    %sub3A_49 = arith.subf %sub3A_48, %get3A_20 : vector<2000x1xf32>
    %mul3A_50 = vector.broadcast %sub3A_49 : vector<2000x1xf32> to vector<2000x256xf32>
    %mul3A_51 = arith.mulf %mul3A_50, %add3A_30 : vector<2000x256xf32>
    %add3A_52 = arith.addf %convert_element_type3A, %mul3A_51 : vector<2000x256xf32>
    %mul3A_53 = vector.broadcast %get3A_20 : vector<2000x1xf32> to vector<2000x256xf32>
    %mul3A_54 = arith.mulf %mul3A_53, %max3A_44 : vector<2000x256xf32>
    %add3A_55 = arith.addf %add3A_52, %mul3A_54 : vector<2000x256xf32>
    %swap3A = arith.constant 0 : index
    %swap3A_56 = arith.constant 0 : index
    %swap3A_57 = vector.load %arg9[%swap3A, %swap3A_56] : memref<2000x256xf32, #tpu.memory_space<vmem>>, vector<2000x256xf32>
    tpu.vector_store %arg9[%swap3A, %swap3A_56], %add3A_55 {strides = array<i32>} : memref<2000x256xf32, #tpu.memory_space<vmem>>, vector<2000x256xf32>,
    return
  }
  func.func @transform_0(%arg0: i32) -> (i32, i32) {
    %c0_i32 = arith.constant 0 : i32
    %c0_i32_0 = arith.constant 0 : i32
    return %arg0, %c0_i32 : i32, i32
  }
  func.func @transform_1(%arg0: i32) -> (i32, i32) {
    %c0_i32 = arith.constant 0 : i32
    %c0_i32_0 = arith.constant 0 : i32
    return %arg0, %c0_i32 : i32, i32
  }
  func.func @transform_2(%arg0: i32) -> (i32, i32) {
    %c0_i32 = arith.constant 0 : i32
    %c0_i32_0 = arith.constant 0 : i32
    return %arg0, %c0_i32 : i32, i32
  }
  func.func @transform_3(%arg0: i32) -> (i32, i32) {
    %c0_i32 = arith.constant 0 : i32
    %c0_i32_0 = arith.constant 0 : i32
    return %arg0, %c0_i32 : i32, i32
  }
  func.func @transform_4(%arg0: i32) -> (i32, i32) {
    %c0_i32 = arith.constant 0 : i32
    %c0_i32_0 = arith.constant 0 : i32
    return %arg0, %c0_i32 : i32, i32
  }
  func.func @transform_5(%arg0: i32) -> (i32, i32) {
    %c0_i32 = arith.constant 0 : i32
    %c0_i32_0 = arith.constant 0 : i32
    return %arg0, %c0_i32 : i32, i32
  }
  func.func @transform_6(%arg0: i32) -> (i32, i32) {
    %c0_i32 = arith.constant 0 : i32
    %c0_i32_0 = arith.constant 0 : i32
    %c0_i32_1 = arith.constant 0 : i32
    return %c0_i32, %c0_i32_0 : i32, i32
  }
  func.func @transform_7(%arg0: i32) -> (i32, i32) {
    %c0_i32 = arith.constant 0 : i32
    %c0_i32_0 = arith.constant 0 : i32
    %c0_i32_1 = arith.constant 0 : i32
    return %c0_i32, %c0_i32_0 : i32, i32
  }
  func.func @transform_8(%arg0: i32) -> (i32, i32) {
    %c0_i32 = arith.constant 0 : i32
    %c0_i32_0 = arith.constant 0 : i32
    return %arg0, %c0_i32 : i32, i32
  }
}

</mosaic_0001>

<sc_bundles>
// kernel: kernel.5.cloned.1.call-start
scs
__scs_entry_jumppad:
0x0: {  	(pc) =	sbr.rel $0x88, $3  }
0x1: {  	(tag) =	ssettag $0x0;
	lr =	simm.s32 $0x1  }
0x2: {  	[smem:$0x3F97] =	sst lr;
	_ =	strace $0xD0000000  }
0x3: {  	_ = 	snop  }
0x4: {  	_ = 	snop  }
0x5: {  	_ = 	snop  }
0x6: {  	_ = 	snop  }
0x7: {  	_ = 	snop  }
__scs_overlays_trampoline_lowered:
0x8: {  	[smem:$0x3FA6] =	sst s0  }
0x9: {  	[smem:$0x3FA7] =	sst s1  }
0xa: {  	[smem:$0x3FA8] =	sst s2  }
0xb: {  	[smem:$0x3FA9] =	sst s3  }
0xc: {  	[smem:$0x3FAA] =	sst s4  }
0xd: {  	[smem:$0x3FAB] =	sst s5  }
0xe: {  	[smem:$0x3FAC] =	sst s6  }
0xf: {  	[smem:$0x3FAD] =	sst s7  }
0x10: {  	[smem:$0x3FAE] =	sst s8  }
0x11: {  	[smem:$0x3FAF] =	sst s9;
	s0 =	simm.s32 @!p0 $0x0  }
0x12: {  	s1 =	sld [smem:$0x3F95];
	s0 =	simm.s32 @p0 $0x1  }
0x13: {  	[smem:$0x3FB0] =	sst s0;
	s0 =	simm.s32 @!p1 $0x0  }
0x14: {  	s2 =	sld [smem:$0x3F94];
	s0 =	simm.s32 @p1 $0x1  }
0x15: {  	[smem:$0x3FB1] =	sst s0;
	s0 =	simm.s32 @!p2 $0x0  }
0x16: {  	s3 =	sld [smem:$0x3FDB];
	s0 =	simm.s32 @p2 $0x1  }
0x17: {  	s4 =	simm.s32 $0x1BF5;
	[smem:$0x3FB3] =	sst s0  }
0x18: {  	s0 =	sld [smem:$0x3F96];
	_ =	swait.ge [sflag:s4], $0x0  }
0x19: {  	s7 =	sld [smem:$0x3F97]  }
0x1a: {  	s8 =	sadd.s32 $0xFFFFE003, lr  }
0x1b: {  	s9 =	sadd.s32 $0xFFFFFEF7, lr;
	s5 =	simm.s32 $0xFFFFFFFF;
	p2 =	slt.u32 s8, $0xFFFFF086  }
0x1c: {  	p1 =	slt.u32 s9, $0xF7A;
	s5 =	simm.s32 @!p2 $0x0  }
0x1d: {  	s5 =	simm.s32 @p1 $0x1;
	p0 =	seq.s32 s7, s2  }
0x1e: {  	s7 =	smul.u32 @!p0 $0xF7A, s2;
	p2 =	seq.s32 @!p0 s5, $0x0  }
0x1f: {  	s9 =	smul.u32 $0xF7A, s1;
	s8 =	simm.s32 @!p0 $0x1BF5;
	p2 =	por !p2, p0  }
0x20: {  	[sflag:s8] =	ssyncset.s32 @!p0 $0xFFFFF086;
	s6 =	sadd.s32 @!p0 s3, s7;
	s7 =	simm.s32 @!p0 $0x108  }
0x21: {  	s3 =	sadd.s32 s3, s9;
	s6 =	sadd.s32 @!p0 $0x88, s6;
	s7 =	simm.s32 @p2 $0x1082  }
0x22: {  	[simem:s7], [sflag:s8] =	dma.local @!p0 [hbm:s6], $0xF7A  }
0x23: {  	s9 =	sor.u32 $0xD0000000, s2;
	s6 =	simm.s32 $0x108;
	_ =	swait.ge @!p0 [sflag:s8], $0x0  }
0x24: {  	s3 =	sadd.s32 $0x88, s3;
	s6 =	simm.s32 @!p1 $0x1082;
	[sflag:s4] =	ssyncset.s32 $0xFFFFF086  }
0x25: {  	[simem:s6], [sflag:s4] =	dma.local [hbm:s3], $0xF7A  }
0x26: {  	[smem:$0x3F97] =	sst s1;
	(tag) =	ssettag s2;
	_ =	strace s9  }
0x27: {  	s1 =	sld [smem:$0x3FA7]  }
0x28: {  	s2 =	sld [smem:$0x3FA8]  }
0x29: {  	s4 =	sld [smem:$0x3FAA]  }
0x2a: {  	p0 =	seq.s32 s5, $0x0;
	s5 =	sld [smem:$0x3FAB]  }
0x2b: {  	s6 =	sld [smem:$0x3FAC]  }
0x2c: {  	s7 =	sld [smem:$0x3FAD]  }
0x2d: {  	s3 =	simm.s32 $0x108;
	s8 =	sld [smem:$0x3FAE]  }
0x2e: {  	s3 =	simm.s32 @!p0 $0x1082;
	s9 =	sld [smem:$0x3FAF]  }
0x2f: {  	lr =	sadd.s32 s0, s3;
	s0 =	sld [smem:$0x3FA6]  }
0x30: {  	s3 =	sld [smem:$0x3FA9]  }
0x31: {  	[smem:$0x3FB2] =	sst s10  }
0x32: {  	s10 =	sld [smem:$0x3FB0];
	_ =	sdelay $0x3  }
0x33: {  	p0 =	seq.s32 s10, $0x1;
	s10 =	sld [smem:$0x3FB2];
	_ =	sdelay $0x3  }
0x34: {  	[smem:$0x3FB2] =	sst s10  }
0x35: {  	s10 =	sld [smem:$0x3FB1];
	_ =	sdelay $0x3  }
0x36: {  	p1 =	seq.s32 s10, $0x1;
	s10 =	sld [smem:$0x3FB2];
	_ =	sdelay $0x3  }
0x37: {  	[smem:$0x3FB2] =	sst s10  }
0x38: {  	s10 =	sld [smem:$0x3FB3]  }
0x39: {  	_ = 	snop;
	(pc) =	sbr.ind lr, $3  }
0x3a: {  	_ = 	snop  }
0x3b: {  	_ = 	snop  }
0x3c: {  	p2 =	seq.s32 s10, $0x1;
	s10 =	sld [smem:$0x3FB2]  }
0x3d: {  	_ =	shalt  }
0x3e: {  	_ =	shalt  }
0x3f: {  	_ =	shalt  }
0x40: {  	_ =	shalt  }
0x41: {  	_ =	shalt  }
0x42: {  	_ =	shalt  }
0x43: {  	_ =	shalt  }
0x44: {  	_ =	shalt  }
0x45: {  	_ =	shalt  }
0x46: {  	_ =	shalt  }
0x47: {  	_ =	shalt  }
0x48: {  	_ =	shalt  }
0x49: {  	_ =	shalt  }
0x4a: {  	_ =	shalt  }
0x4b: {  	_ =	shalt  }
0x4c: {  	_ =	shalt  }
0x4d: {  	_ =	shalt  }
0x4e: {  	_ =	shalt  }
0x4f: {  	_ =	shalt  }
0x50: {  	_ =	shalt  }
0x51: {  	_ =	shalt  }
0x52: {  	_ =	shalt  }
0x53: {  	_ =	shalt  }
0x54: {  	_ =	shalt  }
0x55: {  	_ =	shalt  }
0x56: {  	_ =	shalt  }
0x57: {  	_ =	shalt  }
0x58: {  	_ =	shalt  }
0x59: {  	_ =	shalt  }
0x5a: {  	_ =	shalt  }
0x5b: {  	_ =	shalt  }
0x5c: {  	_ =	shalt  }
0x5d: {  	_ =	shalt  }
0x5e: {  	_ =	shalt  }
0x5f: {  	_ =	shalt  }
0x60: {  	_ =	shalt  }
0x61: {  	_ =	shalt  }
0x62: {  	_ =	shalt  }
0x63: {  	_ =	shalt  }
0x64: {  	_ =	shalt  }
0x65: {  	_ =	shalt  }
0x66: {  	_ =	shalt  }
0x67: {  	_ =	shalt  }
0x68: {  	_ =	shalt  }
0x69: {  	_ =	shalt  }
0x6a: {  	_ =	shalt  }
0x6b: {  	_ =	shalt  }
0x6c: {  	_ =	shalt  }
0x6d: {  	_ =	shalt  }
0x6e: {  	_ =	shalt  }
0x6f: {  	_ =	shalt  }
0x70: {  	_ =	shalt  }
0x71: {  	_ =	shalt  }
0x72: {  	_ =	shalt  }
0x73: {  	_ =	shalt  }
0x74: {  	_ =	shalt  }
0x75: {  	_ =	shalt  }
0x76: {  	_ =	shalt  }
0x77: {  	_ =	shalt  }
0x78: {  	_ =	shalt  }
0x79: {  	_ =	shalt  }
0x7a: {  	_ =	shalt  }
0x7b: {  	_ =	shalt  }
0x7c: {  	_ =	shalt  }
0x7d: {  	_ =	shalt  }
0x7e: {  	_ =	shalt  }
0x7f: {  	_ =	shalt  }
0x80: {  	_ =	shalt  }
0x81: {  	_ =	shalt  }
0x82: {  	_ =	shalt  }
0x83: {  	_ =	shalt  }
0x84: {  	_ =	shalt  }
0x85: {  	_ =	shalt  }
0x86: {  	_ =	shalt  }
0x87: {  	_ =	shalt  }
.Lfunc_end0:
.L_simem_size_0:
called_computation_lowered:
.L_overlay_start_0:
0x88: {  	s2 =	sld [smem:$0x3FD9]  }
0x89: {  	s3 =	sld [smem:$0x3FFE];
	_ =	sdelay $0x1  }
0x8a: {  	s1 =	srdreg.scid  }
0x8b: {  	s0 =	sand.u32 $0x1, s1  }
0x8c: {  	s17 =	sshll.u32 s0, $0xA;
	s2 =	sadd.s32 s3, s2  }
0x8d: {  	s2 =	sadd.s32 s2, s17  }
0x8e: {  	[smem:$0x3FBE] =	sst s2  }
0x8f: {  	_ = 	snop  }
0x90: {  	s2 =	sld [smem:$0x3FD0];
	(tm) =	ssettm $0x1  }
0x91: {  	s18 =	sld [smem:$0x3FFB];
	_ =	sdelay $0x3  }
0x92: {  	_ =	strace s18  }
0x93: {  	s3 =	sld [smem:$0x3FFC];
	_ =	sdelay $0x3  }
0x94: {  	_ =	strace s3  }
0x95: {  	s3 =	sld [smem:$0x3FFD];
	_ =	sdelay $0x3  }
0x96: {  	_ =	strace s3  }
0x97: {  	_ =	strace $0x8FFFFFFF  }
0x98: {  	s19 =	sld [smem:$0x3FDB];
	_ =	sdelay $0x1  }
0x99: {  	s4 =	simm.s32 $_scs_section_size  }
0x9a: {  	s5 =	simm.s32 $_size__tile_overlayer_lowered;
	s6 =	simm.s32 $_tile_overlayer_lowered  }
0x9b: {  	s22 =	simm.s32 $0x1BFF;
	s21 =	sshll.u32 s6, $0x1;
	s3 =	sadd.s32 s4, s19  }
0x9c: {  	s7 =	simm.s32 $0x0;
	s20 =	sshll.u32 s5, $0x1;
	s5 =	sadd.s32 s21, s3  }
0x9d: {  	[timem:s7], [sflag:s22] =	dma.local [hbm:s5], s20  }
0x9e: {  	_ =	swait.ge [sflag:s22], s20  }
0x9f: {  	s4 =	ssub.s32 $0x0, s20;
	[sflag:s22] =	ssyncset.done $0x0  }
0xa0: {  	[sflag:s22] =	ssyncadd.s32 s4;
	_ =	sdelay $0x1  }
0xa1: {  	s23 =	simm.s32 $0x1B8B  }
0xa2: {  	_ =	swait.ge [sflag:s23], $0x1  }
0xa3: {  	[sflag:s23] =	ssyncset.done $0x0  }
0xa4: {  	s25 =	simm.s32 $0x1B8E;
	s24 =	sld [smem:$0x3FFE];
	[sflag:s23] =	ssyncadd.s32 $0xFFFFFFFF  }
0xa5: {  	s26 =	simm.s32 $execute0_lowered;
	[smem:$0x3FD2] =	sst s25  }
0xa6: {  	s5 =	sshll.u32 s26, $0x1;
	_ =	strace $0x80000046;
	[dreg:$0x1] =	wrdreg $0xFFFFFFFF  }
0xa7: {  	s28 =	simm.s32 $_size_execute0_lowered;
	s3 =	sadd.s32 s3, s5;
	[dreg:$0x0] =	wrdreg $0x0  }
0xa8: {  	s5 =	sshll.u32 s28, $0x1;
	[dreg:$0x2] =	wrdreg s3  }
0xa9: {  	[dreg:$0x3] =	wrdreg s5  }
0xaa: {  	[dreg:$0x4] =	wrdreg $0xC0  }
0xab: {  	_ =	task [dreg:s7], $0x5FFFF  }
0xac: {  	[dreg:$0x1] =	wrdreg $0xFFFFFFFF  }
0xad: {  	[dreg:$0x0] =	wrdreg $0x60  }
0xae: {  	[dreg:$0x2] =	wrdreg s24  }
0xaf: {  	[dreg:$0x3] =	wrdreg s2  }
0xb0: {  	[dreg:$0x4] =	wrdreg $0xAE800  }
0xb1: {  	[dreg:$0x5] =	wrdreg $0x1EE800  }
0xb2: {  	[dreg:$0x6] =	wrdreg $0x9  }
0xb3: {  	_ =	task.clear_ibuf [dreg:s7], $0x7FFFF;
	_ =	strace $0x90000046  }
0xb4: {  	s29 =	simm.s32 $0x9;
	_ =	strace $0x80000048  }
0xb5: {  	_ =	swait.ge [sflag:s29], $0x1  }
0xb6: {  	[sflag:s29] =	ssyncadd.s32 $0xFFFFFFFF  }
0xb7: {  	_ =	strace $0x90000048  }
0xb8: {  	_ =	sfence  }
0xb9: {  	s30 =	sld [smem:$0x0];
	_ =	sdelay $0x2  }
0xba: {  	s31 =	sshll.u32 s1, $0xD;
	s1 =	sshrl.u32 s1, $0x2  }
0xbb: {  	s3 =	sand.u32 $0x4000, s31;
	s1 =	sadd.s32 s1, s30  }
0xbc: {  	s0 =	sor.u32 s3, s0;
	s1 =	sshll.u32 s1, $0x11  }
0xbd: {  	s0 =	sor.u32 s1, s0  }
0xbe: {  	s0 =	sadd.s32 $0x8F2B, s0  }
0xbf: {  	[sflag:s0] =	ssyncadd.remote.s32 $0x1  }
0xc0: {  	_ =	sfence.sel $0xFFFF  }
0xc1: {  	[dreg:$0x0] =	wrdreg $0xFFFFFFFF;
	(pc) =	sbr.abs _section_cstart, $3  }
0xc2: {  	[dreg:$0x1] =	wrdreg $0xFFFFFFFF  }
0xc3: {  	_ =	task.clear_ibuf [dreg:s7], $0x2FFFF;
	_ =	strace $0x9FFFFFFF  }
0xc4: {  	(tm) =	ssettm $0x7FFFFFFF  }
0xc5: {  	_ =	shalt  }
tec
execute0_lowered:
.L_overlay_start_1:
0x0: {  	(tag) =	ssettag $0x1  }
0x1: {  	s0 =	rddreg [dreg:$0x0]  }
0x2: {  	s1 =	rddreg [dreg:$0x1]  }
0x3: {  	s2 =	rddreg [dreg:$0x2]  }
0x4: {  	s3 =	rddreg [dreg:$0x3];
	s4 =	simm.s32 $0x0;
	s19 =	srdreg.scid  }
0x5: {  	s13 =	stileid.u32;
	s28 =	simm.s32 $0xA;
	s29 =	simm.s32 $0x9  }
0x6: {  	s31 =	simm.s32 $0x7600;
	[smem:$0x7FF] =	sst s4;
	s5 =	sadd.s32 $0x2400, s0  }
0x7: {  	s6 =	sadd.s32 $0xDC00, s0;
	s17 =	sadd.s32 $0xDA00, s0;
	s9 =	smul.u32 $0x5A00, s13  }
0x8: {  	s18 =	sadd.s32 $0xD800, s0;
	s7 =	sadd.s32 $0x11000, s0;
	s12 =	smul.u32 $0x50000, s13  }
0x9: {  	s16 =	sand.u32 $0x1, s19;
	s10 =	sadd.s32 $0x10400, s0;
	s20 =	smul.u32 $0x280, s13  }
0xa: {  	s25 =	smul.u32 $0xB40, s13;
	_ =	strace $0x80000047;
	[dreg:$0x5] =	wrdreg s6  }
0xb: {  	s23 =	sshll.u32 s13, $0x6;
	s13 =	smul.u32 $0x2800, s13;
	[dreg:$0x6] =	wrdreg s17  }
0xc: {  	s19 =	simm.s32 $0xC;
	[dreg:$0x7] =	wrdreg s18;
	s6 =	sadd.s32 $0x39000, s0  }
0xd: {  	s8 =	ssub.s32 $0x2, s16;
	s0 =	sadd.s32 $0x10A00, s0;
	s17 =	sor.u32 $0x1C0E, s23  }
0xe: {  	p0 =	seq.s32 s16, $0x1;
	p1 =	seq.s32 s16, $0x0;
	p2 =	sne.s32 s16, $0x0  }
0xf: {  	s23 =	simm.s32 $0x400;
	s18 =	simm.s32 $0x5;
	v0 =	vmov s16;
	s16 =	simm.s32 $0xE  }
0x10: {  	s11 =	sshrl.u32 s8, $0x1;
	s9 =	sshrl.u32 s9, $0x3;
	s21 =	sshrl.u32 s12, $0x2  }
0x11: {  	s24 =	sadd.s32 s20, s3;
	s15 =	sadd.s32 s25, s5;
	s0 =	smov.u32 @p1 s10  }
0x12: {  	s6 =	smov.u32 @p1 s7;
	p3 =	por !p0, !p0;
	s12 =	simm.s32 $0x3  }
0x13: {  	s7 =	simm.s32 $0x0;
	[dreg:$0xa] =	wrdreg s17;
	s8 =	ssub.s32 s8, s11  }
0x14: {  	s14 =	sadd.s32 s5, s9;
	s9 =	sadd.s32 s21, s2;
	[dreg:$0xb] =	wrdreg s24  }
0x15: {  	s11 =	sshrl.u32 s20, $0x3;
	s30 =	sadd.s32 s6, s13;
	s24 =	simm.s32 $0x600  }
0x16: {  	s21 =	simm.s32 $0x200;
	s6 =	simm.s32 $0xB;
	s5 =	simm.s32 $0x7  }
0x17: {  	s13 =	simm.s32 $0x6;
	s22 =	sadd.s32 $0x20, s14;
	[dreg:$0x8] =	wrdreg s14  }
0x18: {  	s14 =	sadd.s32 $0x40, s14;
	s8 =	smax.u32 s8, $0x1;
	[dreg:$0x10] =	wrdreg s30  }
.Ltmp0:
0x19: {  	s26 =	sshrl.u32 s9, $0x3;
	[dreg:$0x9] =	wrdreg s22;
	(pc) =	sbr.rel .LBB2_1-.Ltmp0, $4  }
0x1a: {  	s0 =	sadd.s32 s0, s11;
	s9 =	simm.s32 $0x4;
	[dreg:$0xc] =	wrdreg s14  }
0x1b: {  	s11 =	simm.s32 $0x500;
	[dreg:$0xd] =	wrdreg s8;
	s10 =	smov.u32 s26  }
0x1c: {  	[dreg:$0xf] =	wrdreg s0;
	s22 =	simm.s32 $0x70;
	s26 =	simm.s32 $0x3E00  }
0x1d: {  	s8 =	simm.s32 $0xD;
	s14 =	simm.s32 $0x8;
	[dreg:$0xe] =	wrdreg s10  }
.LBB2_11:
0x1e: {  	_ =	swait.ge [sflag:s29], $0x3800  }
0x1f: {  	[sflag:s29] =	ssyncset.done $0x0  }
0x20: {  	[sflag:s29] =	ssyncadd.s32 $0xFFFFC800  }
0x21: {  	_ =	swait.ge [sflag:s28], $0x3800  }
0x22: {  	[sflag:s28] =	ssyncset.done $0x0  }
0x23: {  	s0 =	simm.s32 $0x580;
	[sflag:s28] =	ssyncadd.s32 $0xFFFFC800  }
0x24: {  	[spmem:s2] =	stream.indirect.scatter.add.f32 [tilespmem:s31], [sflag:$0xC], $0x80, s0, s22, $0xb8;
	[tilespmem:$0x1F100] =	vst v63  }
0x25: {  	_ =	swait.ge [sflag:s8], $0x70  }
0x26: {  	s7 =	simm.s32 @!p1 $0x580;
	[sflag:s8] =	ssyncset.done $0x0  }
0x27: {  	s16 =	simm.s32 @!p1 $0xAE00;
	s0 =	simm.s32 @!p1 $0x70;
	[sflag:s8] =	ssyncadd.s32 $0xFFFFFF90  }
0x28: {  	[spmem:s3] =	stream.indirect.scatter.add.f32 @!p1 [tilespmem:s16], [sflag:$0xD], $0x1, s7, s0, $0xb8;
	[tilespmem:$0x1F100] =	vst v63  }
0x29: {  	s0 =	simm.s32 @!p1 $0xD  }
0x2a: {  	_ =	swait.ge @!p1 [sflag:s0], $0x70  }
0x2b: {  	[sflag:s0] =	ssyncset.done @!p1 $0x0  }
0x2c: {  	[sflag:s0] =	ssyncadd.s32 @!p1 $0xFFFFFF90  }
0x2d: {  	_ =	swait.ge [sflag:s6], $0x3800  }
0x2e: {  	[sflag:s6] =	ssyncset.done $0x0  }
0x2f: {  	[sflag:s6] =	ssyncadd.s32 $0xFFFFC800  }
0x30: {  	_ =	swait.ge [sflag:s19], $0x3800  }
0x31: {  	[sflag:s19] =	ssyncset.done $0x0  }
0x32: {  	[sflag:s19] =	ssyncadd.s32 $0xFFFFC800  }
0x33: {  	[bflag:$0x0] =	sbarrier.arrive $0xFFFF  }
0x34: {  	s17 =	rddreg [dreg:$0xa]  }
0x35: {  	s10 =	rddreg [dreg:$0xe]  }
0x36: {  	s16 =	rddreg [dreg:$0x10]  }
0x37: {  	[hbm:s16], [sflag:s17] =	dma.local [spmem:s10], $0x2800  }
0x38: {  	s16 =	simm.s32 $0xE  }
0x39: {  	_ =	swait.ge [sflag:s16], $0x2800  }
0x3a: {  	[sflag:s16] =	ssyncset.done $0x0;
	s20 =	rddreg [dreg:$0xf]  }
0x3b: {  	s21 =	rddreg [dreg:$0x12];
	[sflag:s16] =	ssyncadd.s32 $0xFFFFD800  }
0x3c: {  	[hbm:s20], [sflag:s17] =	dma.local [spmem:s21], $0x50  }
0x3d: {  	_ =	swait.ge [sflag:s16], $0x50  }
0x3e: {  	s25 =	rddreg [dreg:$0x11]  }
0x3f: {  	s30 =	rddreg [dreg:$0xd];
	s7 =	sadd.s32 $0x1, s25  }
0x40: {  	p4 =	sne.s32 s7, s30  }
.Ltmp1:
0x41: {  	_ = 	snop;
	(pc) =	sbr.rel @!p4 .LBB2_12-.Ltmp1, $3  }
0x42: {  	_ =	sdelay $0x1  }
0x43: {  	[sflag:s16] =	ssyncset.done $0x0  }
0x44: {  	s21 =	simm.s32 $0x200;
	[sflag:s16] =	ssyncadd.s32 $0xFFFFFFB0  }
.LBB2_1:
0x45: {  	[dreg:$0x11] =	wrdreg s7  }
0x46: {  	s0 =	rddreg [dreg:$0x8]  }
0x47: {  	s25 =	rddreg [dreg:$0x9]  }
0x48: {  	[tilespmem:s4], [sflag:$0x1] =	stream.linear.gather [hbm4b:s0+s4], $0x100, $0x38;
	[tilespmem:$0x1F100] =	vst v63  }
0x49: {  	s7 =	simm.s32 $0x100;
	s30 =	rddreg [dreg:$0x5]  }
0x4a: {  	[tilespmem:s7], [sflag:$0x2] =	stream.linear.gather [hbm4b:s25+s4], $0x100, $0x38;
	[tilespmem:$0x1F100] =	vst v63  }
0x4b: {  	[spmem:s10], [sflag:s17] =	dma.local [hbm:s30], $0x2800  }
0x4c: {  	_ =	swait.ge [sflag:s16], $0x2800  }
0x4d: {  	s20 =	rddreg [dreg:$0xb]  }
0x4e: {  	[sflag:s16] =	ssyncset.done $0x0;
	s30 =	rddreg [dreg:$0x6];
	s25 =	sshrl.u32 s20, $0x3  }
0x4f: {  	[sflag:s16] =	ssyncadd.s32 $0xFFFFD800;
	[dreg:$0x12] =	wrdreg s25  }
0x50: {  	[spmem:s25], [sflag:s17] =	dma.local [hbm:s30], $0x50  }
0x51: {  	_ =	swait.ge [sflag:s16], $0x50  }
0x52: {  	[sflag:s16] =	ssyncset.done $0x0  }
0x53: {  	s20 =	simm.s32 $0xAE00;
	s17 =	rddreg [dreg:$0x7];
	[sflag:s16] =	ssyncadd.s32 $0xFFFFFFB0  }
0x54: {  	[tilespmem:s20], [sflag:$0xE] =	stream.linear.gather [hbm4b:s17+s4], $0x80, $0x38;
	[tilespmem:$0x1F100] =	vst v63  }
0x55: {  	_ =	swait.ge [sflag:s16], $0x80  }
0x56: {  	[sflag:s16] =	ssyncset.done $0x0  }
0x57: {  	s25 =	simm.s32 $0x1;
	[sflag:s16] =	ssyncadd.s32 $0xFFFFFF80  }
0x58: {  	_ =	swait.ge [sflag:s25], $0x100  }
0x59: {  	[sflag:s25] =	ssyncset.done $0x0  }
0x5a: {  	[sflag:s25] =	ssyncadd.s32 $0xFFFFFF00  }
0x5b: {  	v1 =	vld [tilespmem:$0x0]  }
0x5c: {  	v2 =	vld [tilespmem:$0x10]  }
0x5d: {  	v3 =	vld [tilespmem:$0x20]  }
0x5e: {  	v4 =	vld [tilespmem:$0x30]  }
0x5f: {  	v5 =	vld [tilespmem:$0x40]  }
0x60: {  	v6 =	vld [tilespmem:$0x50];
	v1 =	vshll.u32 v1, $0x1  }
0x61: {  	v7 =	vld [tilespmem:$0x60];
	v2 =	vshll.u32 v2, $0x1;
	v1 =	vor.u32 v0, v1  }
0x62: {  	[tilespmem:$0x0] =	vst v1;
	v1 =	vor.u32 v0, v2;
	v2 =	vshll.u32 v3, $0x1  }
0x63: {  	[tilespmem:$0x10] =	vst v1;
	v1 =	vor.u32 v0, v2;
	v2 =	vshll.u32 v4, $0x1  }
0x64: {  	[tilespmem:$0x20] =	vst v1;
	v1 =	vor.u32 v0, v2;
	v2 =	vshll.u32 v5, $0x1  }
0x65: {  	[tilespmem:$0x30] =	vst v1;
	v1 =	vor.u32 v0, v2;
	v2 =	vshll.u32 v6, $0x1  }
0x66: {  	[tilespmem:$0x40] =	vst v1;
	v1 =	vor.u32 v0, v2;
	v2 =	vshll.u32 v7, $0x1  }
0x67: {  	[tilespmem:$0x50] =	vst v1;
	v1 =	vor.u32 v0, v2  }
0x68: {  	s30 =	simm.s32 $0x2;
	[tilespmem:$0x60] =	vst v1  }
0x69: {  	[tilespmem:s24], [sflag:$0x7] =	stream.indirect.gather [hbm4b:s1+s22], $0x80, s4, s22, $0xb8;
	[tilespmem:$0x1F100] =	vst v63  }
0x6a: {  	_ =	swait.ge [sflag:s30], $0x100  }
0x6b: {  	[sflag:s30] =	ssyncset.done $0x0  }
0x6c: {  	[sflag:s30] =	ssyncadd.s32 $0xFFFFFF00  }
0x6d: {  	v1 =	vld [tilespmem:$0x100]  }
0x6e: {  	v2 =	vld [tilespmem:$0x110]  }
0x6f: {  	v3 =	vld [tilespmem:$0x120]  }
0x70: {  	v60 =	vld [tilespmem:$0x130]  }
0x71: {  	v61 =	vld [tilespmem:$0x140]  }
0x72: {  	v62 =	vld [tilespmem:$0x150];
	v1 =	vshll.u32 v1, $0x1  }
0x73: {  	v63 =	vld [tilespmem:$0x160];
	v2 =	vshll.u32 v2, $0x1;
	v1 =	vor.u32 v0, v1  }
0x74: {  	[tilespmem:$0x100] =	vst v1;
	v1 =	vor.u32 v0, v2;
	v2 =	vshll.u32 v3, $0x1  }
0x75: {  	[tilespmem:$0x110] =	vst v1;
	v1 =	vor.u32 v0, v2;
	v2 =	vshll.u32 v60, $0x1  }
0x76: {  	[tilespmem:$0x120] =	vst v1;
	v1 =	vor.u32 v0, v2;
	v2 =	vshll.u32 v61, $0x1  }
0x77: {  	[tilespmem:$0x130] =	vst v1;
	v1 =	vor.u32 v0, v2;
	v2 =	vshll.u32 v62, $0x1  }
0x78: {  	[tilespmem:$0x140] =	vst v1;
	v1 =	vor.u32 v0, v2;
	v2 =	vshll.u32 v63, $0x1  }
0x79: {  	[tilespmem:$0x150] =	vst v1;
	v1 =	vor.u32 v0, v2  }
0x7a: {  	[tilespmem:$0x160] =	vst v1  }
0x7b: {  	[tilespmem:s26], [sflag:$0x8] =	stream.indirect.gather [hbm4b:s1+s22], $0x80, s7, s22, $0xb8;
	[tilespmem:$0x1F100] =	vst v63  }
0x7c: {  	s10 =	simm.s32 $0x100;
	s17 =	simm.s32 $0x0;
	[bflag:$0x0] =	sbarrier.arrive $0xFFFF  }
.LBB2_2:
0x7d: {  	p4 =	seq.s32 s17, $0x0  }
.Ltmp2:
0x7e: {  	_ = 	snop;
	(pc) =	sbr.rel @p4 .LBB2_4-.Ltmp2, $1  }
0x7f: {  	_ =	sdelay $0x3  }
0x80: {  	s0 =	simm.s32 $0x1  }
0x81: {  	_ =	swait.ge [sflag:s0], $0x100  }
0x82: {  	[sflag:s0] =	ssyncset.done $0x0  }
0x83: {  	[sflag:s0] =	ssyncadd.s32 $0xFFFFFF00  }
0x84: {  	v1 =	vld [tilespmem:$0x0]  }
0x85: {  	v2 =	vld [tilespmem:$0x10]  }
0x86: {  	v3 =	vld [tilespmem:$0x20]  }
0x87: {  	v4 =	vld [tilespmem:$0x30]  }
0x88: {  	v5 =	vld [tilespmem:$0x40]  }
0x89: {  	v6 =	vld [tilespmem:$0x50];
	v1 =	vshll.u32 v1, $0x1  }
0x8a: {  	v7 =	vld [tilespmem:$0x60];
	v2 =	vshll.u32 v2, $0x1;
	v1 =	vor.u32 v0, v1  }
0x8b: {  	[tilespmem:$0x0] =	vst v1;
	v1 =	vor.u32 v0, v2;
	v2 =	vshll.u32 v3, $0x1  }
0x8c: {  	[tilespmem:$0x10] =	vst v1;
	v1 =	vor.u32 v0, v2;
	v2 =	vshll.u32 v4, $0x1  }
0x8d: {  	[tilespmem:$0x20] =	vst v1;
	v1 =	vor.u32 v0, v2;
	v2 =	vshll.u32 v5, $0x1  }
0x8e: {  	[tilespmem:$0x30] =	vst v1;
	v1 =	vor.u32 v0, v2;
	v2 =	vshll.u32 v6, $0x1  }
0x8f: {  	[tilespmem:$0x40] =	vst v1;
	v1 =	vor.u32 v0, v2;
	v2 =	vshll.u32 v7, $0x1  }
0x90: {  	[tilespmem:$0x50] =	vst v1;
	v1 =	vor.u32 v0, v2  }
0x91: {  	[tilespmem:$0x60] =	vst v1  }
0x92: {  	_ =	swait.ge [sflag:s28], $0x3800  }
0x93: {  	[sflag:s28] =	ssyncset.done $0x0  }
0x94: {  	[sflag:s28] =	ssyncadd.s32 $0xFFFFC800  }
0x95: {  	[tilespmem:s24], [sflag:$0x7] =	stream.indirect.gather [hbm4b:s1+s22], $0x80, s4, s22, $0xb8;
	[tilespmem:$0x1F100] =	vst v63  }
0x96: {  	_ =	swait.ge [sflag:s29], $0x3800  }
0x97: {  	[sflag:s29] =	ssyncset.done $0x0  }
0x98: {  	s20 =	simm.s32 $0x580;
	s7 =	simm.s32 @!p1 $0xD;
	[sflag:s29] =	ssyncadd.s32 $0xFFFFC800  }
0x99: {  	[spmem:s2] =	stream.indirect.scatter.add.f32 [tilespmem:s31], [sflag:$0xC], $0x80, s20, s22, $0xb8;
	[tilespmem:$0x1F100] =	vst v63  }
0x9a: {  	_ =	swait.ge @!p1 [sflag:s7], $0x70  }
0x9b: {  	s16 =	simm.s32 @!p1 $0x580;
	s25 =	sadd.s32 s17, s15;
	[sflag:s7] =	ssyncset.done @!p1 $0x0  }
0x9c: {  	s20 =	simm.s32 @!p1 $0xAE00;
	[sflag:s7] =	ssyncadd.s32 @!p1 $0xFFFFFF90;
	s7 =	simm.s32 @!p1 $0x70  }
0x9d: {  	[spmem:s3] =	stream.indirect.scatter.add.f32 @!p1 [tilespmem:s20], [sflag:$0xD], $0x1, s16, s7, $0xb8;
	[tilespmem:$0x1F100] =	vst v63  }
0x9e: {  	s30 =	simm.s32 $0x2;
	s7 =	sadd.s32 $0x40, s25  }
0x9f: {  	[tilespmem:s21], [sflag:$0x3] =	stream.linear.gather [hbm4b:s7+s4], $0x100, $0x38;
	[tilespmem:$0x1F100] =	vst v63  }
0xa0: {  	_ =	swait.ge [sflag:s30], $0x100  }
0xa1: {  	[sflag:s30] =	ssyncset.done $0x0  }
0xa2: {  	[sflag:s30] =	ssyncadd.s32 $0xFFFFFF00  }
0xa3: {  	v1 =	vld [tilespmem:$0x100]  }
0xa4: {  	v2 =	vld [tilespmem:$0x110]  }
0xa5: {  	v3 =	vld [tilespmem:$0x120]  }
0xa6: {  	v60 =	vld [tilespmem:$0x130]  }
0xa7: {  	v61 =	vld [tilespmem:$0x140]  }
0xa8: {  	v62 =	vld [tilespmem:$0x150];
	v1 =	vshll.u32 v1, $0x1  }
0xa9: {  	v63 =	vld [tilespmem:$0x160];
	v2 =	vshll.u32 v2, $0x1;
	v1 =	vor.u32 v0, v1  }
0xaa: {  	[tilespmem:$0x100] =	vst v1;
	v1 =	vor.u32 v0, v2;
	v2 =	vshll.u32 v3, $0x1  }
0xab: {  	[tilespmem:$0x110] =	vst v1;
	v1 =	vor.u32 v0, v2;
	v2 =	vshll.u32 v60, $0x1  }
0xac: {  	[tilespmem:$0x120] =	vst v1;
	v1 =	vor.u32 v0, v2;
	v2 =	vshll.u32 v61, $0x1  }
0xad: {  	[tilespmem:$0x130] =	vst v1;
	v1 =	vor.u32 v0, v2;
	v2 =	vshll.u32 v62, $0x1  }
0xae: {  	[tilespmem:$0x140] =	vst v1;
	v1 =	vor.u32 v0, v2;
	v2 =	vshll.u32 v63, $0x1  }
0xaf: {  	[tilespmem:$0x150] =	vst v1;
	v1 =	vor.u32 v0, v2  }
.Ltmp3:
0xb0: {  	[tilespmem:$0x160] =	vst v1;
	(pc) =	sbr.rel .LBB2_5-.Ltmp3, $4  }
0xb1: {  	_ =	swait.ge [sflag:s6], $0x3800  }
0xb2: {  	[sflag:s6] =	ssyncset.done $0x0  }
0xb3: {  	[sflag:s6] =	ssyncadd.s32 $0xFFFFC800  }
0xb4: {  	[tilespmem:s26], [sflag:$0x8] =	stream.indirect.gather [hbm4b:s1+s22], $0x80, s10, s22, $0xb8;
	[tilespmem:$0x1F100] =	vst v63  }
.LBB2_4:
0xb5: {  	s0 =	rddreg [dreg:$0xc]  }
0xb6: {  	[tilespmem:s21], [sflag:$0x3] =	stream.linear.gather [hbm4b:s0+s4], $0x100, $0x38;
	[tilespmem:$0x1F100] =	vst v63  }
.LBB2_5:
0xb7: {  	p5 =	seq.s32 @!p2 s17, $0x0  }
0xb8: {  	p5 =	por p2, p5  }
.Ltmp4:
0xb9: {  	_ = 	snop;
	(pc) =	sbr.rel @p5 .LBB2_7-.Ltmp4, $4  }
0xba: {  	_ =	swait.ge [sflag:s5], $0x3800  }
0xbb: {  	[sflag:s5] =	ssyncset.done $0x0  }
0xbc: {  	s0 =	simm.s32 $0x80;
	[sflag:s5] =	ssyncadd.s32 $0xFFFFC800  }
0xbd: {  	[spmem:s2] =	stream.indirect.scatter.add.f32 [tilespmem:s24], [sflag:$0xA], $0x80, s0, s22, $0xb8;
	[tilespmem:$0x1F100] =	vst v63  }
0xbe: {  	_ =	swait.ge [sflag:s8], $0x70  }
0xbf: {  	[sflag:s8] =	ssyncset.done $0x0  }
0xc0: {  	[sflag:s8] =	ssyncadd.s32 $0xFFFFFF90  }
.LBB2_8:
0xc1: {  	s0 =	simm.s32 $0xAE00;
	s7 =	simm.s32 $0x80  }
0xc2: {  	[spmem:s3] =	stream.indirect.scatter.add.f32 [tilespmem:s0], [sflag:$0xD], $0x1, s7, s22, $0xb8;
	[tilespmem:$0x1F100] =	vst v63  }
.LBB2_9:
0xc3: {  	s30 =	sadd.s32 s17, s15  }
0xc4: {  	s0 =	simm.s32 $0x300;
	s7 =	sadd.s32 $0x60, s30  }
0xc5: {  	[tilespmem:s0], [sflag:$0x4] =	stream.linear.gather [hbm4b:s7+s4], $0x100, $0x38;
	[tilespmem:$0x1F100] =	vst v63  }
0xc6: {  	_ =	swait.ge [sflag:s12], $0x100  }
0xc7: {  	[sflag:s12] =	ssyncset.done $0x0  }
0xc8: {  	[sflag:s12] =	ssyncadd.s32 $0xFFFFFF00  }
0xc9: {  	v1 =	vld [tilespmem:$0x200]  }
0xca: {  	v2 =	vld [tilespmem:$0x210]  }
0xcb: {  	v3 =	vld [tilespmem:$0x220]  }
0xcc: {  	v4 =	vld [tilespmem:$0x230]  }
0xcd: {  	v5 =	vld [tilespmem:$0x240]  }
0xce: {  	v6 =	vld [tilespmem:$0x250];
	v1 =	vshll.u32 v1, $0x1  }
0xcf: {  	v7 =	vld [tilespmem:$0x260];
	v2 =	vshll.u32 v2, $0x1;
	v1 =	vor.u32 v0, v1  }
0xd0: {  	[tilespmem:$0x200] =	vst v1;
	v1 =	vor.u32 v0, v2;
	v2 =	vshll.u32 v3, $0x1  }
0xd1: {  	[tilespmem:$0x210] =	vst v1;
	v1 =	vor.u32 v0, v2;
	v2 =	vshll.u32 v4, $0x1  }
0xd2: {  	[tilespmem:$0x220] =	vst v1;
	v1 =	vor.u32 v0, v2;
	v2 =	vshll.u32 v5, $0x1  }
0xd3: {  	[tilespmem:$0x230] =	vst v1;
	v1 =	vor.u32 v0, v2;
	v2 =	vshll.u32 v6, $0x1  }
0xd4: {  	[tilespmem:$0x240] =	vst v1;
	v1 =	vor.u32 v0, v2;
	v2 =	vshll.u32 v7, $0x1  }
0xd5: {  	[tilespmem:$0x250] =	vst v1;
	v1 =	vor.u32 v0, v2  }
0xd6: {  	s7 =	simm.s32 @!p4 $0xC;
	[tilespmem:$0x260] =	vst v1  }
0xd7: {  	_ =	swait.ge @!p4 [sflag:s7], $0x3800  }
0xd8: {  	[sflag:s7] =	ssyncset.done @!p4 $0x0  }
0xd9: {  	[sflag:s7] =	ssyncadd.s32 @!p4 $0xFFFFC800  }
0xda: {  	[tilespmem:s31], [sflag:$0x9] =	stream.indirect.gather [hbm4b:s1+s22], $0x80, s21, s22, $0xb8;
	[tilespmem:$0x1F100] =	vst v63  }
0xdb: {  	_ =	swait.ge [sflag:s14], $0x3800  }
0xdc: {  	p4 =	por p4, p3;
	[sflag:s14] =	ssyncset.done $0x0  }
0xdd: {  	s21 =	simm.s32 $0x180;
	s7 =	simm.s32 @!p4 $0xD;
	[sflag:s14] =	ssyncadd.s32 $0xFFFFC800  }
0xde: {  	[spmem:s2] =	stream.indirect.scatter.add.f32 [tilespmem:s26], [sflag:$0xB], $0x80, s21, s22, $0xb8;
	[tilespmem:$0x1F100] =	vst v63  }
0xdf: {  	_ =	swait.ge @!p4 [sflag:s7], $0x70  }
0xe0: {  	s16 =	simm.s32 @p0 $0x70;
	[sflag:s7] =	ssyncset.done @!p4 $0x0  }
0xe1: {  	s20 =	simm.s32 @p0 $0xAE00;
	[sflag:s7] =	ssyncadd.s32 @!p4 $0xFFFFFF90;
	s7 =	simm.s32 @p0 $0x180  }
0xe2: {  	[spmem:s3] =	stream.indirect.scatter.add.f32 @p0 [tilespmem:s20], [sflag:$0xD], $0x1, s7, s16, $0xb8;
	[tilespmem:$0x1F100] =	vst v63  }
0xe3: {  	s25 =	sadd.s32 $0x80, s30  }
0xe4: {  	[tilespmem:s23], [sflag:$0x5] =	stream.linear.gather [hbm4b:s25+s4], $0x100, $0x38;
	[tilespmem:$0x1F100] =	vst v63  }
0xe5: {  	_ =	swait.ge [sflag:s9], $0x100  }
0xe6: {  	[sflag:s9] =	ssyncset.done $0x0  }
0xe7: {  	[sflag:s9] =	ssyncadd.s32 $0xFFFFFF00  }
0xe8: {  	v1 =	vld [tilespmem:$0x300]  }
0xe9: {  	v2 =	vld [tilespmem:$0x310]  }
0xea: {  	v3 =	vld [tilespmem:$0x320]  }
0xeb: {  	v52 =	vld [tilespmem:$0x330]  }
0xec: {  	v53 =	vld [tilespmem:$0x340]  }
0xed: {  	v54 =	vld [tilespmem:$0x350];
	v1 =	vshll.u32 v1, $0x1  }
0xee: {  	v55 =	vld [tilespmem:$0x360];
	v2 =	vshll.u32 v2, $0x1;
	v1 =	vor.u32 v0, v1  }
0xef: {  	[tilespmem:$0x300] =	vst v1;
	v1 =	vor.u32 v0, v2;
	v2 =	vshll.u32 v3, $0x1  }
0xf0: {  	[tilespmem:$0x310] =	vst v1;
	v1 =	vor.u32 v0, v2;
	v2 =	vshll.u32 v52, $0x1  }
0xf1: {  	[tilespmem:$0x320] =	vst v1;
	v1 =	vor.u32 v0, v2;
	v2 =	vshll.u32 v53, $0x1  }
0xf2: {  	[tilespmem:$0x330] =	vst v1;
	v1 =	vor.u32 v0, v2;
	v2 =	vshll.u32 v54, $0x1  }
0xf3: {  	[tilespmem:$0x340] =	vst v1;
	v1 =	vor.u32 v0, v2;
	v2 =	vshll.u32 v55, $0x1  }
0xf4: {  	[tilespmem:$0x350] =	vst v1;
	v1 =	vor.u32 v0, v2  }
0xf5: {  	[tilespmem:$0x360] =	vst v1  }
0xf6: {  	_ =	swait.ge [sflag:s28], $0x3800  }
0xf7: {  	[sflag:s28] =	ssyncset.done $0x0  }
0xf8: {  	[sflag:s28] =	ssyncadd.s32 $0xFFFFC800  }
0xf9: {  	[tilespmem:s24], [sflag:$0x7] =	stream.indirect.gather [hbm4b:s1+s22], $0x80, s0, s22, $0xb8;
	[tilespmem:$0x1F100] =	vst v63  }
0xfa: {  	_ =	swait.ge [sflag:s29], $0x3800  }
0xfb: {  	[sflag:s29] =	ssyncset.done $0x0  }
0xfc: {  	s21 =	simm.s32 @!p2 $0xD;
	s7 =	simm.s32 $0x280;
	[sflag:s29] =	ssyncadd.s32 $0xFFFFC800  }
0xfd: {  	[spmem:s2] =	stream.indirect.scatter.add.f32 [tilespmem:s31], [sflag:$0xC], $0x80, s7, s22, $0xb8;
	[tilespmem:$0x1F100] =	vst v63  }
0xfe: {  	_ =	swait.ge @!p2 [sflag:s21], $0x70  }
0xff: {  	s25 =	simm.s32 @!p2 $0xAE00;
	[sflag:s21] =	ssyncset.done @!p2 $0x0  }
0x100: {  	s0 =	simm.s32 @!p2 $0x280;
	s7 =	simm.s32 @!p2 $0x70;
	[sflag:s21] =	ssyncadd.s32 @!p2 $0xFFFFFF90  }
0x101: {  	[spmem:s3] =	stream.indirect.scatter.add.f32 @!p2 [tilespmem:s25], [sflag:$0xD], $0x1, s0, s7, $0xb8;
	[tilespmem:$0x1F100] =	vst v63  }
0x102: {  	s0 =	sadd.s32 $0xA0, s30  }
0x103: {  	[tilespmem:s11], [sflag:$0x6] =	stream.linear.gather [hbm4b:s0+s4], $0x100, $0x38;
	[tilespmem:$0x1F100] =	vst v63  }
0x104: {  	_ =	swait.ge [sflag:s18], $0x100  }
0x105: {  	[sflag:s18] =	ssyncset.done $0x0  }
0x106: {  	[sflag:s18] =	ssyncadd.s32 $0xFFFFFF00  }
0x107: {  	v1 =	vld [tilespmem:$0x400]  }
0x108: {  	v2 =	vld [tilespmem:$0x410]  }
0x109: {  	v3 =	vld [tilespmem:$0x420]  }
0x10a: {  	v56 =	vld [tilespmem:$0x430]  }
0x10b: {  	v57 =	vld [tilespmem:$0x440]  }
0x10c: {  	v58 =	vld [tilespmem:$0x450];
	v1 =	vshll.u32 v1, $0x1  }
0x10d: {  	v59 =	vld [tilespmem:$0x460];
	v2 =	vshll.u32 v2, $0x1;
	v1 =	vor.u32 v0, v1  }
0x10e: {  	[tilespmem:$0x400] =	vst v1;
	v1 =	vor.u32 v0, v2;
	v2 =	vshll.u32 v3, $0x1  }
0x10f: {  	[tilespmem:$0x410] =	vst v1;
	v1 =	vor.u32 v0, v2;
	v2 =	vshll.u32 v56, $0x1  }
0x110: {  	[tilespmem:$0x420] =	vst v1;
	v1 =	vor.u32 v0, v2;
	v2 =	vshll.u32 v57, $0x1  }
0x111: {  	[tilespmem:$0x430] =	vst v1;
	v1 =	vor.u32 v0, v2;
	v2 =	vshll.u32 v58, $0x1  }
0x112: {  	[tilespmem:$0x440] =	vst v1;
	v1 =	vor.u32 v0, v2;
	v2 =	vshll.u32 v59, $0x1  }
0x113: {  	[tilespmem:$0x450] =	vst v1;
	v1 =	vor.u32 v0, v2  }
0x114: {  	[tilespmem:$0x460] =	vst v1  }
0x115: {  	_ =	swait.ge [sflag:s6], $0x3800  }
0x116: {  	[sflag:s6] =	ssyncset.done $0x0  }
0x117: {  	[sflag:s6] =	ssyncadd.s32 $0xFFFFC800  }
0x118: {  	[tilespmem:s26], [sflag:$0x8] =	stream.indirect.gather [hbm4b:s1+s22], $0x80, s23, s22, $0xb8;
	[tilespmem:$0x1F100] =	vst v63  }
0x119: {  	_ =	swait.ge [sflag:s5], $0x3800  }
0x11a: {  	[sflag:s5] =	ssyncset.done $0x0  }
0x11b: {  	s0 =	simm.s32 $0x380;
	[sflag:s5] =	ssyncadd.s32 $0xFFFFC800  }
0x11c: {  	[spmem:s2] =	stream.indirect.scatter.add.f32 [tilespmem:s24], [sflag:$0xA], $0x80, s0, s22, $0xb8;
	[tilespmem:$0x1F100] =	vst v63  }
0x11d: {  	s0 =	simm.s32 @p0 $0xD  }
0x11e: {  	_ =	swait.ge @p0 [sflag:s0], $0x70  }
0x11f: {  	[sflag:s0] =	ssyncset.done @p0 $0x0  }
0x120: {  	p4 =	seq.s32 s17, $0xA80;
	[sflag:s0] =	ssyncadd.s32 @p0 $0xFFFFFF90;
	s0 =	simm.s32 @p0 $0x380  }
0x121: {  	[spmem:s3] =	stream.indirect.scatter.add.f32 @p0 [tilespmem:s20], [sflag:$0xD], $0x1, s0, s16, $0xb8;
	[tilespmem:$0x1F100] =	vst v63  }
0x122: {  	s0 =	sadd.s32 @!p4 s17, s15  }
0x123: {  	s16 =	simm.s32 @!p4 $0x0;
	s0 =	sadd.s32 @!p4 $0xC0, s0  }
0x124: {  	[tilespmem:s16], [sflag:$0x1] =	stream.linear.gather @!p4 [hbm4b:s0+s16], $0x100, $0x38;
	[tilespmem:$0x1F100] =	vst v63  }
0x125: {  	_ =	swait.ge [sflag:s13], $0x100  }
0x126: {  	[sflag:s13] =	ssyncset.done $0x0  }
0x127: {  	[sflag:s13] =	ssyncadd.s32 $0xFFFFFF00  }
0x128: {  	v1 =	vld [tilespmem:$0x500]  }
0x129: {  	v2 =	vld [tilespmem:$0x510]  }
0x12a: {  	v3 =	vld [tilespmem:$0x520]  }
0x12b: {  	v60 =	vld [tilespmem:$0x530]  }
0x12c: {  	v61 =	vld [tilespmem:$0x540]  }
0x12d: {  	v62 =	vld [tilespmem:$0x550];
	v1 =	vshll.u32 v1, $0x1  }
0x12e: {  	v63 =	vld [tilespmem:$0x560];
	v2 =	vshll.u32 v2, $0x1;
	v1 =	vor.u32 v0, v1  }
0x12f: {  	[tilespmem:$0x500] =	vst v1;
	v1 =	vor.u32 v0, v2;
	v2 =	vshll.u32 v3, $0x1  }
0x130: {  	[tilespmem:$0x510] =	vst v1;
	v1 =	vor.u32 v0, v2;
	v2 =	vshll.u32 v60, $0x1  }
0x131: {  	[tilespmem:$0x520] =	vst v1;
	v1 =	vor.u32 v0, v2;
	v2 =	vshll.u32 v61, $0x1  }
0x132: {  	[tilespmem:$0x530] =	vst v1;
	v1 =	vor.u32 v0, v2;
	v2 =	vshll.u32 v62, $0x1  }
0x133: {  	[tilespmem:$0x540] =	vst v1;
	v1 =	vor.u32 v0, v2;
	v2 =	vshll.u32 v63, $0x1  }
0x134: {  	[tilespmem:$0x550] =	vst v1;
	v1 =	vor.u32 v0, v2  }
0x135: {  	[tilespmem:$0x560] =	vst v1  }
0x136: {  	_ =	swait.ge [sflag:s19], $0x3800  }
0x137: {  	[sflag:s19] =	ssyncset.done $0x0  }
0x138: {  	[sflag:s19] =	ssyncadd.s32 $0xFFFFC800  }
0x139: {  	[tilespmem:s31], [sflag:$0x9] =	stream.indirect.gather [hbm4b:s1+s22], $0x80, s11, s22, $0xb8;
	[tilespmem:$0x1F100] =	vst v63  }
0x13a: {  	_ =	swait.ge [sflag:s14], $0x3800  }
0x13b: {  	[sflag:s14] =	ssyncset.done $0x0  }
0x13c: {  	s20 =	simm.s32 $0x480;
	[sflag:s14] =	ssyncadd.s32 $0xFFFFC800  }
0x13d: {  	[spmem:s2] =	stream.indirect.scatter.add.f32 [tilespmem:s26], [sflag:$0xB], $0x80, s20, s22, $0xb8;
	[tilespmem:$0x1F100] =	vst v63  }
.Ltmp5:
0x13e: {  	_ = 	snop;
	(pc) =	sbr.rel @p4 .LBB2_11-.Ltmp5, $4  }
0x13f: {  	_ =	swait.ge @!p2 [sflag:s21], $0x70  }
0x140: {  	[sflag:s21] =	ssyncset.done @!p2 $0x0  }
0x141: {  	s0 =	simm.s32 @!p2 $0x480;
	[sflag:s21] =	ssyncadd.s32 @!p2 $0xFFFFFF90  }
0x142: {  	[spmem:s3] =	stream.indirect.scatter.add.f32 @!p2 [tilespmem:s25], [sflag:$0xD], $0x1, s0, s7, $0xb8;
	[tilespmem:$0x1F100] =	vst v63  }
.Ltmp6:
0x143: {  	(pc) =	sbr.rel .LBB2_2-.Ltmp6, $3  }
0x144: {  	_ =	sdelay $0x1  }
0x145: {  	s0 =	sadd.s32 $0xE0, s30;
	s17 =	sadd.s32 $0xC0, s17;
	s21 =	simm.s32 $0x200  }
0x146: {  	[tilespmem:s10], [sflag:$0x2] =	stream.linear.gather [hbm4b:s0+s4], $0x100, $0x38;
	[tilespmem:$0x1F100] =	vst v63  }
.LBB2_7:
.Ltmp7:
0x147: {  	(pc) =	sbr.rel @p2 .LBB2_9-.Ltmp7, $4  }
.Ltmp8:
0x148: {  	(pc) =	sbr.rel @!p2 .LBB2_8-.Ltmp8, $4  }
0x149: {  	_ = 	snop  }
0x14a: {  	_ = 	snop  }
0x14b: {  	_ = 	snop  }
0x14c: {  	_ = 	snop  }
.LBB2_12:
0x14d: {  	_ =	sfence.sel $0x180000  }
0x14e: {  	[bflag:$0x0] =	sbarrier.arrive $0xFFFF  }
0x14f: {  	_ =	strace $0x90000047  }
0x150: {  	s0 =	stileid.u32;
	[bflag:$0x2] =	sbarrier.arrive $0xFFFF  }
0x151: {  	p0 =	sne.s32 s0, $0x0;
	s0 =	rddreg [dreg:$0x4]  }
0x152: {  	s0 =	sadd.s32 @!p0 $0x100000, s0  }
0x153: {  	[sflag:s0] =	ssyncadd.tile.s32 @!p0 $0x1;
	_ =	shalt  }
.Lfunc_end2:
_tile_overlayer_lowered:
.L_overlay_start_2:
0x154: {  	(tag) =	ssettag $0x2  }
0x155: {  	s0 =	rddreg [dreg:$0x0];
	s2 =	stileid.u32  }
0x156: {  	s1 =	rddreg [dreg:$0x1];
	p0 =	sne.s32 s2, $0x0  }
0x157: {  	s3 =	rddreg [dreg:$0x2];
	[bflag:$0x3] =	sbarrier.arrive $0xFFFF;
	s2 =	simm.s32 @!p0 $0x1C0E  }
0x158: {  	[timem:s3], [sflag:s2] =	dma.local @!p0 [hbm:s0], s1  }
0x159: {  	s0 =	simm.s32 @!p0 $0xE  }
0x15a: {  	_ =	swait.ge @!p0 [sflag:s0], s1  }
0x15b: {  	s1 =	ssub.s32 @!p0 $0x0, s1;
	[sflag:s0] =	ssyncset.done @!p0 $0x0  }
0x15c: {  	[sflag:s0] =	ssyncadd.s32 @!p0 s1  }
0x15d: {  	[bflag:$0x3] =	sbarrier.arrive $0xFFFF  }
0x15e: {  	_ =	shalt  }

</sc_bundles>
